<compile_context>
chip_gen: v7x
topology: tpu7x:2x2x1
jax: 0.10.2.dev20260603
libtpu: 0.0.44.dev20260713+nightly
codegen_flags: <defaults>
</compile_context>

<pallas_src>
import functools

import jax
import jax.numpy as jnp
from jax import lax
from jax.experimental import pallas as pl
from jax.experimental.pallas import tpu as pltpu
from jax.experimental.pallas import tpu_sc as plsc


def kernel(indices, values):
    B, H = indices.shape
    V, D = values.shape
    N = B * H

    info = plsc.get_sparse_core_info()
    NC, NS = info.num_cores, info.num_subcores
    NW = NC * NS
    n_per_w = N // NW
    n_batches = B // NW
    n_chunks = n_batches
    NBUF = 8
    n_outer = n_chunks // NBUF

    idx_in = indices.astype(jnp.int32)

    @functools.partial(
        pl.kernel,
        mesh=plsc.VectorSubcoreMesh(core_axis_name="c", subcore_axis_name="s"),
        out_type=jax.ShapeDtypeStruct((N, D), jnp.float32),
        scratch_types=[
            pltpu.VMEM((B // NW, H), jnp.int32),
            pltpu.VMEM((NBUF, H, D), jnp.float32),
        ]
        + [pltpu.SemaphoreType.DMA] * (2 * NBUF),
        compiler_params=pltpu.CompilerParams(use_tc_tiling_on_sc=False),
    )
    def gather_kernel(table_hbm, idx_hbm, out_hbm, idx_v2d, rows_v, *sems):
        gsem = sems[:NBUF]
        wsem = sems[NBUF:]
        wid = lax.axis_index("s") * NC + lax.axis_index("c")
        base = wid * n_per_w

        pltpu.sync_copy(
            idx_hbm.at[pl.ds(wid * n_batches, n_batches), :], idx_v2d
        )

        def gather_start(i, k):
            pltpu.async_copy(
                table_hbm.at[idx_v2d.at[i]], rows_v.at[k], gsem[k]
            )

        def gather_wait(i, k):
            pltpu.make_async_copy(
                table_hbm.at[idx_v2d.at[i]], rows_v.at[k], gsem[k]
            ).wait()

        def write_start(i, k):
            pltpu.async_copy(
                rows_v.at[k], out_hbm.at[pl.ds(base + i * H, H)], wsem[k]
            )

        def write_wait(k):
            pltpu.make_async_copy(
                rows_v.at[k], out_hbm.at[pl.ds(base, H)], wsem[k]
            ).wait()

        SLACK = 2
        for k in range(NBUF - SLACK):
            gather_start(k, k)

        def step(i, k, first):
            gather_wait(i, k)
            write_start(i, k)
            gb = (k - SLACK) % NBUF
            if not (first and k < SLACK):
                write_wait(gb)
            gather_start(i + NBUF - SLACK, gb)

        for k in range(NBUF):
            step(k, k, True)

        def outer(o, carry):
            for k in range(NBUF):
                step(o * NBUF + k, k, False)
            return carry

        lax.fori_loop(1, n_outer - 1, outer, 0)

        for k in range(NBUF):
            i = (n_outer - 1) * NBUF + k
            gather_wait(i, k)
            write_start(i, k)
            if k < SLACK:
                gb = (k - SLACK) % NBUF
                write_wait(gb)
                gather_start(i + NBUF - SLACK, gb)
        for k in range(NBUF):
            write_wait(k)

    out = gather_kernel(values, idx_in)
    return out.reshape(B, H, D)

# --- scband reference (transcript-rebuilt; emitter-appended) ---
"""Pipeline reference for scband-select-2422361555653 (READ-ONLY COPY).

The authoritative reference and input builder live on the scoring server;
editing this copy changes nothing except your own understanding.
"""

import jax, jax.numpy as jnp
import numpy as np
import math

NUM_EMB = 100000
EMB_DIM = 64
BATCH = 4096
HIST = 50

def setup_inputs(seed: int = 0) -> dict:
    key = jax.random.key(seed)
    k_idx, k_val = jax.random.split(key)
    indices = jax.random.randint(k_idx, (BATCH, HIST), 0, NUM_EMB, dtype=jnp.int64 if jax.config.jax_enable_x64 else jnp.int32)
    bound = 1.0 / math.sqrt(NUM_EMB * EMB_DIM)
    values = jax.random.normal(k_val, (NUM_EMB, EMB_DIM), dtype=jnp.float32) * bound
    return {"indices": indices, "values": values}

def reference(indices, values):
    # Faithful translation of: return self.values[indices, :]
    return jnp.take(values, indices, axis=0)

if __name__ == "__main__":
    import jax
    _d = setup_inputs()
    print(jax.jit(kernel)(*tuple(_d.values())))

</pallas_src>

<mosaic_0001>
#map = affine_map<(d0, d1) -> (0, 0)>
module attributes {stable_mosaic.version = 14 : i64} {
  func.func @gather_kernel(%arg0: i32, %arg1: i32, %arg2: memref<100000x64xf32, #tpu.memory_space<hbm>>, %arg3: memref<4096x50xi32, #tpu.memory_space<hbm>>, %arg4: memref<204800x64xf32, #tpu.memory_space<hbm>>, %arg5: memref<128x50xi32, #tpu.memory_space<vmem>>, %arg6: memref<8x50x64xf32, #tpu.memory_space<vmem>>, %arg7: memref<!tpu.dma_semaphore, #tpu.memory_space<semaphore_mem>>, %arg8: memref<!tpu.dma_semaphore, #tpu.memory_space<semaphore_mem>>, %arg9: memref<!tpu.dma_semaphore, #tpu.memory_space<semaphore_mem>>, %arg10: memref<!tpu.dma_semaphore, #tpu.memory_space<semaphore_mem>>, %arg11: memref<!tpu.dma_semaphore, #tpu.memory_space<semaphore_mem>>, %arg12: memref<!tpu.dma_semaphore, #tpu.memory_space<semaphore_mem>>, %arg13: memref<!tpu.dma_semaphore, #tpu.memory_space<semaphore_mem>>, %arg14: memref<!tpu.dma_semaphore, #tpu.memory_space<semaphore_mem>>, %arg15: memref<!tpu.dma_semaphore, #tpu.memory_space<semaphore_mem>>, %arg16: memref<!tpu.dma_semaphore, #tpu.memory_space<semaphore_mem>>, %arg17: memref<!tpu.dma_semaphore, #tpu.memory_space<semaphore_mem>>, %arg18: memref<!tpu.dma_semaphore, #tpu.memory_space<semaphore_mem>>, %arg19: memref<!tpu.dma_semaphore, #tpu.memory_space<semaphore_mem>>, %arg20: memref<!tpu.dma_semaphore, #tpu.memory_space<semaphore_mem>>, %arg21: memref<!tpu.dma_semaphore, #tpu.memory_space<semaphore_mem>>, %arg22: memref<!tpu.dma_semaphore, #tpu.memory_space<semaphore_mem>>) attributes {dimension_semantics = [#tpu.dimension_semantics<core_parallel>, #tpu.dimension_semantics<subcore_parallel>], iteration_bounds = array<i64: 2, 16>, scalar_prefetch = 0 : i64, scratch_operands = 18 : i64, tpu.core_type = #tpu.core_type<sc_vector_subcore>, window_params = [{transform_indices = #map}, {transform_indices = #map}, {transform_indices = #map}]} {
    %mul3A = arith.constant 2 : i32
    %mul3A_0 = arith.muli %arg1, %mul3A : i32
    %add3A = arith.addi %mul3A_0, %arg0 : i32
    %mul3A_1 = arith.constant 6400 : i32
    %mul3A_2 = arith.muli %add3A, %mul3A_1 : i32
    %mul3A_3 = arith.constant 128 : i32
    %mul3A_4 = arith.muli %add3A, %mul3A_3 : i32
    "tpu.region"() ({
      %run_scoped3A = tpu.sem_alloc : memref<!tpu.dma_semaphore, #tpu.memory_space<semaphore_mem>>
      %dma_start3A_840 = arith.constant 0 : i32
      %dma_start3A_841 = tpu.memref_slice %arg3[%mul3A_4, %dma_start3A_840] : memref<4096x50xi32, #tpu.memory_space<hbm>> -> memref<128x50xi32, #tpu.memory_space<hbm>>
      %dma_start3A_842 = arith.constant 0 : i32
      %dma_start3A_843 = tpu.memref_slice %arg3[%mul3A_4, %dma_start3A_842] : memref<4096x50xi32, #tpu.memory_space<hbm>> -> memref<128x50xi32, #tpu.memory_space<hbm>>
      tpu.enqueue_dma source(%dma_start3A_843 : memref<128x50xi32, #tpu.memory_space<hbm>>) target(%arg5 : memref<128x50xi32, #tpu.memory_space<vmem>>) target_semaphore(%run_scoped3A : memref<!tpu.dma_semaphore, #tpu.memory_space<semaphore_mem>>)
      %dma_wait3A_844 = arith.constant 0 : i32
      %dma_wait3A_845 = tpu.memref_slice %arg3[%mul3A_4, %dma_wait3A_844] : memref<4096x50xi32, #tpu.memory_space<hbm>> -> memref<128x50xi32, #tpu.memory_space<hbm>>
      %dma_wait3A_846 = arith.constant 0 : i32
      %dma_wait3A_847 = tpu.memref_slice %arg3[%mul3A_4, %dma_wait3A_846] : memref<4096x50xi32, #tpu.memory_space<hbm>> -> memref<128x50xi32, #tpu.memory_space<hbm>>
      tpu.wait_dma2 semaphore(%run_scoped3A : memref<!tpu.dma_semaphore, #tpu.memory_space<semaphore_mem>>) src(%dma_wait3A_847 : memref<128x50xi32, #tpu.memory_space<hbm>>) dst(%arg5 : memref<128x50xi32, #tpu.memory_space<vmem>>)
      tpu.yield
    }) : () -> ()
    %dma_start3A = arith.constant 0 : i32
    %dma_start3A_5 = arith.constant 0 : i32
    %dma_start3A_6 = arith.constant 0 : i32
    %dma_start3A_7 = arith.constant 0 : i32
    %dma_start3A_8 = tpu.memref_slice %arg6[%dma_start3A_5, %dma_start3A_6, %dma_start3A_7] : memref<8x50x64xf32, #tpu.memory_space<vmem>> -> memref<1x50x64xf32, #tpu.memory_space<vmem>>
    %dma_start3A_9 = tpu.memref_squeeze %dma_start3A_8 : memref<1x50x64xf32, #tpu.memory_space<vmem>> -> memref<50x64xf32, #tpu.memory_space<vmem>>
    %dma_start3A_10 = arith.constant 0 : i32
    %dma_start3A_11 = tpu.memref_slice %arg5[%dma_start3A, %dma_start3A_10] : memref<128x50xi32, #tpu.memory_space<vmem>> -> memref<1x50xi32, #tpu.memory_space<vmem>>
    %dma_start3A_12 = tpu.memref_squeeze %dma_start3A_11 : memref<1x50xi32, #tpu.memory_space<vmem>> -> memref<50xi32, #tpu.memory_space<vmem>>
    %dma_start3A_13 = arith.constant 0 : i32
    %dma_start3A_14 = arith.constant 0 : i32
    %dma_start3A_15 = tpu.memref_slice %arg2[%dma_start3A_13, %dma_start3A_14] : memref<100000x64xf32, #tpu.memory_space<hbm>> -> memref<100000x64xf32, #tpu.memory_space<hbm>>
    tpu.enqueue_indirect_dma source(%dma_start3A_15 : memref<100000x64xf32, #tpu.memory_space<hbm>>) target(%dma_start3A_9 : memref<50x64xf32, #tpu.memory_space<vmem>>) offsets(%dma_start3A_12 : memref<50xi32, #tpu.memory_space<vmem>>) semaphore(%arg7 : memref<!tpu.dma_semaphore, #tpu.memory_space<semaphore_mem>>)
    %dma_start3A_16 = arith.constant 1 : i32
    %dma_start3A_17 = arith.constant 1 : i32
    %dma_start3A_18 = arith.constant 0 : i32
    %dma_start3A_19 = arith.constant 0 : i32
    %dma_start3A_20 = tpu.memref_slice %arg6[%dma_start3A_17, %dma_start3A_18, %dma_start3A_19] : memref<8x50x64xf32, #tpu.memory_space<vmem>> -> memref<1x50x64xf32, #tpu.memory_space<vmem>>
    %dma_start3A_21 = tpu.memref_squeeze %dma_start3A_20 : memref<1x50x64xf32, #tpu.memory_space<vmem>> -> memref<50x64xf32, #tpu.memory_space<vmem>>
    %dma_start3A_22 = arith.constant 0 : i32
    %dma_start3A_23 = tpu.memref_slice %arg5[%dma_start3A_16, %dma_start3A_22] : memref<128x50xi32, #tpu.memory_space<vmem>> -> memref<1x50xi32, #tpu.memory_space<vmem>>
    %dma_start3A_24 = tpu.memref_squeeze %dma_start3A_23 : memref<1x50xi32, #tpu.memory_space<vmem>> -> memref<50xi32, #tpu.memory_space<vmem>>
    %dma_start3A_25 = arith.constant 0 : i32
    %dma_start3A_26 = arith.constant 0 : i32
    %dma_start3A_27 = tpu.memref_slice %arg2[%dma_start3A_25, %dma_start3A_26] : memref<100000x64xf32, #tpu.memory_space<hbm>> -> memref<100000x64xf32, #tpu.memory_space<hbm>>
    tpu.enqueue_indirect_dma source(%dma_start3A_27 : memref<100000x64xf32, #tpu.memory_space<hbm>>) target(%dma_start3A_21 : memref<50x64xf32, #tpu.memory_space<vmem>>) offsets(%dma_start3A_24 : memref<50xi32, #tpu.memory_space<vmem>>) semaphore(%arg8 : memref<!tpu.dma_semaphore, #tpu.memory_space<semaphore_mem>>)
    %dma_start3A_28 = arith.constant 2 : i32
    %dma_start3A_29 = arith.constant 2 : i32
    %dma_start3A_30 = arith.constant 0 : i32
    %dma_start3A_31 = arith.constant 0 : i32
    %dma_start3A_32 = tpu.memref_slice %arg6[%dma_start3A_29, %dma_start3A_30, %dma_start3A_31] : memref<8x50x64xf32, #tpu.memory_space<vmem>> -> memref<1x50x64xf32, #tpu.memory_space<vmem>>
    %dma_start3A_33 = tpu.memref_squeeze %dma_start3A_32 : memref<1x50x64xf32, #tpu.memory_space<vmem>> -> memref<50x64xf32, #tpu.memory_space<vmem>>
    %dma_start3A_34 = arith.constant 0 : i32
    %dma_start3A_35 = tpu.memref_slice %arg5[%dma_start3A_28, %dma_start3A_34] : memref<128x50xi32, #tpu.memory_space<vmem>> -> memref<1x50xi32, #tpu.memory_space<vmem>>
    %dma_start3A_36 = tpu.memref_squeeze %dma_start3A_35 : memref<1x50xi32, #tpu.memory_space<vmem>> -> memref<50xi32, #tpu.memory_space<vmem>>
    %dma_start3A_37 = arith.constant 0 : i32
    %dma_start3A_38 = arith.constant 0 : i32
    %dma_start3A_39 = tpu.memref_slice %arg2[%dma_start3A_37, %dma_start3A_38] : memref<100000x64xf32, #tpu.memory_space<hbm>> -> memref<100000x64xf32, #tpu.memory_space<hbm>>
    tpu.enqueue_indirect_dma source(%dma_start3A_39 : memref<100000x64xf32, #tpu.memory_space<hbm>>) target(%dma_start3A_33 : memref<50x64xf32, #tpu.memory_space<vmem>>) offsets(%dma_start3A_36 : memref<50xi32, #tpu.memory_space<vmem>>) semaphore(%arg9 : memref<!tpu.dma_semaphore, #tpu.memory_space<semaphore_mem>>)
    %dma_start3A_40 = arith.constant 3 : i32
    %dma_start3A_41 = arith.constant 3 : i32
    %dma_start3A_42 = arith.constant 0 : i32
    %dma_start3A_43 = arith.constant 0 : i32
    %dma_start3A_44 = tpu.memref_slice %arg6[%dma_start3A_41, %dma_start3A_42, %dma_start3A_43] : memref<8x50x64xf32, #tpu.memory_space<vmem>> -> memref<1x50x64xf32, #tpu.memory_space<vmem>>
    %dma_start3A_45 = tpu.memref_squeeze %dma_start3A_44 : memref<1x50x64xf32, #tpu.memory_space<vmem>> -> memref<50x64xf32, #tpu.memory_space<vmem>>
    %dma_start3A_46 = arith.constant 0 : i32
    %dma_start3A_47 = tpu.memref_slice %arg5[%dma_start3A_40, %dma_start3A_46] : memref<128x50xi32, #tpu.memory_space<vmem>> -> memref<1x50xi32, #tpu.memory_space<vmem>>
    %dma_start3A_48 = tpu.memref_squeeze %dma_start3A_47 : memref<1x50xi32, #tpu.memory_space<vmem>> -> memref<50xi32, #tpu.memory_space<vmem>>
    %dma_start3A_49 = arith.constant 0 : i32
    %dma_start3A_50 = arith.constant 0 : i32
    %dma_start3A_51 = tpu.memref_slice %arg2[%dma_start3A_49, %dma_start3A_50] : memref<100000x64xf32, #tpu.memory_space<hbm>> -> memref<100000x64xf32, #tpu.memory_space<hbm>>
    tpu.enqueue_indirect_dma source(%dma_start3A_51 : memref<100000x64xf32, #tpu.memory_space<hbm>>) target(%dma_start3A_45 : memref<50x64xf32, #tpu.memory_space<vmem>>) offsets(%dma_start3A_48 : memref<50xi32, #tpu.memory_space<vmem>>) semaphore(%arg10 : memref<!tpu.dma_semaphore, #tpu.memory_space<semaphore_mem>>)
    %dma_start3A_52 = arith.constant 4 : i32
    %dma_start3A_53 = arith.constant 4 : i32
    %dma_start3A_54 = arith.constant 0 : i32
    %dma_start3A_55 = arith.constant 0 : i32
    %dma_start3A_56 = tpu.memref_slice %arg6[%dma_start3A_53, %dma_start3A_54, %dma_start3A_55] : memref<8x50x64xf32, #tpu.memory_space<vmem>> -> memref<1x50x64xf32, #tpu.memory_space<vmem>>
    %dma_start3A_57 = tpu.memref_squeeze %dma_start3A_56 : memref<1x50x64xf32, #tpu.memory_space<vmem>> -> memref<50x64xf32, #tpu.memory_space<vmem>>
    %dma_start3A_58 = arith.constant 0 : i32
    %dma_start3A_59 = tpu.memref_slice %arg5[%dma_start3A_52, %dma_start3A_58] : memref<128x50xi32, #tpu.memory_space<vmem>> -> memref<1x50xi32, #tpu.memory_space<vmem>>
    %dma_start3A_60 = tpu.memref_squeeze %dma_start3A_59 : memref<1x50xi32, #tpu.memory_space<vmem>> -> memref<50xi32, #tpu.memory_space<vmem>>
    %dma_start3A_61 = arith.constant 0 : i32
    %dma_start3A_62 = arith.constant 0 : i32
    %dma_start3A_63 = tpu.memref_slice %arg2[%dma_start3A_61, %dma_start3A_62] : memref<100000x64xf32, #tpu.memory_space<hbm>> -> memref<100000x64xf32, #tpu.memory_space<hbm>>
    tpu.enqueue_indirect_dma source(%dma_start3A_63 : memref<100000x64xf32, #tpu.memory_space<hbm>>) target(%dma_start3A_57 : memref<50x64xf32, #tpu.memory_space<vmem>>) offsets(%dma_start3A_60 : memref<50xi32, #tpu.memory_space<vmem>>) semaphore(%arg11 : memref<!tpu.dma_semaphore, #tpu.memory_space<semaphore_mem>>)
    %dma_start3A_64 = arith.constant 5 : i32
    %dma_start3A_65 = arith.constant 5 : i32
    %dma_start3A_66 = arith.constant 0 : i32
    %dma_start3A_67 = arith.constant 0 : i32
    %dma_start3A_68 = tpu.memref_slice %arg6[%dma_start3A_65, %dma_start3A_66, %dma_start3A_67] : memref<8x50x64xf32, #tpu.memory_space<vmem>> -> memref<1x50x64xf32, #tpu.memory_space<vmem>>
    %dma_start3A_69 = tpu.memref_squeeze %dma_start3A_68 : memref<1x50x64xf32, #tpu.memory_space<vmem>> -> memref<50x64xf32, #tpu.memory_space<vmem>>
    %dma_start3A_70 = arith.constant 0 : i32
    %dma_start3A_71 = tpu.memref_slice %arg5[%dma_start3A_64, %dma_start3A_70] : memref<128x50xi32, #tpu.memory_space<vmem>> -> memref<1x50xi32, #tpu.memory_space<vmem>>
    %dma_start3A_72 = tpu.memref_squeeze %dma_start3A_71 : memref<1x50xi32, #tpu.memory_space<vmem>> -> memref<50xi32, #tpu.memory_space<vmem>>
    %dma_start3A_73 = arith.constant 0 : i32
    %dma_start3A_74 = arith.constant 0 : i32
    %dma_start3A_75 = tpu.memref_slice %arg2[%dma_start3A_73, %dma_start3A_74] : memref<100000x64xf32, #tpu.memory_space<hbm>> -> memref<100000x64xf32, #tpu.memory_space<hbm>>
    tpu.enqueue_indirect_dma source(%dma_start3A_75 : memref<100000x64xf32, #tpu.memory_space<hbm>>) target(%dma_start3A_69 : memref<50x64xf32, #tpu.memory_space<vmem>>) offsets(%dma_start3A_72 : memref<50xi32, #tpu.memory_space<vmem>>) semaphore(%arg12 : memref<!tpu.dma_semaphore, #tpu.memory_space<semaphore_mem>>)
    %dma_wait3A = arith.constant 0 : i32
    %dma_wait3A_76 = arith.constant 0 : i32
    %dma_wait3A_77 = arith.constant 0 : i32
    %dma_wait3A_78 = arith.constant 0 : i32
    %dma_wait3A_79 = tpu.memref_slice %arg6[%dma_wait3A_76, %dma_wait3A_77, %dma_wait3A_78] : memref<8x50x64xf32, #tpu.memory_space<vmem>> -> memref<1x50x64xf32, #tpu.memory_space<vmem>>
    %dma_wait3A_80 = tpu.memref_squeeze %dma_wait3A_79 : memref<1x50x64xf32, #tpu.memory_space<vmem>> -> memref<50x64xf32, #tpu.memory_space<vmem>>
    %dma_wait3A_81 = arith.constant 0 : i32
    %dma_wait3A_82 = tpu.memref_slice %arg5[%dma_wait3A, %dma_wait3A_81] : memref<128x50xi32, #tpu.memory_space<vmem>> -> memref<1x50xi32, #tpu.memory_space<vmem>>
    %dma_wait3A_83 = tpu.memref_squeeze %dma_wait3A_82 : memref<1x50xi32, #tpu.memory_space<vmem>> -> memref<50xi32, #tpu.memory_space<vmem>>
    %dma_wait3A_84 = arith.constant 0 : i32
    %dma_wait3A_85 = arith.constant 0 : i32
    %dma_wait3A_86 = tpu.memref_slice %arg2[%dma_wait3A_84, %dma_wait3A_85] : memref<100000x64xf32, #tpu.memory_space<hbm>> -> memref<100000x64xf32, #tpu.memory_space<hbm>>
    tpu.wait_indirect_dma semaphore(%arg7 : memref<!tpu.dma_semaphore, #tpu.memory_space<semaphore_mem>>) src(%dma_wait3A_86 : memref<100000x64xf32, #tpu.memory_space<hbm>>) dst(%dma_wait3A_80 : memref<50x64xf32, #tpu.memory_space<vmem>>)
    %add3A_87 = arith.constant 0 : i32
    %add3A_88 = arith.addi %mul3A_2, %add3A_87 : i32
    %dma_start3A_89 = arith.constant 0 : i32
    %dma_start3A_90 = arith.constant 0 : i32
    %dma_start3A_91 = arith.constant 0 : i32
    %dma_start3A_92 = tpu.memref_slice %arg6[%dma_start3A_89, %dma_start3A_90, %dma_start3A_91] : memref<8x50x64xf32, #tpu.memory_space<vmem>> -> memref<1x50x64xf32, #tpu.memory_space<vmem>>
    %dma_start3A_93 = tpu.memref_squeeze %dma_start3A_92 : memref<1x50x64xf32, #tpu.memory_space<vmem>> -> memref<50x64xf32, #tpu.memory_space<vmem>>
    %dma_start3A_94 = arith.constant 0 : i32
    %dma_start3A_95 = tpu.memref_slice %arg4[%add3A_88, %dma_start3A_94] : memref<204800x64xf32, #tpu.memory_space<hbm>> -> memref<50x64xf32, #tpu.memory_space<hbm>>
    %dma_start3A_96 = arith.constant 0 : i32
    %dma_start3A_97 = tpu.memref_slice %arg4[%add3A_88, %dma_start3A_96] : memref<204800x64xf32, #tpu.memory_space<hbm>> -> memref<50x64xf32, #tpu.memory_space<hbm>>
    %dma_start3A_98 = arith.constant 0 : i32
    %dma_start3A_99 = arith.constant 0 : i32
    %dma_start3A_100 = tpu.memref_slice %arg6[%dma_start3A_89, %dma_start3A_98, %dma_start3A_99] : memref<8x50x64xf32, #tpu.memory_space<vmem>> -> memref<1x50x64xf32, #tpu.memory_space<vmem>>
    %dma_start3A_101 = tpu.memref_squeeze %dma_start3A_100 : memref<1x50x64xf32, #tpu.memory_space<vmem>> -> memref<50x64xf32, #tpu.memory_space<vmem>>
    tpu.enqueue_dma source(%dma_start3A_101 : memref<50x64xf32, #tpu.memory_space<vmem>>) target(%dma_start3A_97 : memref<50x64xf32, #tpu.memory_space<hbm>>) target_semaphore(%arg15 : memref<!tpu.dma_semaphore, #tpu.memory_space<semaphore_mem>>)
    %dma_start3A_102 = arith.constant 6 : i32
    %dma_start3A_103 = arith.constant 6 : i32
    %dma_start3A_104 = arith.constant 0 : i32
    %dma_start3A_105 = arith.constant 0 : i32
    %dma_start3A_106 = tpu.memref_slice %arg6[%dma_start3A_103, %dma_start3A_104, %dma_start3A_105] : memref<8x50x64xf32, #tpu.memory_space<vmem>> -> memref<1x50x64xf32, #tpu.memory_space<vmem>>
    %dma_start3A_107 = tpu.memref_squeeze %dma_start3A_106 : memref<1x50x64xf32, #tpu.memory_space<vmem>> -> memref<50x64xf32, #tpu.memory_space<vmem>>
    %dma_start3A_108 = arith.constant 0 : i32
    %dma_start3A_109 = tpu.memref_slice %arg5[%dma_start3A_102, %dma_start3A_108] : memref<128x50xi32, #tpu.memory_space<vmem>> -> memref<1x50xi32, #tpu.memory_space<vmem>>
    %dma_start3A_110 = tpu.memref_squeeze %dma_start3A_109 : memref<1x50xi32, #tpu.memory_space<vmem>> -> memref<50xi32, #tpu.memory_space<vmem>>
    %dma_start3A_111 = arith.constant 0 : i32
    %dma_start3A_112 = arith.constant 0 : i32
    %dma_start3A_113 = tpu.memref_slice %arg2[%dma_start3A_111, %dma_start3A_112] : memref<100000x64xf32, #tpu.memory_space<hbm>> -> memref<100000x64xf32, #tpu.memory_space<hbm>>
    tpu.enqueue_indirect_dma source(%dma_start3A_113 : memref<100000x64xf32, #tpu.memory_space<hbm>>) target(%dma_start3A_107 : memref<50x64xf32, #tpu.memory_space<vmem>>) offsets(%dma_start3A_110 : memref<50xi32, #tpu.memory_space<vmem>>) semaphore(%arg13 : memref<!tpu.dma_semaphore, #tpu.memory_space<semaphore_mem>>)
    %dma_wait3A_114 = arith.constant 1 : i32
    %dma_wait3A_115 = arith.constant 1 : i32
    %dma_wait3A_116 = arith.constant 0 : i32
    %dma_wait3A_117 = arith.constant 0 : i32
    %dma_wait3A_118 = tpu.memref_slice %arg6[%dma_wait3A_115, %dma_wait3A_116, %dma_wait3A_117] : memref<8x50x64xf32, #tpu.memory_space<vmem>> -> memref<1x50x64xf32, #tpu.memory_space<vmem>>
    %dma_wait3A_119 = tpu.memref_squeeze %dma_wait3A_118 : memref<1x50x64xf32, #tpu.memory_space<vmem>> -> memref<50x64xf32, #tpu.memory_space<vmem>>
    %dma_wait3A_120 = arith.constant 0 : i32
    %dma_wait3A_121 = tpu.memref_slice %arg5[%dma_wait3A_114, %dma_wait3A_120] : memref<128x50xi32, #tpu.memory_space<vmem>> -> memref<1x50xi32, #tpu.memory_space<vmem>>
    %dma_wait3A_122 = tpu.memref_squeeze %dma_wait3A_121 : memref<1x50xi32, #tpu.memory_space<vmem>> -> memref<50xi32, #tpu.memory_space<vmem>>
    %dma_wait3A_123 = arith.constant 0 : i32
    %dma_wait3A_124 = arith.constant 0 : i32
    %dma_wait3A_125 = tpu.memref_slice %arg2[%dma_wait3A_123, %dma_wait3A_124] : memref<100000x64xf32, #tpu.memory_space<hbm>> -> memref<100000x64xf32, #tpu.memory_space<hbm>>
    tpu.wait_indirect_dma semaphore(%arg8 : memref<!tpu.dma_semaphore, #tpu.memory_space<semaphore_mem>>) src(%dma_wait3A_125 : memref<100000x64xf32, #tpu.memory_space<hbm>>) dst(%dma_wait3A_119 : memref<50x64xf32, #tpu.memory_space<vmem>>)
    %add3A_126 = arith.constant 50 : i32
    %add3A_127 = arith.addi %mul3A_2, %add3A_126 : i32
    %dma_start3A_128 = arith.constant 1 : i32
    %dma_start3A_129 = arith.constant 0 : i32
    %dma_start3A_130 = arith.constant 0 : i32
    %dma_start3A_131 = tpu.memref_slice %arg6[%dma_start3A_128, %dma_start3A_129, %dma_start3A_130] : memref<8x50x64xf32, #tpu.memory_space<vmem>> -> memref<1x50x64xf32, #tpu.memory_space<vmem>>
    %dma_start3A_132 = tpu.memref_squeeze %dma_start3A_131 : memref<1x50x64xf32, #tpu.memory_space<vmem>> -> memref<50x64xf32, #tpu.memory_space<vmem>>
    %dma_start3A_133 = arith.constant 0 : i32
    %dma_start3A_134 = tpu.memref_slice %arg4[%add3A_127, %dma_start3A_133] : memref<204800x64xf32, #tpu.memory_space<hbm>> -> memref<50x64xf32, #tpu.memory_space<hbm>>
    %dma_start3A_135 = arith.constant 0 : i32
    %dma_start3A_136 = tpu.memref_slice %arg4[%add3A_127, %dma_start3A_135] : memref<204800x64xf32, #tpu.memory_space<hbm>> -> memref<50x64xf32, #tpu.memory_space<hbm>>
    %dma_start3A_137 = arith.constant 0 : i32
    %dma_start3A_138 = arith.constant 0 : i32
    %dma_start3A_139 = tpu.memref_slice %arg6[%dma_start3A_128, %dma_start3A_137, %dma_start3A_138] : memref<8x50x64xf32, #tpu.memory_space<vmem>> -> memref<1x50x64xf32, #tpu.memory_space<vmem>>
    %dma_start3A_140 = tpu.memref_squeeze %dma_start3A_139 : memref<1x50x64xf32, #tpu.memory_space<vmem>> -> memref<50x64xf32, #tpu.memory_space<vmem>>
    tpu.enqueue_dma source(%dma_start3A_140 : memref<50x64xf32, #tpu.memory_space<vmem>>) target(%dma_start3A_136 : memref<50x64xf32, #tpu.memory_space<hbm>>) target_semaphore(%arg16 : memref<!tpu.dma_semaphore, #tpu.memory_space<semaphore_mem>>)
    %dma_start3A_141 = arith.constant 7 : i32
    %dma_start3A_142 = arith.constant 7 : i32
    %dma_start3A_143 = arith.constant 0 : i32
    %dma_start3A_144 = arith.constant 0 : i32
    %dma_start3A_145 = tpu.memref_slice %arg6[%dma_start3A_142, %dma_start3A_143, %dma_start3A_144] : memref<8x50x64xf32, #tpu.memory_space<vmem>> -> memref<1x50x64xf32, #tpu.memory_space<vmem>>
    %dma_start3A_146 = tpu.memref_squeeze %dma_start3A_145 : memref<1x50x64xf32, #tpu.memory_space<vmem>> -> memref<50x64xf32, #tpu.memory_space<vmem>>
    %dma_start3A_147 = arith.constant 0 : i32
    %dma_start3A_148 = tpu.memref_slice %arg5[%dma_start3A_141, %dma_start3A_147] : memref<128x50xi32, #tpu.memory_space<vmem>> -> memref<1x50xi32, #tpu.memory_space<vmem>>
    %dma_start3A_149 = tpu.memref_squeeze %dma_start3A_148 : memref<1x50xi32, #tpu.memory_space<vmem>> -> memref<50xi32, #tpu.memory_space<vmem>>
    %dma_start3A_150 = arith.constant 0 : i32
    %dma_start3A_151 = arith.constant 0 : i32
    %dma_start3A_152 = tpu.memref_slice %arg2[%dma_start3A_150, %dma_start3A_151] : memref<100000x64xf32, #tpu.memory_space<hbm>> -> memref<100000x64xf32, #tpu.memory_space<hbm>>
    tpu.enqueue_indirect_dma source(%dma_start3A_152 : memref<100000x64xf32, #tpu.memory_space<hbm>>) target(%dma_start3A_146 : memref<50x64xf32, #tpu.memory_space<vmem>>) offsets(%dma_start3A_149 : memref<50xi32, #tpu.memory_space<vmem>>) semaphore(%arg14 : memref<!tpu.dma_semaphore, #tpu.memory_space<semaphore_mem>>)
    %dma_wait3A_153 = arith.constant 2 : i32
    %dma_wait3A_154 = arith.constant 2 : i32
    %dma_wait3A_155 = arith.constant 0 : i32
    %dma_wait3A_156 = arith.constant 0 : i32
    %dma_wait3A_157 = tpu.memref_slice %arg6[%dma_wait3A_154, %dma_wait3A_155, %dma_wait3A_156] : memref<8x50x64xf32, #tpu.memory_space<vmem>> -> memref<1x50x64xf32, #tpu.memory_space<vmem>>
    %dma_wait3A_158 = tpu.memref_squeeze %dma_wait3A_157 : memref<1x50x64xf32, #tpu.memory_space<vmem>> -> memref<50x64xf32, #tpu.memory_space<vmem>>
    %dma_wait3A_159 = arith.constant 0 : i32
    %dma_wait3A_160 = tpu.memref_slice %arg5[%dma_wait3A_153, %dma_wait3A_159] : memref<128x50xi32, #tpu.memory_space<vmem>> -> memref<1x50xi32, #tpu.memory_space<vmem>>
    %dma_wait3A_161 = tpu.memref_squeeze %dma_wait3A_160 : memref<1x50xi32, #tpu.memory_space<vmem>> -> memref<50xi32, #tpu.memory_space<vmem>>
    %dma_wait3A_162 = arith.constant 0 : i32
    %dma_wait3A_163 = arith.constant 0 : i32
    %dma_wait3A_164 = tpu.memref_slice %arg2[%dma_wait3A_162, %dma_wait3A_163] : memref<100000x64xf32, #tpu.memory_space<hbm>> -> memref<100000x64xf32, #tpu.memory_space<hbm>>
    tpu.wait_indirect_dma semaphore(%arg9 : memref<!tpu.dma_semaphore, #tpu.memory_space<semaphore_mem>>) src(%dma_wait3A_164 : memref<100000x64xf32, #tpu.memory_space<hbm>>) dst(%dma_wait3A_158 : memref<50x64xf32, #tpu.memory_space<vmem>>)
    %add3A_165 = arith.constant 100 : i32
    %add3A_166 = arith.addi %mul3A_2, %add3A_165 : i32
    %dma_start3A_167 = arith.constant 2 : i32
    %dma_start3A_168 = arith.constant 0 : i32
    %dma_start3A_169 = arith.constant 0 : i32
    %dma_start3A_170 = tpu.memref_slice %arg6[%dma_start3A_167, %dma_start3A_168, %dma_start3A_169] : memref<8x50x64xf32, #tpu.memory_space<vmem>> -> memref<1x50x64xf32, #tpu.memory_space<vmem>>
    %dma_start3A_171 = tpu.memref_squeeze %dma_start3A_170 : memref<1x50x64xf32, #tpu.memory_space<vmem>> -> memref<50x64xf32, #tpu.memory_space<vmem>>
    %dma_start3A_172 = arith.constant 0 : i32
    %dma_start3A_173 = tpu.memref_slice %arg4[%add3A_166, %dma_start3A_172] : memref<204800x64xf32, #tpu.memory_space<hbm>> -> memref<50x64xf32, #tpu.memory_space<hbm>>
    %dma_start3A_174 = arith.constant 0 : i32
    %dma_start3A_175 = tpu.memref_slice %arg4[%add3A_166, %dma_start3A_174] : memref<204800x64xf32, #tpu.memory_space<hbm>> -> memref<50x64xf32, #tpu.memory_space<hbm>>
    %dma_start3A_176 = arith.constant 0 : i32
    %dma_start3A_177 = arith.constant 0 : i32
    %dma_start3A_178 = tpu.memref_slice %arg6[%dma_start3A_167, %dma_start3A_176, %dma_start3A_177] : memref<8x50x64xf32, #tpu.memory_space<vmem>> -> memref<1x50x64xf32, #tpu.memory_space<vmem>>
    %dma_start3A_179 = tpu.memref_squeeze %dma_start3A_178 : memref<1x50x64xf32, #tpu.memory_space<vmem>> -> memref<50x64xf32, #tpu.memory_space<vmem>>
    tpu.enqueue_dma source(%dma_start3A_179 : memref<50x64xf32, #tpu.memory_space<vmem>>) target(%dma_start3A_175 : memref<50x64xf32, #tpu.memory_space<hbm>>) target_semaphore(%arg17 : memref<!tpu.dma_semaphore, #tpu.memory_space<semaphore_mem>>)
    %dma_wait3A_180 = arith.constant 0 : i32
    %dma_wait3A_181 = arith.constant 0 : i32
    %dma_wait3A_182 = arith.constant 0 : i32
    %dma_wait3A_183 = tpu.memref_slice %arg6[%dma_wait3A_180, %dma_wait3A_181, %dma_wait3A_182] : memref<8x50x64xf32, #tpu.memory_space<vmem>> -> memref<1x50x64xf32, #tpu.memory_space<vmem>>
    %dma_wait3A_184 = tpu.memref_squeeze %dma_wait3A_183 : memref<1x50x64xf32, #tpu.memory_space<vmem>> -> memref<50x64xf32, #tpu.memory_space<vmem>>
    %dma_wait3A_185 = arith.constant 0 : i32
    %dma_wait3A_186 = tpu.memref_slice %arg4[%mul3A_2, %dma_wait3A_185] : memref<204800x64xf32, #tpu.memory_space<hbm>> -> memref<50x64xf32, #tpu.memory_space<hbm>>
    %dma_wait3A_187 = arith.constant 0 : i32
    %dma_wait3A_188 = tpu.memref_slice %arg4[%mul3A_2, %dma_wait3A_187] : memref<204800x64xf32, #tpu.memory_space<hbm>> -> memref<50x64xf32, #tpu.memory_space<hbm>>
    %dma_wait3A_189 = arith.constant 0 : i32
    %dma_wait3A_190 = arith.constant 0 : i32
    %dma_wait3A_191 = tpu.memref_slice %arg6[%dma_wait3A_180, %dma_wait3A_189, %dma_wait3A_190] : memref<8x50x64xf32, #tpu.memory_space<vmem>> -> memref<1x50x64xf32, #tpu.memory_space<vmem>>
    %dma_wait3A_192 = tpu.memref_squeeze %dma_wait3A_191 : memref<1x50x64xf32, #tpu.memory_space<vmem>> -> memref<50x64xf32, #tpu.memory_space<vmem>>
    tpu.wait_dma2 semaphore(%arg15 : memref<!tpu.dma_semaphore, #tpu.memory_space<semaphore_mem>>) src(%dma_wait3A_192 : memref<50x64xf32, #tpu.memory_space<vmem>>) dst(%dma_wait3A_188 : memref<50x64xf32, #tpu.memory_space<hbm>>)
    %dma_start3A_193 = arith.constant 8 : i32
    %dma_start3A_194 = arith.constant 0 : i32
    %dma_start3A_195 = arith.constant 0 : i32
    %dma_start3A_196 = arith.constant 0 : i32
    %dma_start3A_197 = tpu.memref_slice %arg6[%dma_start3A_194, %dma_start3A_195, %dma_start3A_196] : memref<8x50x64xf32, #tpu.memory_space<vmem>> -> memref<1x50x64xf32, #tpu.memory_space<vmem>>
    %dma_start3A_198 = tpu.memref_squeeze %dma_start3A_197 : memref<1x50x64xf32, #tpu.memory_space<vmem>> -> memref<50x64xf32, #tpu.memory_space<vmem>>
    %dma_start3A_199 = arith.constant 0 : i32
    %dma_start3A_200 = tpu.memref_slice %arg5[%dma_start3A_193, %dma_start3A_199] : memref<128x50xi32, #tpu.memory_space<vmem>> -> memref<1x50xi32, #tpu.memory_space<vmem>>
    %dma_start3A_201 = tpu.memref_squeeze %dma_start3A_200 : memref<1x50xi32, #tpu.memory_space<vmem>> -> memref<50xi32, #tpu.memory_space<vmem>>
    %dma_start3A_202 = arith.constant 0 : i32
    %dma_start3A_203 = arith.constant 0 : i32
    %dma_start3A_204 = tpu.memref_slice %arg2[%dma_start3A_202, %dma_start3A_203] : memref<100000x64xf32, #tpu.memory_space<hbm>> -> memref<100000x64xf32, #tpu.memory_space<hbm>>
    tpu.enqueue_indirect_dma source(%dma_start3A_204 : memref<100000x64xf32, #tpu.memory_space<hbm>>) target(%dma_start3A_198 : memref<50x64xf32, #tpu.memory_space<vmem>>) offsets(%dma_start3A_201 : memref<50xi32, #tpu.memory_space<vmem>>) semaphore(%arg7 : memref<!tpu.dma_semaphore, #tpu.memory_space<semaphore_mem>>)
    %dma_wait3A_205 = arith.constant 3 : i32
    %dma_wait3A_206 = arith.constant 3 : i32
    %dma_wait3A_207 = arith.constant 0 : i32
    %dma_wait3A_208 = arith.constant 0 : i32
    %dma_wait3A_209 = tpu.memref_slice %arg6[%dma_wait3A_206, %dma_wait3A_207, %dma_wait3A_208] : memref<8x50x64xf32, #tpu.memory_space<vmem>> -> memref<1x50x64xf32, #tpu.memory_space<vmem>>
    %dma_wait3A_210 = tpu.memref_squeeze %dma_wait3A_209 : memref<1x50x64xf32, #tpu.memory_space<vmem>> -> memref<50x64xf32, #tpu.memory_space<vmem>>
    %dma_wait3A_211 = arith.constant 0 : i32
    %dma_wait3A_212 = tpu.memref_slice %arg5[%dma_wait3A_205, %dma_wait3A_211] : memref<128x50xi32, #tpu.memory_space<vmem>> -> memref<1x50xi32, #tpu.memory_space<vmem>>
    %dma_wait3A_213 = tpu.memref_squeeze %dma_wait3A_212 : memref<1x50xi32, #tpu.memory_space<vmem>> -> memref<50xi32, #tpu.memory_space<vmem>>
    %dma_wait3A_214 = arith.constant 0 : i32
    %dma_wait3A_215 = arith.constant 0 : i32
    %dma_wait3A_216 = tpu.memref_slice %arg2[%dma_wait3A_214, %dma_wait3A_215] : memref<100000x64xf32, #tpu.memory_space<hbm>> -> memref<100000x64xf32, #tpu.memory_space<hbm>>
    tpu.wait_indirect_dma semaphore(%arg10 : memref<!tpu.dma_semaphore, #tpu.memory_space<semaphore_mem>>) src(%dma_wait3A_216 : memref<100000x64xf32, #tpu.memory_space<hbm>>) dst(%dma_wait3A_210 : memref<50x64xf32, #tpu.memory_space<vmem>>)
    %add3A_217 = arith.constant 150 : i32
    %add3A_218 = arith.addi %mul3A_2, %add3A_217 : i32
    %dma_start3A_219 = arith.constant 3 : i32
    %dma_start3A_220 = arith.constant 0 : i32
    %dma_start3A_221 = arith.constant 0 : i32
    %dma_start3A_222 = tpu.memref_slice %arg6[%dma_start3A_219, %dma_start3A_220, %dma_start3A_221] : memref<8x50x64xf32, #tpu.memory_space<vmem>> -> memref<1x50x64xf32, #tpu.memory_space<vmem>>
    %dma_start3A_223 = tpu.memref_squeeze %dma_start3A_222 : memref<1x50x64xf32, #tpu.memory_space<vmem>> -> memref<50x64xf32, #tpu.memory_space<vmem>>
    %dma_start3A_224 = arith.constant 0 : i32
    %dma_start3A_225 = tpu.memref_slice %arg4[%add3A_218, %dma_start3A_224] : memref<204800x64xf32, #tpu.memory_space<hbm>> -> memref<50x64xf32, #tpu.memory_space<hbm>>
    %dma_start3A_226 = arith.constant 0 : i32
    %dma_start3A_227 = tpu.memref_slice %arg4[%add3A_218, %dma_start3A_226] : memref<204800x64xf32, #tpu.memory_space<hbm>> -> memref<50x64xf32, #tpu.memory_space<hbm>>
    %dma_start3A_228 = arith.constant 0 : i32
    %dma_start3A_229 = arith.constant 0 : i32
    %dma_start3A_230 = tpu.memref_slice %arg6[%dma_start3A_219, %dma_start3A_228, %dma_start3A_229] : memref<8x50x64xf32, #tpu.memory_space<vmem>> -> memref<1x50x64xf32, #tpu.memory_space<vmem>>
    %dma_start3A_231 = tpu.memref_squeeze %dma_start3A_230 : memref<1x50x64xf32, #tpu.memory_space<vmem>> -> memref<50x64xf32, #tpu.memory_space<vmem>>
    tpu.enqueue_dma source(%dma_start3A_231 : memref<50x64xf32, #tpu.memory_space<vmem>>) target(%dma_start3A_227 : memref<50x64xf32, #tpu.memory_space<hbm>>) target_semaphore(%arg18 : memref<!tpu.dma_semaphore, #tpu.memory_space<semaphore_mem>>)
    %dma_wait3A_232 = arith.constant 1 : i32
    %dma_wait3A_233 = arith.constant 0 : i32
    %dma_wait3A_234 = arith.constant 0 : i32
    %dma_wait3A_235 = tpu.memref_slice %arg6[%dma_wait3A_232, %dma_wait3A_233, %dma_wait3A_234] : memref<8x50x64xf32, #tpu.memory_space<vmem>> -> memref<1x50x64xf32, #tpu.memory_space<vmem>>
    %dma_wait3A_236 = tpu.memref_squeeze %dma_wait3A_235 : memref<1x50x64xf32, #tpu.memory_space<vmem>> -> memref<50x64xf32, #tpu.memory_space<vmem>>
    %dma_wait3A_237 = arith.constant 0 : i32
    %dma_wait3A_238 = tpu.memref_slice %arg4[%mul3A_2, %dma_wait3A_237] : memref<204800x64xf32, #tpu.memory_space<hbm>> -> memref<50x64xf32, #tpu.memory_space<hbm>>
    %dma_wait3A_239 = arith.constant 0 : i32
    %dma_wait3A_240 = tpu.memref_slice %arg4[%mul3A_2, %dma_wait3A_239] : memref<204800x64xf32, #tpu.memory_space<hbm>> -> memref<50x64xf32, #tpu.memory_space<hbm>>
    %dma_wait3A_241 = arith.constant 0 : i32
    %dma_wait3A_242 = arith.constant 0 : i32
    %dma_wait3A_243 = tpu.memref_slice %arg6[%dma_wait3A_232, %dma_wait3A_241, %dma_wait3A_242] : memref<8x50x64xf32, #tpu.memory_space<vmem>> -> memref<1x50x64xf32, #tpu.memory_space<vmem>>
    %dma_wait3A_244 = tpu.memref_squeeze %dma_wait3A_243 : memref<1x50x64xf32, #tpu.memory_space<vmem>> -> memref<50x64xf32, #tpu.memory_space<vmem>>
    tpu.wait_dma2 semaphore(%arg16 : memref<!tpu.dma_semaphore, #tpu.memory_space<semaphore_mem>>) src(%dma_wait3A_244 : memref<50x64xf32, #tpu.memory_space<vmem>>) dst(%dma_wait3A_240 : memref<50x64xf32, #tpu.memory_space<hbm>>)
    %dma_start3A_245 = arith.constant 9 : i32
    %dma_start3A_246 = arith.constant 1 : i32
    %dma_start3A_247 = arith.constant 0 : i32
    %dma_start3A_248 = arith.constant 0 : i32
    %dma_start3A_249 = tpu.memref_slice %arg6[%dma_start3A_246, %dma_start3A_247, %dma_start3A_248] : memref<8x50x64xf32, #tpu.memory_space<vmem>> -> memref<1x50x64xf32, #tpu.memory_space<vmem>>
    %dma_start3A_250 = tpu.memref_squeeze %dma_start3A_249 : memref<1x50x64xf32, #tpu.memory_space<vmem>> -> memref<50x64xf32, #tpu.memory_space<vmem>>
    %dma_start3A_251 = arith.constant 0 : i32
    %dma_start3A_252 = tpu.memref_slice %arg5[%dma_start3A_245, %dma_start3A_251] : memref<128x50xi32, #tpu.memory_space<vmem>> -> memref<1x50xi32, #tpu.memory_space<vmem>>
    %dma_start3A_253 = tpu.memref_squeeze %dma_start3A_252 : memref<1x50xi32, #tpu.memory_space<vmem>> -> memref<50xi32, #tpu.memory_space<vmem>>
    %dma_start3A_254 = arith.constant 0 : i32
    %dma_start3A_255 = arith.constant 0 : i32
    %dma_start3A_256 = tpu.memref_slice %arg2[%dma_start3A_254, %dma_start3A_255] : memref<100000x64xf32, #tpu.memory_space<hbm>> -> memref<100000x64xf32, #tpu.memory_space<hbm>>
    tpu.enqueue_indirect_dma source(%dma_start3A_256 : memref<100000x64xf32, #tpu.memory_space<hbm>>) target(%dma_start3A_250 : memref<50x64xf32, #tpu.memory_space<vmem>>) offsets(%dma_start3A_253 : memref<50xi32, #tpu.memory_space<vmem>>) semaphore(%arg8 : memref<!tpu.dma_semaphore, #tpu.memory_space<semaphore_mem>>)
    %dma_wait3A_257 = arith.constant 4 : i32
    %dma_wait3A_258 = arith.constant 4 : i32
    %dma_wait3A_259 = arith.constant 0 : i32
    %dma_wait3A_260 = arith.constant 0 : i32
    %dma_wait3A_261 = tpu.memref_slice %arg6[%dma_wait3A_258, %dma_wait3A_259, %dma_wait3A_260] : memref<8x50x64xf32, #tpu.memory_space<vmem>> -> memref<1x50x64xf32, #tpu.memory_space<vmem>>
    %dma_wait3A_262 = tpu.memref_squeeze %dma_wait3A_261 : memref<1x50x64xf32, #tpu.memory_space<vmem>> -> memref<50x64xf32, #tpu.memory_space<vmem>>
    %dma_wait3A_263 = arith.constant 0 : i32
    %dma_wait3A_264 = tpu.memref_slice %arg5[%dma_wait3A_257, %dma_wait3A_263] : memref<128x50xi32, #tpu.memory_space<vmem>> -> memref<1x50xi32, #tpu.memory_space<vmem>>
    %dma_wait3A_265 = tpu.memref_squeeze %dma_wait3A_264 : memref<1x50xi32, #tpu.memory_space<vmem>> -> memref<50xi32, #tpu.memory_space<vmem>>
    %dma_wait3A_266 = arith.constant 0 : i32
    %dma_wait3A_267 = arith.constant 0 : i32
    %dma_wait3A_268 = tpu.memref_slice %arg2[%dma_wait3A_266, %dma_wait3A_267] : memref<100000x64xf32, #tpu.memory_space<hbm>> -> memref<100000x64xf32, #tpu.memory_space<hbm>>
    tpu.wait_indirect_dma semaphore(%arg11 : memref<!tpu.dma_semaphore, #tpu.memory_space<semaphore_mem>>) src(%dma_wait3A_268 : memref<100000x64xf32, #tpu.memory_space<hbm>>) dst(%dma_wait3A_262 : memref<50x64xf32, #tpu.memory_space<vmem>>)
    %add3A_269 = arith.constant 200 : i32
    %add3A_270 = arith.addi %mul3A_2, %add3A_269 : i32
    %dma_start3A_271 = arith.constant 4 : i32
    %dma_start3A_272 = arith.constant 0 : i32
    %dma_start3A_273 = arith.constant 0 : i32
    %dma_start3A_274 = tpu.memref_slice %arg6[%dma_start3A_271, %dma_start3A_272, %dma_start3A_273] : memref<8x50x64xf32, #tpu.memory_space<vmem>> -> memref<1x50x64xf32, #tpu.memory_space<vmem>>
    %dma_start3A_275 = tpu.memref_squeeze %dma_start3A_274 : memref<1x50x64xf32, #tpu.memory_space<vmem>> -> memref<50x64xf32, #tpu.memory_space<vmem>>
    %dma_start3A_276 = arith.constant 0 : i32
    %dma_start3A_277 = tpu.memref_slice %arg4[%add3A_270, %dma_start3A_276] : memref<204800x64xf32, #tpu.memory_space<hbm>> -> memref<50x64xf32, #tpu.memory_space<hbm>>
    %dma_start3A_278 = arith.constant 0 : i32
    %dma_start3A_279 = tpu.memref_slice %arg4[%add3A_270, %dma_start3A_278] : memref<204800x64xf32, #tpu.memory_space<hbm>> -> memref<50x64xf32, #tpu.memory_space<hbm>>
    %dma_start3A_280 = arith.constant 0 : i32
    %dma_start3A_281 = arith.constant 0 : i32
    %dma_start3A_282 = tpu.memref_slice %arg6[%dma_start3A_271, %dma_start3A_280, %dma_start3A_281] : memref<8x50x64xf32, #tpu.memory_space<vmem>> -> memref<1x50x64xf32, #tpu.memory_space<vmem>>
    %dma_start3A_283 = tpu.memref_squeeze %dma_start3A_282 : memref<1x50x64xf32, #tpu.memory_space<vmem>> -> memref<50x64xf32, #tpu.memory_space<vmem>>
    tpu.enqueue_dma source(%dma_start3A_283 : memref<50x64xf32, #tpu.memory_space<vmem>>) target(%dma_start3A_279 : memref<50x64xf32, #tpu.memory_space<hbm>>) target_semaphore(%arg19 : memref<!tpu.dma_semaphore, #tpu.memory_space<semaphore_mem>>)
    %dma_wait3A_284 = arith.constant 2 : i32
    %dma_wait3A_285 = arith.constant 0 : i32
    %dma_wait3A_286 = arith.constant 0 : i32
    %dma_wait3A_287 = tpu.memref_slice %arg6[%dma_wait3A_284, %dma_wait3A_285, %dma_wait3A_286] : memref<8x50x64xf32, #tpu.memory_space<vmem>> -> memref<1x50x64xf32, #tpu.memory_space<vmem>>
    %dma_wait3A_288 = tpu.memref_squeeze %dma_wait3A_287 : memref<1x50x64xf32, #tpu.memory_space<vmem>> -> memref<50x64xf32, #tpu.memory_space<vmem>>
    %dma_wait3A_289 = arith.constant 0 : i32
    %dma_wait3A_290 = tpu.memref_slice %arg4[%mul3A_2, %dma_wait3A_289] : memref<204800x64xf32, #tpu.memory_space<hbm>> -> memref<50x64xf32, #tpu.memory_space<hbm>>
    %dma_wait3A_291 = arith.constant 0 : i32
    %dma_wait3A_292 = tpu.memref_slice %arg4[%mul3A_2, %dma_wait3A_291] : memref<204800x64xf32, #tpu.memory_space<hbm>> -> memref<50x64xf32, #tpu.memory_space<hbm>>
    %dma_wait3A_293 = arith.constant 0 : i32
    %dma_wait3A_294 = arith.constant 0 : i32
    %dma_wait3A_295 = tpu.memref_slice %arg6[%dma_wait3A_284, %dma_wait3A_293, %dma_wait3A_294] : memref<8x50x64xf32, #tpu.memory_space<vmem>> -> memref<1x50x64xf32, #tpu.memory_space<vmem>>
    %dma_wait3A_296 = tpu.memref_squeeze %dma_wait3A_295 : memref<1x50x64xf32, #tpu.memory_space<vmem>> -> memref<50x64xf32, #tpu.memory_space<vmem>>
    tpu.wait_dma2 semaphore(%arg17 : memref<!tpu.dma_semaphore, #tpu.memory_space<semaphore_mem>>) src(%dma_wait3A_296 : memref<50x64xf32, #tpu.memory_space<vmem>>) dst(%dma_wait3A_292 : memref<50x64xf32, #tpu.memory_space<hbm>>)
    %dma_start3A_297 = arith.constant 10 : i32
    %dma_start3A_298 = arith.constant 2 : i32
    %dma_start3A_299 = arith.constant 0 : i32
    %dma_start3A_300 = arith.constant 0 : i32
    %dma_start3A_301 = tpu.memref_slice %arg6[%dma_start3A_298, %dma_start3A_299, %dma_start3A_300] : memref<8x50x64xf32, #tpu.memory_space<vmem>> -> memref<1x50x64xf32, #tpu.memory_space<vmem>>
    %dma_start3A_302 = tpu.memref_squeeze %dma_start3A_301 : memref<1x50x64xf32, #tpu.memory_space<vmem>> -> memref<50x64xf32, #tpu.memory_space<vmem>>
    %dma_start3A_303 = arith.constant 0 : i32
    %dma_start3A_304 = tpu.memref_slice %arg5[%dma_start3A_297, %dma_start3A_303] : memref<128x50xi32, #tpu.memory_space<vmem>> -> memref<1x50xi32, #tpu.memory_space<vmem>>
    %dma_start3A_305 = tpu.memref_squeeze %dma_start3A_304 : memref<1x50xi32, #tpu.memory_space<vmem>> -> memref<50xi32, #tpu.memory_space<vmem>>
    %dma_start3A_306 = arith.constant 0 : i32
    %dma_start3A_307 = arith.constant 0 : i32
    %dma_start3A_308 = tpu.memref_slice %arg2[%dma_start3A_306, %dma_start3A_307] : memref<100000x64xf32, #tpu.memory_space<hbm>> -> memref<100000x64xf32, #tpu.memory_space<hbm>>
    tpu.enqueue_indirect_dma source(%dma_start3A_308 : memref<100000x64xf32, #tpu.memory_space<hbm>>) target(%dma_start3A_302 : memref<50x64xf32, #tpu.memory_space<vmem>>) offsets(%dma_start3A_305 : memref<50xi32, #tpu.memory_space<vmem>>) semaphore(%arg9 : memref<!tpu.dma_semaphore, #tpu.memory_space<semaphore_mem>>)
    %dma_wait3A_309 = arith.constant 5 : i32
    %dma_wait3A_310 = arith.constant 5 : i32
    %dma_wait3A_311 = arith.constant 0 : i32
    %dma_wait3A_312 = arith.constant 0 : i32
    %dma_wait3A_313 = tpu.memref_slice %arg6[%dma_wait3A_310, %dma_wait3A_311, %dma_wait3A_312] : memref<8x50x64xf32, #tpu.memory_space<vmem>> -> memref<1x50x64xf32, #tpu.memory_space<vmem>>
    %dma_wait3A_314 = tpu.memref_squeeze %dma_wait3A_313 : memref<1x50x64xf32, #tpu.memory_space<vmem>> -> memref<50x64xf32, #tpu.memory_space<vmem>>
    %dma_wait3A_315 = arith.constant 0 : i32
    %dma_wait3A_316 = tpu.memref_slice %arg5[%dma_wait3A_309, %dma_wait3A_315] : memref<128x50xi32, #tpu.memory_space<vmem>> -> memref<1x50xi32, #tpu.memory_space<vmem>>
    %dma_wait3A_317 = tpu.memref_squeeze %dma_wait3A_316 : memref<1x50xi32, #tpu.memory_space<vmem>> -> memref<50xi32, #tpu.memory_space<vmem>>
    %dma_wait3A_318 = arith.constant 0 : i32
    %dma_wait3A_319 = arith.constant 0 : i32
    %dma_wait3A_320 = tpu.memref_slice %arg2[%dma_wait3A_318, %dma_wait3A_319] : memref<100000x64xf32, #tpu.memory_space<hbm>> -> memref<100000x64xf32, #tpu.memory_space<hbm>>
    tpu.wait_indirect_dma semaphore(%arg12 : memref<!tpu.dma_semaphore, #tpu.memory_space<semaphore_mem>>) src(%dma_wait3A_320 : memref<100000x64xf32, #tpu.memory_space<hbm>>) dst(%dma_wait3A_314 : memref<50x64xf32, #tpu.memory_space<vmem>>)
    %add3A_321 = arith.constant 250 : i32
    %add3A_322 = arith.addi %mul3A_2, %add3A_321 : i32
    %dma_start3A_323 = arith.constant 5 : i32
    %dma_start3A_324 = arith.constant 0 : i32
    %dma_start3A_325 = arith.constant 0 : i32
    %dma_start3A_326 = tpu.memref_slice %arg6[%dma_start3A_323, %dma_start3A_324, %dma_start3A_325] : memref<8x50x64xf32, #tpu.memory_space<vmem>> -> memref<1x50x64xf32, #tpu.memory_space<vmem>>
    %dma_start3A_327 = tpu.memref_squeeze %dma_start3A_326 : memref<1x50x64xf32, #tpu.memory_space<vmem>> -> memref<50x64xf32, #tpu.memory_space<vmem>>
    %dma_start3A_328 = arith.constant 0 : i32
    %dma_start3A_329 = tpu.memref_slice %arg4[%add3A_322, %dma_start3A_328] : memref<204800x64xf32, #tpu.memory_space<hbm>> -> memref<50x64xf32, #tpu.memory_space<hbm>>
    %dma_start3A_330 = arith.constant 0 : i32
    %dma_start3A_331 = tpu.memref_slice %arg4[%add3A_322, %dma_start3A_330] : memref<204800x64xf32, #tpu.memory_space<hbm>> -> memref<50x64xf32, #tpu.memory_space<hbm>>
    %dma_start3A_332 = arith.constant 0 : i32
    %dma_start3A_333 = arith.constant 0 : i32
    %dma_start3A_334 = tpu.memref_slice %arg6[%dma_start3A_323, %dma_start3A_332, %dma_start3A_333] : memref<8x50x64xf32, #tpu.memory_space<vmem>> -> memref<1x50x64xf32, #tpu.memory_space<vmem>>
    %dma_start3A_335 = tpu.memref_squeeze %dma_start3A_334 : memref<1x50x64xf32, #tpu.memory_space<vmem>> -> memref<50x64xf32, #tpu.memory_space<vmem>>
    tpu.enqueue_dma source(%dma_start3A_335 : memref<50x64xf32, #tpu.memory_space<vmem>>) target(%dma_start3A_331 : memref<50x64xf32, #tpu.memory_space<hbm>>) target_semaphore(%arg20 : memref<!tpu.dma_semaphore, #tpu.memory_space<semaphore_mem>>)
    %dma_wait3A_336 = arith.constant 3 : i32
    %dma_wait3A_337 = arith.constant 0 : i32
    %dma_wait3A_338 = arith.constant 0 : i32
    %dma_wait3A_339 = tpu.memref_slice %arg6[%dma_wait3A_336, %dma_wait3A_337, %dma_wait3A_338] : memref<8x50x64xf32, #tpu.memory_space<vmem>> -> memref<1x50x64xf32, #tpu.memory_space<vmem>>
    %dma_wait3A_340 = tpu.memref_squeeze %dma_wait3A_339 : memref<1x50x64xf32, #tpu.memory_space<vmem>> -> memref<50x64xf32, #tpu.memory_space<vmem>>
    %dma_wait3A_341 = arith.constant 0 : i32
    %dma_wait3A_342 = tpu.memref_slice %arg4[%mul3A_2, %dma_wait3A_341] : memref<204800x64xf32, #tpu.memory_space<hbm>> -> memref<50x64xf32, #tpu.memory_space<hbm>>
    %dma_wait3A_343 = arith.constant 0 : i32
    %dma_wait3A_344 = tpu.memref_slice %arg4[%mul3A_2, %dma_wait3A_343] : memref<204800x64xf32, #tpu.memory_space<hbm>> -> memref<50x64xf32, #tpu.memory_space<hbm>>
    %dma_wait3A_345 = arith.constant 0 : i32
    %dma_wait3A_346 = arith.constant 0 : i32
    %dma_wait3A_347 = tpu.memref_slice %arg6[%dma_wait3A_336, %dma_wait3A_345, %dma_wait3A_346] : memref<8x50x64xf32, #tpu.memory_space<vmem>> -> memref<1x50x64xf32, #tpu.memory_space<vmem>>
    %dma_wait3A_348 = tpu.memref_squeeze %dma_wait3A_347 : memref<1x50x64xf32, #tpu.memory_space<vmem>> -> memref<50x64xf32, #tpu.memory_space<vmem>>
    tpu.wait_dma2 semaphore(%arg18 : memref<!tpu.dma_semaphore, #tpu.memory_space<semaphore_mem>>) src(%dma_wait3A_348 : memref<50x64xf32, #tpu.memory_space<vmem>>) dst(%dma_wait3A_344 : memref<50x64xf32, #tpu.memory_space<hbm>>)
    %dma_start3A_349 = arith.constant 11 : i32
    %dma_start3A_350 = arith.constant 3 : i32
    %dma_start3A_351 = arith.constant 0 : i32
    %dma_start3A_352 = arith.constant 0 : i32
    %dma_start3A_353 = tpu.memref_slice %arg6[%dma_start3A_350, %dma_start3A_351, %dma_start3A_352] : memref<8x50x64xf32, #tpu.memory_space<vmem>> -> memref<1x50x64xf32, #tpu.memory_space<vmem>>
    %dma_start3A_354 = tpu.memref_squeeze %dma_start3A_353 : memref<1x50x64xf32, #tpu.memory_space<vmem>> -> memref<50x64xf32, #tpu.memory_space<vmem>>
    %dma_start3A_355 = arith.constant 0 : i32
    %dma_start3A_356 = tpu.memref_slice %arg5[%dma_start3A_349, %dma_start3A_355] : memref<128x50xi32, #tpu.memory_space<vmem>> -> memref<1x50xi32, #tpu.memory_space<vmem>>
    %dma_start3A_357 = tpu.memref_squeeze %dma_start3A_356 : memref<1x50xi32, #tpu.memory_space<vmem>> -> memref<50xi32, #tpu.memory_space<vmem>>
    %dma_start3A_358 = arith.constant 0 : i32
    %dma_start3A_359 = arith.constant 0 : i32
    %dma_start3A_360 = tpu.memref_slice %arg2[%dma_start3A_358, %dma_start3A_359] : memref<100000x64xf32, #tpu.memory_space<hbm>> -> memref<100000x64xf32, #tpu.memory_space<hbm>>
    tpu.enqueue_indirect_dma source(%dma_start3A_360 : memref<100000x64xf32, #tpu.memory_space<hbm>>) target(%dma_start3A_354 : memref<50x64xf32, #tpu.memory_space<vmem>>) offsets(%dma_start3A_357 : memref<50xi32, #tpu.memory_space<vmem>>) semaphore(%arg10 : memref<!tpu.dma_semaphore, #tpu.memory_space<semaphore_mem>>)
    %dma_wait3A_361 = arith.constant 6 : i32
    %dma_wait3A_362 = arith.constant 6 : i32
    %dma_wait3A_363 = arith.constant 0 : i32
    %dma_wait3A_364 = arith.constant 0 : i32
    %dma_wait3A_365 = tpu.memref_slice %arg6[%dma_wait3A_362, %dma_wait3A_363, %dma_wait3A_364] : memref<8x50x64xf32, #tpu.memory_space<vmem>> -> memref<1x50x64xf32, #tpu.memory_space<vmem>>
    %dma_wait3A_366 = tpu.memref_squeeze %dma_wait3A_365 : memref<1x50x64xf32, #tpu.memory_space<vmem>> -> memref<50x64xf32, #tpu.memory_space<vmem>>
    %dma_wait3A_367 = arith.constant 0 : i32
    %dma_wait3A_368 = tpu.memref_slice %arg5[%dma_wait3A_361, %dma_wait3A_367] : memref<128x50xi32, #tpu.memory_space<vmem>> -> memref<1x50xi32, #tpu.memory_space<vmem>>
    %dma_wait3A_369 = tpu.memref_squeeze %dma_wait3A_368 : memref<1x50xi32, #tpu.memory_space<vmem>> -> memref<50xi32, #tpu.memory_space<vmem>>
    %dma_wait3A_370 = arith.constant 0 : i32
    %dma_wait3A_371 = arith.constant 0 : i32
    %dma_wait3A_372 = tpu.memref_slice %arg2[%dma_wait3A_370, %dma_wait3A_371] : memref<100000x64xf32, #tpu.memory_space<hbm>> -> memref<100000x64xf32, #tpu.memory_space<hbm>>
    tpu.wait_indirect_dma semaphore(%arg13 : memref<!tpu.dma_semaphore, #tpu.memory_space<semaphore_mem>>) src(%dma_wait3A_372 : memref<100000x64xf32, #tpu.memory_space<hbm>>) dst(%dma_wait3A_366 : memref<50x64xf32, #tpu.memory_space<vmem>>)
    %add3A_373 = arith.constant 300 : i32
    %add3A_374 = arith.addi %mul3A_2, %add3A_373 : i32
    %dma_start3A_375 = arith.constant 6 : i32
    %dma_start3A_376 = arith.constant 0 : i32
    %dma_start3A_377 = arith.constant 0 : i32
    %dma_start3A_378 = tpu.memref_slice %arg6[%dma_start3A_375, %dma_start3A_376, %dma_start3A_377] : memref<8x50x64xf32, #tpu.memory_space<vmem>> -> memref<1x50x64xf32, #tpu.memory_space<vmem>>
    %dma_start3A_379 = tpu.memref_squeeze %dma_start3A_378 : memref<1x50x64xf32, #tpu.memory_space<vmem>> -> memref<50x64xf32, #tpu.memory_space<vmem>>
    %dma_start3A_380 = arith.constant 0 : i32
    %dma_start3A_381 = tpu.memref_slice %arg4[%add3A_374, %dma_start3A_380] : memref<204800x64xf32, #tpu.memory_space<hbm>> -> memref<50x64xf32, #tpu.memory_space<hbm>>
    %dma_start3A_382 = arith.constant 0 : i32
    %dma_start3A_383 = tpu.memref_slice %arg4[%add3A_374, %dma_start3A_382] : memref<204800x64xf32, #tpu.memory_space<hbm>> -> memref<50x64xf32, #tpu.memory_space<hbm>>
    %dma_start3A_384 = arith.constant 0 : i32
    %dma_start3A_385 = arith.constant 0 : i32
    %dma_start3A_386 = tpu.memref_slice %arg6[%dma_start3A_375, %dma_start3A_384, %dma_start3A_385] : memref<8x50x64xf32, #tpu.memory_space<vmem>> -> memref<1x50x64xf32, #tpu.memory_space<vmem>>
    %dma_start3A_387 = tpu.memref_squeeze %dma_start3A_386 : memref<1x50x64xf32, #tpu.memory_space<vmem>> -> memref<50x64xf32, #tpu.memory_space<vmem>>
    tpu.enqueue_dma source(%dma_start3A_387 : memref<50x64xf32, #tpu.memory_space<vmem>>) target(%dma_start3A_383 : memref<50x64xf32, #tpu.memory_space<hbm>>) target_semaphore(%arg21 : memref<!tpu.dma_semaphore, #tpu.memory_space<semaphore_mem>>)
    %dma_wait3A_388 = arith.constant 4 : i32
    %dma_wait3A_389 = arith.constant 0 : i32
    %dma_wait3A_390 = arith.constant 0 : i32
    %dma_wait3A_391 = tpu.memref_slice %arg6[%dma_wait3A_388, %dma_wait3A_389, %dma_wait3A_390] : memref<8x50x64xf32, #tpu.memory_space<vmem>> -> memref<1x50x64xf32, #tpu.memory_space<vmem>>
    %dma_wait3A_392 = tpu.memref_squeeze %dma_wait3A_391 : memref<1x50x64xf32, #tpu.memory_space<vmem>> -> memref<50x64xf32, #tpu.memory_space<vmem>>
    %dma_wait3A_393 = arith.constant 0 : i32
    %dma_wait3A_394 = tpu.memref_slice %arg4[%mul3A_2, %dma_wait3A_393] : memref<204800x64xf32, #tpu.memory_space<hbm>> -> memref<50x64xf32, #tpu.memory_space<hbm>>
    %dma_wait3A_395 = arith.constant 0 : i32
    %dma_wait3A_396 = tpu.memref_slice %arg4[%mul3A_2, %dma_wait3A_395] : memref<204800x64xf32, #tpu.memory_space<hbm>> -> memref<50x64xf32, #tpu.memory_space<hbm>>
    %dma_wait3A_397 = arith.constant 0 : i32
    %dma_wait3A_398 = arith.constant 0 : i32
    %dma_wait3A_399 = tpu.memref_slice %arg6[%dma_wait3A_388, %dma_wait3A_397, %dma_wait3A_398] : memref<8x50x64xf32, #tpu.memory_space<vmem>> -> memref<1x50x64xf32, #tpu.memory_space<vmem>>
    %dma_wait3A_400 = tpu.memref_squeeze %dma_wait3A_399 : memref<1x50x64xf32, #tpu.memory_space<vmem>> -> memref<50x64xf32, #tpu.memory_space<vmem>>
    tpu.wait_dma2 semaphore(%arg19 : memref<!tpu.dma_semaphore, #tpu.memory_space<semaphore_mem>>) src(%dma_wait3A_400 : memref<50x64xf32, #tpu.memory_space<vmem>>) dst(%dma_wait3A_396 : memref<50x64xf32, #tpu.memory_space<hbm>>)
    %dma_start3A_401 = arith.constant 12 : i32
    %dma_start3A_402 = arith.constant 4 : i32
    %dma_start3A_403 = arith.constant 0 : i32
    %dma_start3A_404 = arith.constant 0 : i32
    %dma_start3A_405 = tpu.memref_slice %arg6[%dma_start3A_402, %dma_start3A_403, %dma_start3A_404] : memref<8x50x64xf32, #tpu.memory_space<vmem>> -> memref<1x50x64xf32, #tpu.memory_space<vmem>>
    %dma_start3A_406 = tpu.memref_squeeze %dma_start3A_405 : memref<1x50x64xf32, #tpu.memory_space<vmem>> -> memref<50x64xf32, #tpu.memory_space<vmem>>
    %dma_start3A_407 = arith.constant 0 : i32
    %dma_start3A_408 = tpu.memref_slice %arg5[%dma_start3A_401, %dma_start3A_407] : memref<128x50xi32, #tpu.memory_space<vmem>> -> memref<1x50xi32, #tpu.memory_space<vmem>>
    %dma_start3A_409 = tpu.memref_squeeze %dma_start3A_408 : memref<1x50xi32, #tpu.memory_space<vmem>> -> memref<50xi32, #tpu.memory_space<vmem>>
    %dma_start3A_410 = arith.constant 0 : i32
    %dma_start3A_411 = arith.constant 0 : i32
    %dma_start3A_412 = tpu.memref_slice %arg2[%dma_start3A_410, %dma_start3A_411] : memref<100000x64xf32, #tpu.memory_space<hbm>> -> memref<100000x64xf32, #tpu.memory_space<hbm>>
    tpu.enqueue_indirect_dma source(%dma_start3A_412 : memref<100000x64xf32, #tpu.memory_space<hbm>>) target(%dma_start3A_406 : memref<50x64xf32, #tpu.memory_space<vmem>>) offsets(%dma_start3A_409 : memref<50xi32, #tpu.memory_space<vmem>>) semaphore(%arg11 : memref<!tpu.dma_semaphore, #tpu.memory_space<semaphore_mem>>)
    %dma_wait3A_413 = arith.constant 7 : i32
    %dma_wait3A_414 = arith.constant 7 : i32
    %dma_wait3A_415 = arith.constant 0 : i32
    %dma_wait3A_416 = arith.constant 0 : i32
    %dma_wait3A_417 = tpu.memref_slice %arg6[%dma_wait3A_414, %dma_wait3A_415, %dma_wait3A_416] : memref<8x50x64xf32, #tpu.memory_space<vmem>> -> memref<1x50x64xf32, #tpu.memory_space<vmem>>
    %dma_wait3A_418 = tpu.memref_squeeze %dma_wait3A_417 : memref<1x50x64xf32, #tpu.memory_space<vmem>> -> memref<50x64xf32, #tpu.memory_space<vmem>>
    %dma_wait3A_419 = arith.constant 0 : i32
    %dma_wait3A_420 = tpu.memref_slice %arg5[%dma_wait3A_413, %dma_wait3A_419] : memref<128x50xi32, #tpu.memory_space<vmem>> -> memref<1x50xi32, #tpu.memory_space<vmem>>
    %dma_wait3A_421 = tpu.memref_squeeze %dma_wait3A_420 : memref<1x50xi32, #tpu.memory_space<vmem>> -> memref<50xi32, #tpu.memory_space<vmem>>
    %dma_wait3A_422 = arith.constant 0 : i32
    %dma_wait3A_423 = arith.constant 0 : i32
    %dma_wait3A_424 = tpu.memref_slice %arg2[%dma_wait3A_422, %dma_wait3A_423] : memref<100000x64xf32, #tpu.memory_space<hbm>> -> memref<100000x64xf32, #tpu.memory_space<hbm>>
    tpu.wait_indirect_dma semaphore(%arg14 : memref<!tpu.dma_semaphore, #tpu.memory_space<semaphore_mem>>) src(%dma_wait3A_424 : memref<100000x64xf32, #tpu.memory_space<hbm>>) dst(%dma_wait3A_418 : memref<50x64xf32, #tpu.memory_space<vmem>>)
    %add3A_425 = arith.constant 350 : i32
    %add3A_426 = arith.addi %mul3A_2, %add3A_425 : i32
    %dma_start3A_427 = arith.constant 7 : i32
    %dma_start3A_428 = arith.constant 0 : i32
    %dma_start3A_429 = arith.constant 0 : i32
    %dma_start3A_430 = tpu.memref_slice %arg6[%dma_start3A_427, %dma_start3A_428, %dma_start3A_429] : memref<8x50x64xf32, #tpu.memory_space<vmem>> -> memref<1x50x64xf32, #tpu.memory_space<vmem>>
    %dma_start3A_431 = tpu.memref_squeeze %dma_start3A_430 : memref<1x50x64xf32, #tpu.memory_space<vmem>> -> memref<50x64xf32, #tpu.memory_space<vmem>>
    %dma_start3A_432 = arith.constant 0 : i32
    %dma_start3A_433 = tpu.memref_slice %arg4[%add3A_426, %dma_start3A_432] : memref<204800x64xf32, #tpu.memory_space<hbm>> -> memref<50x64xf32, #tpu.memory_space<hbm>>
    %dma_start3A_434 = arith.constant 0 : i32
    %dma_start3A_435 = tpu.memref_slice %arg4[%add3A_426, %dma_start3A_434] : memref<204800x64xf32, #tpu.memory_space<hbm>> -> memref<50x64xf32, #tpu.memory_space<hbm>>
    %dma_start3A_436 = arith.constant 0 : i32
    %dma_start3A_437 = arith.constant 0 : i32
    %dma_start3A_438 = tpu.memref_slice %arg6[%dma_start3A_427, %dma_start3A_436, %dma_start3A_437] : memref<8x50x64xf32, #tpu.memory_space<vmem>> -> memref<1x50x64xf32, #tpu.memory_space<vmem>>
    %dma_start3A_439 = tpu.memref_squeeze %dma_start3A_438 : memref<1x50x64xf32, #tpu.memory_space<vmem>> -> memref<50x64xf32, #tpu.memory_space<vmem>>
    tpu.enqueue_dma source(%dma_start3A_439 : memref<50x64xf32, #tpu.memory_space<vmem>>) target(%dma_start3A_435 : memref<50x64xf32, #tpu.memory_space<hbm>>) target_semaphore(%arg22 : memref<!tpu.dma_semaphore, #tpu.memory_space<semaphore_mem>>)
    %dma_wait3A_440 = arith.constant 5 : i32
    %dma_wait3A_441 = arith.constant 0 : i32
    %dma_wait3A_442 = arith.constant 0 : i32
    %dma_wait3A_443 = tpu.memref_slice %arg6[%dma_wait3A_440, %dma_wait3A_441, %dma_wait3A_442] : memref<8x50x64xf32, #tpu.memory_space<vmem>> -> memref<1x50x64xf32, #tpu.memory_space<vmem>>
    %dma_wait3A_444 = tpu.memref_squeeze %dma_wait3A_443 : memref<1x50x64xf32, #tpu.memory_space<vmem>> -> memref<50x64xf32, #tpu.memory_space<vmem>>
    %dma_wait3A_445 = arith.constant 0 : i32
    %dma_wait3A_446 = tpu.memref_slice %arg4[%mul3A_2, %dma_wait3A_445] : memref<204800x64xf32, #tpu.memory_space<hbm>> -> memref<50x64xf32, #tpu.memory_space<hbm>>
    %dma_wait3A_447 = arith.constant 0 : i32
    %dma_wait3A_448 = tpu.memref_slice %arg4[%mul3A_2, %dma_wait3A_447] : memref<204800x64xf32, #tpu.memory_space<hbm>> -> memref<50x64xf32, #tpu.memory_space<hbm>>
    %dma_wait3A_449 = arith.constant 0 : i32
    %dma_wait3A_450 = arith.constant 0 : i32
    %dma_wait3A_451 = tpu.memref_slice %arg6[%dma_wait3A_440, %dma_wait3A_449, %dma_wait3A_450] : memref<8x50x64xf32, #tpu.memory_space<vmem>> -> memref<1x50x64xf32, #tpu.memory_space<vmem>>
    %dma_wait3A_452 = tpu.memref_squeeze %dma_wait3A_451 : memref<1x50x64xf32, #tpu.memory_space<vmem>> -> memref<50x64xf32, #tpu.memory_space<vmem>>
    tpu.wait_dma2 semaphore(%arg20 : memref<!tpu.dma_semaphore, #tpu.memory_space<semaphore_mem>>) src(%dma_wait3A_452 : memref<50x64xf32, #tpu.memory_space<vmem>>) dst(%dma_wait3A_448 : memref<50x64xf32, #tpu.memory_space<hbm>>)
    %dma_start3A_453 = arith.constant 13 : i32
    %dma_start3A_454 = arith.constant 5 : i32
    %dma_start3A_455 = arith.constant 0 : i32
    %dma_start3A_456 = arith.constant 0 : i32
    %dma_start3A_457 = tpu.memref_slice %arg6[%dma_start3A_454, %dma_start3A_455, %dma_start3A_456] : memref<8x50x64xf32, #tpu.memory_space<vmem>> -> memref<1x50x64xf32, #tpu.memory_space<vmem>>
    %dma_start3A_458 = tpu.memref_squeeze %dma_start3A_457 : memref<1x50x64xf32, #tpu.memory_space<vmem>> -> memref<50x64xf32, #tpu.memory_space<vmem>>
    %dma_start3A_459 = arith.constant 0 : i32
    %dma_start3A_460 = tpu.memref_slice %arg5[%dma_start3A_453, %dma_start3A_459] : memref<128x50xi32, #tpu.memory_space<vmem>> -> memref<1x50xi32, #tpu.memory_space<vmem>>
    %dma_start3A_461 = tpu.memref_squeeze %dma_start3A_460 : memref<1x50xi32, #tpu.memory_space<vmem>> -> memref<50xi32, #tpu.memory_space<vmem>>
    %dma_start3A_462 = arith.constant 0 : i32
    %dma_start3A_463 = arith.constant 0 : i32
    %dma_start3A_464 = tpu.memref_slice %arg2[%dma_start3A_462, %dma_start3A_463] : memref<100000x64xf32, #tpu.memory_space<hbm>> -> memref<100000x64xf32, #tpu.memory_space<hbm>>
    tpu.enqueue_indirect_dma source(%dma_start3A_464 : memref<100000x64xf32, #tpu.memory_space<hbm>>) target(%dma_start3A_458 : memref<50x64xf32, #tpu.memory_space<vmem>>) offsets(%dma_start3A_461 : memref<50xi32, #tpu.memory_space<vmem>>) semaphore(%arg12 : memref<!tpu.dma_semaphore, #tpu.memory_space<semaphore_mem>>)
    %scan3A = arith.constant 0 : i32
    %scan3A_465 = arith.constant 1 : i32
    %scan3A_466 = arith.constant 14 : i32
    %scan3A_467 = arith.addi %scan3A_465, %scan3A_466 : i32
    %scan3A_468 = arith.constant 1 : i32
    scf.for %scan3A_840 = %scan3A_465 to %scan3A_467 step %scan3A_468  : i32 {
      %mul3A_841 = arith.constant 8 : i32
      %mul3A_842 = arith.muli %scan3A_840, %mul3A_841 : i32
      %add3A_843 = arith.constant 0 : i32
      %add3A_844 = arith.addi %mul3A_842, %add3A_843 : i32
      %dma_wait3A_845 = arith.constant 0 : i32
      %dma_wait3A_846 = arith.constant 0 : i32
      %dma_wait3A_847 = arith.constant 0 : i32
      %dma_wait3A_848 = tpu.memref_slice %arg6[%dma_wait3A_845, %dma_wait3A_846, %dma_wait3A_847] : memref<8x50x64xf32, #tpu.memory_space<vmem>> -> memref<1x50x64xf32, #tpu.memory_space<vmem>>
      %dma_wait3A_849 = tpu.memref_squeeze %dma_wait3A_848 : memref<1x50x64xf32, #tpu.memory_space<vmem>> -> memref<50x64xf32, #tpu.memory_space<vmem>>
      %dma_wait3A_850 = arith.constant 0 : i32
      %dma_wait3A_851 = tpu.memref_slice %arg5[%add3A_844, %dma_wait3A_850] : memref<128x50xi32, #tpu.memory_space<vmem>> -> memref<1x50xi32, #tpu.memory_space<vmem>>
      %dma_wait3A_852 = tpu.memref_squeeze %dma_wait3A_851 : memref<1x50xi32, #tpu.memory_space<vmem>> -> memref<50xi32, #tpu.memory_space<vmem>>
      %dma_wait3A_853 = arith.constant 0 : i32
      %dma_wait3A_854 = arith.constant 0 : i32
      %dma_wait3A_855 = tpu.memref_slice %arg2[%dma_wait3A_853, %dma_wait3A_854] : memref<100000x64xf32, #tpu.memory_space<hbm>> -> memref<100000x64xf32, #tpu.memory_space<hbm>>
      tpu.wait_indirect_dma semaphore(%arg7 : memref<!tpu.dma_semaphore, #tpu.memory_space<semaphore_mem>>) src(%dma_wait3A_855 : memref<100000x64xf32, #tpu.memory_space<hbm>>) dst(%dma_wait3A_849 : memref<50x64xf32, #tpu.memory_space<vmem>>)
      %mul3A_856 = arith.constant 50 : i32
      %mul3A_857 = arith.muli %add3A_844, %mul3A_856 : i32
      %add3A_858 = arith.addi %mul3A_2, %mul3A_857 : i32
      %dma_start3A_859 = arith.constant 0 : i32
      %dma_start3A_860 = arith.constant 0 : i32
      %dma_start3A_861 = arith.constant 0 : i32
      %dma_start3A_862 = tpu.memref_slice %arg6[%dma_start3A_859, %dma_start3A_860, %dma_start3A_861] : memref<8x50x64xf32, #tpu.memory_space<vmem>> -> memref<1x50x64xf32, #tpu.memory_space<vmem>>
      %dma_start3A_863 = tpu.memref_squeeze %dma_start3A_862 : memref<1x50x64xf32, #tpu.memory_space<vmem>> -> memref<50x64xf32, #tpu.memory_space<vmem>>
      %dma_start3A_864 = arith.constant 0 : i32
      %dma_start3A_865 = tpu.memref_slice %arg4[%add3A_858, %dma_start3A_864] : memref<204800x64xf32, #tpu.memory_space<hbm>> -> memref<50x64xf32, #tpu.memory_space<hbm>>
      %dma_start3A_866 = arith.constant 0 : i32
      %dma_start3A_867 = tpu.memref_slice %arg4[%add3A_858, %dma_start3A_866] : memref<204800x64xf32, #tpu.memory_space<hbm>> -> memref<50x64xf32, #tpu.memory_space<hbm>>
      %dma_start3A_868 = arith.constant 0 : i32
      %dma_start3A_869 = arith.constant 0 : i32
      %dma_start3A_870 = tpu.memref_slice %arg6[%dma_start3A_859, %dma_start3A_868, %dma_start3A_869] : memref<8x50x64xf32, #tpu.memory_space<vmem>> -> memref<1x50x64xf32, #tpu.memory_space<vmem>>
      %dma_start3A_871 = tpu.memref_squeeze %dma_start3A_870 : memref<1x50x64xf32, #tpu.memory_space<vmem>> -> memref<50x64xf32, #tpu.memory_space<vmem>>
      tpu.enqueue_dma source(%dma_start3A_871 : memref<50x64xf32, #tpu.memory_space<vmem>>) target(%dma_start3A_867 : memref<50x64xf32, #tpu.memory_space<hbm>>) target_semaphore(%arg15 : memref<!tpu.dma_semaphore, #tpu.memory_space<semaphore_mem>>)
      %dma_wait3A_872 = arith.constant 6 : i32
      %dma_wait3A_873 = arith.constant 0 : i32
      %dma_wait3A_874 = arith.constant 0 : i32
      %dma_wait3A_875 = tpu.memref_slice %arg6[%dma_wait3A_872, %dma_wait3A_873, %dma_wait3A_874] : memref<8x50x64xf32, #tpu.memory_space<vmem>> -> memref<1x50x64xf32, #tpu.memory_space<vmem>>
      %dma_wait3A_876 = tpu.memref_squeeze %dma_wait3A_875 : memref<1x50x64xf32, #tpu.memory_space<vmem>> -> memref<50x64xf32, #tpu.memory_space<vmem>>
      %dma_wait3A_877 = arith.constant 0 : i32
      %dma_wait3A_878 = tpu.memref_slice %arg4[%mul3A_2, %dma_wait3A_877] : memref<204800x64xf32, #tpu.memory_space<hbm>> -> memref<50x64xf32, #tpu.memory_space<hbm>>
      %dma_wait3A_879 = arith.constant 0 : i32
      %dma_wait3A_880 = tpu.memref_slice %arg4[%mul3A_2, %dma_wait3A_879] : memref<204800x64xf32, #tpu.memory_space<hbm>> -> memref<50x64xf32, #tpu.memory_space<hbm>>
      %dma_wait3A_881 = arith.constant 0 : i32
      %dma_wait3A_882 = arith.constant 0 : i32
      %dma_wait3A_883 = tpu.memref_slice %arg6[%dma_wait3A_872, %dma_wait3A_881, %dma_wait3A_882] : memref<8x50x64xf32, #tpu.memory_space<vmem>> -> memref<1x50x64xf32, #tpu.memory_space<vmem>>
      %dma_wait3A_884 = tpu.memref_squeeze %dma_wait3A_883 : memref<1x50x64xf32, #tpu.memory_space<vmem>> -> memref<50x64xf32, #tpu.memory_space<vmem>>
      tpu.wait_dma2 semaphore(%arg21 : memref<!tpu.dma_semaphore, #tpu.memory_space<semaphore_mem>>) src(%dma_wait3A_884 : memref<50x64xf32, #tpu.memory_space<vmem>>) dst(%dma_wait3A_880 : memref<50x64xf32, #tpu.memory_space<hbm>>)
      %add3A_885 = arith.constant 8 : i32
      %add3A_886 = arith.addi %add3A_844, %add3A_885 : i32
      %sub3A = arith.constant 2 : i32
      %sub3A_887 = arith.subi %add3A_886, %sub3A : i32
      %dma_start3A_888 = arith.constant 6 : i32
      %dma_start3A_889 = arith.constant 0 : i32
      %dma_start3A_890 = arith.constant 0 : i32
      %dma_start3A_891 = tpu.memref_slice %arg6[%dma_start3A_888, %dma_start3A_889, %dma_start3A_890] : memref<8x50x64xf32, #tpu.memory_space<vmem>> -> memref<1x50x64xf32, #tpu.memory_space<vmem>>
      %dma_start3A_892 = tpu.memref_squeeze %dma_start3A_891 : memref<1x50x64xf32, #tpu.memory_space<vmem>> -> memref<50x64xf32, #tpu.memory_space<vmem>>
      %dma_start3A_893 = arith.constant 0 : i32
      %dma_start3A_894 = tpu.memref_slice %arg5[%sub3A_887, %dma_start3A_893] : memref<128x50xi32, #tpu.memory_space<vmem>> -> memref<1x50xi32, #tpu.memory_space<vmem>>
      %dma_start3A_895 = tpu.memref_squeeze %dma_start3A_894 : memref<1x50xi32, #tpu.memory_space<vmem>> -> memref<50xi32, #tpu.memory_space<vmem>>
      %dma_start3A_896 = arith.constant 0 : i32
      %dma_start3A_897 = arith.constant 0 : i32
      %dma_start3A_898 = tpu.memref_slice %arg2[%dma_start3A_896, %dma_start3A_897] : memref<100000x64xf32, #tpu.memory_space<hbm>> -> memref<100000x64xf32, #tpu.memory_space<hbm>>
      tpu.enqueue_indirect_dma source(%dma_start3A_898 : memref<100000x64xf32, #tpu.memory_space<hbm>>) target(%dma_start3A_892 : memref<50x64xf32, #tpu.memory_space<vmem>>) offsets(%dma_start3A_895 : memref<50xi32, #tpu.memory_space<vmem>>) semaphore(%arg13 : memref<!tpu.dma_semaphore, #tpu.memory_space<semaphore_mem>>)
      %mul3A_899 = arith.constant 8 : i32
      %mul3A_900 = arith.muli %scan3A_840, %mul3A_899 : i32
      %add3A_901 = arith.constant 1 : i32
      %add3A_902 = arith.addi %mul3A_900, %add3A_901 : i32
      %dma_wait3A_903 = arith.constant 1 : i32
      %dma_wait3A_904 = arith.constant 0 : i32
      %dma_wait3A_905 = arith.constant 0 : i32
      %dma_wait3A_906 = tpu.memref_slice %arg6[%dma_wait3A_903, %dma_wait3A_904, %dma_wait3A_905] : memref<8x50x64xf32, #tpu.memory_space<vmem>> -> memref<1x50x64xf32, #tpu.memory_space<vmem>>
      %dma_wait3A_907 = tpu.memref_squeeze %dma_wait3A_906 : memref<1x50x64xf32, #tpu.memory_space<vmem>> -> memref<50x64xf32, #tpu.memory_space<vmem>>
      %dma_wait3A_908 = arith.constant 0 : i32
      %dma_wait3A_909 = tpu.memref_slice %arg5[%add3A_902, %dma_wait3A_908] : memref<128x50xi32, #tpu.memory_space<vmem>> -> memref<1x50xi32, #tpu.memory_space<vmem>>
      %dma_wait3A_910 = tpu.memref_squeeze %dma_wait3A_909 : memref<1x50xi32, #tpu.memory_space<vmem>> -> memref<50xi32, #tpu.memory_space<vmem>>
      %dma_wait3A_911 = arith.constant 0 : i32
      %dma_wait3A_912 = arith.constant 0 : i32
      %dma_wait3A_913 = tpu.memref_slice %arg2[%dma_wait3A_911, %dma_wait3A_912] : memref<100000x64xf32, #tpu.memory_space<hbm>> -> memref<100000x64xf32, #tpu.memory_space<hbm>>
      tpu.wait_indirect_dma semaphore(%arg8 : memref<!tpu.dma_semaphore, #tpu.memory_space<semaphore_mem>>) src(%dma_wait3A_913 : memref<100000x64xf32, #tpu.memory_space<hbm>>) dst(%dma_wait3A_907 : memref<50x64xf32, #tpu.memory_space<vmem>>)
      %mul3A_914 = arith.constant 50 : i32
      %mul3A_915 = arith.muli %add3A_902, %mul3A_914 : i32
      %add3A_916 = arith.addi %mul3A_2, %mul3A_915 : i32
      %dma_start3A_917 = arith.constant 1 : i32
      %dma_start3A_918 = arith.constant 0 : i32
      %dma_start3A_919 = arith.constant 0 : i32
      %dma_start3A_920 = tpu.memref_slice %arg6[%dma_start3A_917, %dma_start3A_918, %dma_start3A_919] : memref<8x50x64xf32, #tpu.memory_space<vmem>> -> memref<1x50x64xf32, #tpu.memory_space<vmem>>
      %dma_start3A_921 = tpu.memref_squeeze %dma_start3A_920 : memref<1x50x64xf32, #tpu.memory_space<vmem>> -> memref<50x64xf32, #tpu.memory_space<vmem>>
      %dma_start3A_922 = arith.constant 0 : i32
      %dma_start3A_923 = tpu.memref_slice %arg4[%add3A_916, %dma_start3A_922] : memref<204800x64xf32, #tpu.memory_space<hbm>> -> memref<50x64xf32, #tpu.memory_space<hbm>>
      %dma_start3A_924 = arith.constant 0 : i32
      %dma_start3A_925 = tpu.memref_slice %arg4[%add3A_916, %dma_start3A_924] : memref<204800x64xf32, #tpu.memory_space<hbm>> -> memref<50x64xf32, #tpu.memory_space<hbm>>
      %dma_start3A_926 = arith.constant 0 : i32
      %dma_start3A_927 = arith.constant 0 : i32
      %dma_start3A_928 = tpu.memref_slice %arg6[%dma_start3A_917, %dma_start3A_926, %dma_start3A_927] : memref<8x50x64xf32, #tpu.memory_space<vmem>> -> memref<1x50x64xf32, #tpu.memory_space<vmem>>
      %dma_start3A_929 = tpu.memref_squeeze %dma_start3A_928 : memref<1x50x64xf32, #tpu.memory_space<vmem>> -> memref<50x64xf32, #tpu.memory_space<vmem>>
      tpu.enqueue_dma source(%dma_start3A_929 : memref<50x64xf32, #tpu.memory_space<vmem>>) target(%dma_start3A_925 : memref<50x64xf32, #tpu.memory_space<hbm>>) target_semaphore(%arg16 : memref<!tpu.dma_semaphore, #tpu.memory_space<semaphore_mem>>)
      %dma_wait3A_930 = arith.constant 7 : i32
      %dma_wait3A_931 = arith.constant 0 : i32
      %dma_wait3A_932 = arith.constant 0 : i32
      %dma_wait3A_933 = tpu.memref_slice %arg6[%dma_wait3A_930, %dma_wait3A_931, %dma_wait3A_932] : memref<8x50x64xf32, #tpu.memory_space<vmem>> -> memref<1x50x64xf32, #tpu.memory_space<vmem>>
      %dma_wait3A_934 = tpu.memref_squeeze %dma_wait3A_933 : memref<1x50x64xf32, #tpu.memory_space<vmem>> -> memref<50x64xf32, #tpu.memory_space<vmem>>
      %dma_wait3A_935 = arith.constant 0 : i32
      %dma_wait3A_936 = tpu.memref_slice %arg4[%mul3A_2, %dma_wait3A_935] : memref<204800x64xf32, #tpu.memory_space<hbm>> -> memref<50x64xf32, #tpu.memory_space<hbm>>
      %dma_wait3A_937 = arith.constant 0 : i32
      %dma_wait3A_938 = tpu.memref_slice %arg4[%mul3A_2, %dma_wait3A_937] : memref<204800x64xf32, #tpu.memory_space<hbm>> -> memref<50x64xf32, #tpu.memory_space<hbm>>
      %dma_wait3A_939 = arith.constant 0 : i32
      %dma_wait3A_940 = arith.constant 0 : i32
      %dma_wait3A_941 = tpu.memref_slice %arg6[%dma_wait3A_930, %dma_wait3A_939, %dma_wait3A_940] : memref<8x50x64xf32, #tpu.memory_space<vmem>> -> memref<1x50x64xf32, #tpu.memory_space<vmem>>
      %dma_wait3A_942 = tpu.memref_squeeze %dma_wait3A_941 : memref<1x50x64xf32, #tpu.memory_space<vmem>> -> memref<50x64xf32, #tpu.memory_space<vmem>>
      tpu.wait_dma2 semaphore(%arg22 : memref<!tpu.dma_semaphore, #tpu.memory_space<semaphore_mem>>) src(%dma_wait3A_942 : memref<50x64xf32, #tpu.memory_space<vmem>>) dst(%dma_wait3A_938 : memref<50x64xf32, #tpu.memory_space<hbm>>)
      %add3A_943 = arith.constant 8 : i32
      %add3A_944 = arith.addi %add3A_902, %add3A_943 : i32
      %sub3A_945 = arith.constant 2 : i32
      %sub3A_946 = arith.subi %add3A_944, %sub3A_945 : i32
      %dma_start3A_947 = arith.constant 7 : i32
      %dma_start3A_948 = arith.constant 0 : i32
      %dma_start3A_949 = arith.constant 0 : i32
      %dma_start3A_950 = tpu.memref_slice %arg6[%dma_start3A_947, %dma_start3A_948, %dma_start3A_949] : memref<8x50x64xf32, #tpu.memory_space<vmem>> -> memref<1x50x64xf32, #tpu.memory_space<vmem>>
      %dma_start3A_951 = tpu.memref_squeeze %dma_start3A_950 : memref<1x50x64xf32, #tpu.memory_space<vmem>> -> memref<50x64xf32, #tpu.memory_space<vmem>>
      %dma_start3A_952 = arith.constant 0 : i32
      %dma_start3A_953 = tpu.memref_slice %arg5[%sub3A_946, %dma_start3A_952] : memref<128x50xi32, #tpu.memory_space<vmem>> -> memref<1x50xi32, #tpu.memory_space<vmem>>
      %dma_start3A_954 = tpu.memref_squeeze %dma_start3A_953 : memref<1x50xi32, #tpu.memory_space<vmem>> -> memref<50xi32, #tpu.memory_space<vmem>>
      %dma_start3A_955 = arith.constant 0 : i32
      %dma_start3A_956 = arith.constant 0 : i32
      %dma_start3A_957 = tpu.memref_slice %arg2[%dma_start3A_955, %dma_start3A_956] : memref<100000x64xf32, #tpu.memory_space<hbm>> -> memref<100000x64xf32, #tpu.memory_space<hbm>>
      tpu.enqueue_indirect_dma source(%dma_start3A_957 : memref<100000x64xf32, #tpu.memory_space<hbm>>) target(%dma_start3A_951 : memref<50x64xf32, #tpu.memory_space<vmem>>) offsets(%dma_start3A_954 : memref<50xi32, #tpu.memory_space<vmem>>) semaphore(%arg14 : memref<!tpu.dma_semaphore, #tpu.memory_space<semaphore_mem>>)
      %mul3A_958 = arith.constant 8 : i32
      %mul3A_959 = arith.muli %scan3A_840, %mul3A_958 : i32
      %add3A_960 = arith.constant 2 : i32
      %add3A_961 = arith.addi %mul3A_959, %add3A_960 : i32
      %dma_wait3A_962 = arith.constant 2 : i32
      %dma_wait3A_963 = arith.constant 0 : i32
      %dma_wait3A_964 = arith.constant 0 : i32
      %dma_wait3A_965 = tpu.memref_slice %arg6[%dma_wait3A_962, %dma_wait3A_963, %dma_wait3A_964] : memref<8x50x64xf32, #tpu.memory_space<vmem>> -> memref<1x50x64xf32, #tpu.memory_space<vmem>>
      %dma_wait3A_966 = tpu.memref_squeeze %dma_wait3A_965 : memref<1x50x64xf32, #tpu.memory_space<vmem>> -> memref<50x64xf32, #tpu.memory_space<vmem>>
      %dma_wait3A_967 = arith.constant 0 : i32
      %dma_wait3A_968 = tpu.memref_slice %arg5[%add3A_961, %dma_wait3A_967] : memref<128x50xi32, #tpu.memory_space<vmem>> -> memref<1x50xi32, #tpu.memory_space<vmem>>
      %dma_wait3A_969 = tpu.memref_squeeze %dma_wait3A_968 : memref<1x50xi32, #tpu.memory_space<vmem>> -> memref<50xi32, #tpu.memory_space<vmem>>
      %dma_wait3A_970 = arith.constant 0 : i32
      %dma_wait3A_971 = arith.constant 0 : i32
      %dma_wait3A_972 = tpu.memref_slice %arg2[%dma_wait3A_970, %dma_wait3A_971] : memref<100000x64xf32, #tpu.memory_space<hbm>> -> memref<100000x64xf32, #tpu.memory_space<hbm>>
      tpu.wait_indirect_dma semaphore(%arg9 : memref<!tpu.dma_semaphore, #tpu.memory_space<semaphore_mem>>) src(%dma_wait3A_972 : memref<100000x64xf32, #tpu.memory_space<hbm>>) dst(%dma_wait3A_966 : memref<50x64xf32, #tpu.memory_space<vmem>>)
      %mul3A_973 = arith.constant 50 : i32
      %mul3A_974 = arith.muli %add3A_961, %mul3A_973 : i32
      %add3A_975 = arith.addi %mul3A_2, %mul3A_974 : i32
      %dma_start3A_976 = arith.constant 2 : i32
      %dma_start3A_977 = arith.constant 0 : i32
      %dma_start3A_978 = arith.constant 0 : i32
      %dma_start3A_979 = tpu.memref_slice %arg6[%dma_start3A_976, %dma_start3A_977, %dma_start3A_978] : memref<8x50x64xf32, #tpu.memory_space<vmem>> -> memref<1x50x64xf32, #tpu.memory_space<vmem>>
      %dma_start3A_980 = tpu.memref_squeeze %dma_start3A_979 : memref<1x50x64xf32, #tpu.memory_space<vmem>> -> memref<50x64xf32, #tpu.memory_space<vmem>>
      %dma_start3A_981 = arith.constant 0 : i32
      %dma_start3A_982 = tpu.memref_slice %arg4[%add3A_975, %dma_start3A_981] : memref<204800x64xf32, #tpu.memory_space<hbm>> -> memref<50x64xf32, #tpu.memory_space<hbm>>
      %dma_start3A_983 = arith.constant 0 : i32
      %dma_start3A_984 = tpu.memref_slice %arg4[%add3A_975, %dma_start3A_983] : memref<204800x64xf32, #tpu.memory_space<hbm>> -> memref<50x64xf32, #tpu.memory_space<hbm>>
      %dma_start3A_985 = arith.constant 0 : i32
      %dma_start3A_986 = arith.constant 0 : i32
      %dma_start3A_987 = tpu.memref_slice %arg6[%dma_start3A_976, %dma_start3A_985, %dma_start3A_986] : memref<8x50x64xf32, #tpu.memory_space<vmem>> -> memref<1x50x64xf32, #tpu.memory_space<vmem>>
      %dma_start3A_988 = tpu.memref_squeeze %dma_start3A_987 : memref<1x50x64xf32, #tpu.memory_space<vmem>> -> memref<50x64xf32, #tpu.memory_space<vmem>>
      tpu.enqueue_dma source(%dma_start3A_988 : memref<50x64xf32, #tpu.memory_space<vmem>>) target(%dma_start3A_984 : memref<50x64xf32, #tpu.memory_space<hbm>>) target_semaphore(%arg17 : memref<!tpu.dma_semaphore, #tpu.memory_space<semaphore_mem>>)
      %dma_wait3A_989 = arith.constant 0 : i32
      %dma_wait3A_990 = arith.constant 0 : i32
      %dma_wait3A_991 = arith.constant 0 : i32
      %dma_wait3A_992 = tpu.memref_slice %arg6[%dma_wait3A_989, %dma_wait3A_990, %dma_wait3A_991] : memref<8x50x64xf32, #tpu.memory_space<vmem>> -> memref<1x50x64xf32, #tpu.memory_space<vmem>>
      %dma_wait3A_993 = tpu.memref_squeeze %dma_wait3A_992 : memref<1x50x64xf32, #tpu.memory_space<vmem>> -> memref<50x64xf32, #tpu.memory_space<vmem>>
      %dma_wait3A_994 = arith.constant 0 : i32
      %dma_wait3A_995 = tpu.memref_slice %arg4[%mul3A_2, %dma_wait3A_994] : memref<204800x64xf32, #tpu.memory_space<hbm>> -> memref<50x64xf32, #tpu.memory_space<hbm>>
      %dma_wait3A_996 = arith.constant 0 : i32
      %dma_wait3A_997 = tpu.memref_slice %arg4[%mul3A_2, %dma_wait3A_996] : memref<204800x64xf32, #tpu.memory_space<hbm>> -> memref<50x64xf32, #tpu.memory_space<hbm>>
      %dma_wait3A_998 = arith.constant 0 : i32
      %dma_wait3A_999 = arith.constant 0 : i32
      %dma_wait3A_1000 = tpu.memref_slice %arg6[%dma_wait3A_989, %dma_wait3A_998, %dma_wait3A_999] : memref<8x50x64xf32, #tpu.memory_space<vmem>> -> memref<1x50x64xf32, #tpu.memory_space<vmem>>
      %dma_wait3A_1001 = tpu.memref_squeeze %dma_wait3A_1000 : memref<1x50x64xf32, #tpu.memory_space<vmem>> -> memref<50x64xf32, #tpu.memory_space<vmem>>
      tpu.wait_dma2 semaphore(%arg15 : memref<!tpu.dma_semaphore, #tpu.memory_space<semaphore_mem>>) src(%dma_wait3A_1001 : memref<50x64xf32, #tpu.memory_space<vmem>>) dst(%dma_wait3A_997 : memref<50x64xf32, #tpu.memory_space<hbm>>)
      %add3A_1002 = arith.constant 8 : i32
      %add3A_1003 = arith.addi %add3A_961, %add3A_1002 : i32
      %sub3A_1004 = arith.constant 2 : i32
      %sub3A_1005 = arith.subi %add3A_1003, %sub3A_1004 : i32
      %dma_start3A_1006 = arith.constant 0 : i32
      %dma_start3A_1007 = arith.constant 0 : i32
      %dma_start3A_1008 = arith.constant 0 : i32
      %dma_start3A_1009 = tpu.memref_slice %arg6[%dma_start3A_1006, %dma_start3A_1007, %dma_start3A_1008] : memref<8x50x64xf32, #tpu.memory_space<vmem>> -> memref<1x50x64xf32, #tpu.memory_space<vmem>>
      %dma_start3A_1010 = tpu.memref_squeeze %dma_start3A_1009 : memref<1x50x64xf32, #tpu.memory_space<vmem>> -> memref<50x64xf32, #tpu.memory_space<vmem>>
      %dma_start3A_1011 = arith.constant 0 : i32
      %dma_start3A_1012 = tpu.memref_slice %arg5[%sub3A_1005, %dma_start3A_1011] : memref<128x50xi32, #tpu.memory_space<vmem>> -> memref<1x50xi32, #tpu.memory_space<vmem>>
      %dma_start3A_1013 = tpu.memref_squeeze %dma_start3A_1012 : memref<1x50xi32, #tpu.memory_space<vmem>> -> memref<50xi32, #tpu.memory_space<vmem>>
      %dma_start3A_1014 = arith.constant 0 : i32
      %dma_start3A_1015 = arith.constant 0 : i32
      %dma_start3A_1016 = tpu.memref_slice %arg2[%dma_start3A_1014, %dma_start3A_1015] : memref<100000x64xf32, #tpu.memory_space<hbm>> -> memref<100000x64xf32, #tpu.memory_space<hbm>>
      tpu.enqueue_indirect_dma source(%dma_start3A_1016 : memref<100000x64xf32, #tpu.memory_space<hbm>>) target(%dma_start3A_1010 : memref<50x64xf32, #tpu.memory_space<vmem>>) offsets(%dma_start3A_1013 : memref<50xi32, #tpu.memory_space<vmem>>) semaphore(%arg7 : memref<!tpu.dma_semaphore, #tpu.memory_space<semaphore_mem>>)
      %mul3A_1017 = arith.constant 8 : i32
      %mul3A_1018 = arith.muli %scan3A_840, %mul3A_1017 : i32
      %add3A_1019 = arith.constant 3 : i32
      %add3A_1020 = arith.addi %mul3A_1018, %add3A_1019 : i32
      %dma_wait3A_1021 = arith.constant 3 : i32
      %dma_wait3A_1022 = arith.constant 0 : i32
      %dma_wait3A_1023 = arith.constant 0 : i32
      %dma_wait3A_1024 = tpu.memref_slice %arg6[%dma_wait3A_1021, %dma_wait3A_1022, %dma_wait3A_1023] : memref<8x50x64xf32, #tpu.memory_space<vmem>> -> memref<1x50x64xf32, #tpu.memory_space<vmem>>
      %dma_wait3A_1025 = tpu.memref_squeeze %dma_wait3A_1024 : memref<1x50x64xf32, #tpu.memory_space<vmem>> -> memref<50x64xf32, #tpu.memory_space<vmem>>
      %dma_wait3A_1026 = arith.constant 0 : i32
      %dma_wait3A_1027 = tpu.memref_slice %arg5[%add3A_1020, %dma_wait3A_1026] : memref<128x50xi32, #tpu.memory_space<vmem>> -> memref<1x50xi32, #tpu.memory_space<vmem>>
      %dma_wait3A_1028 = tpu.memref_squeeze %dma_wait3A_1027 : memref<1x50xi32, #tpu.memory_space<vmem>> -> memref<50xi32, #tpu.memory_space<vmem>>
      %dma_wait3A_1029 = arith.constant 0 : i32
      %dma_wait3A_1030 = arith.constant 0 : i32
      %dma_wait3A_1031 = tpu.memref_slice %arg2[%dma_wait3A_1029, %dma_wait3A_1030] : memref<100000x64xf32, #tpu.memory_space<hbm>> -> memref<100000x64xf32, #tpu.memory_space<hbm>>
      tpu.wait_indirect_dma semaphore(%arg10 : memref<!tpu.dma_semaphore, #tpu.memory_space<semaphore_mem>>) src(%dma_wait3A_1031 : memref<100000x64xf32, #tpu.memory_space<hbm>>) dst(%dma_wait3A_1025 : memref<50x64xf32, #tpu.memory_space<vmem>>)
      %mul3A_1032 = arith.constant 50 : i32
      %mul3A_1033 = arith.muli %add3A_1020, %mul3A_1032 : i32
      %add3A_1034 = arith.addi %mul3A_2, %mul3A_1033 : i32
      %dma_start3A_1035 = arith.constant 3 : i32
      %dma_start3A_1036 = arith.constant 0 : i32
      %dma_start3A_1037 = arith.constant 0 : i32
      %dma_start3A_1038 = tpu.memref_slice %arg6[%dma_start3A_1035, %dma_start3A_1036, %dma_start3A_1037] : memref<8x50x64xf32, #tpu.memory_space<vmem>> -> memref<1x50x64xf32, #tpu.memory_space<vmem>>
      %dma_start3A_1039 = tpu.memref_squeeze %dma_start3A_1038 : memref<1x50x64xf32, #tpu.memory_space<vmem>> -> memref<50x64xf32, #tpu.memory_space<vmem>>
      %dma_start3A_1040 = arith.constant 0 : i32
      %dma_start3A_1041 = tpu.memref_slice %arg4[%add3A_1034, %dma_start3A_1040] : memref<204800x64xf32, #tpu.memory_space<hbm>> -> memref<50x64xf32, #tpu.memory_space<hbm>>
      %dma_start3A_1042 = arith.constant 0 : i32
      %dma_start3A_1043 = tpu.memref_slice %arg4[%add3A_1034, %dma_start3A_1042] : memref<204800x64xf32, #tpu.memory_space<hbm>> -> memref<50x64xf32, #tpu.memory_space<hbm>>
      %dma_start3A_1044 = arith.constant 0 : i32
      %dma_start3A_1045 = arith.constant 0 : i32
      %dma_start3A_1046 = tpu.memref_slice %arg6[%dma_start3A_1035, %dma_start3A_1044, %dma_start3A_1045] : memref<8x50x64xf32, #tpu.memory_space<vmem>> -> memref<1x50x64xf32, #tpu.memory_space<vmem>>
      %dma_start3A_1047 = tpu.memref_squeeze %dma_start3A_1046 : memref<1x50x64xf32, #tpu.memory_space<vmem>> -> memref<50x64xf32, #tpu.memory_space<vmem>>
      tpu.enqueue_dma source(%dma_start3A_1047 : memref<50x64xf32, #tpu.memory_space<vmem>>) target(%dma_start3A_1043 : memref<50x64xf32, #tpu.memory_space<hbm>>) target_semaphore(%arg18 : memref<!tpu.dma_semaphore, #tpu.memory_space<semaphore_mem>>)
      %dma_wait3A_1048 = arith.constant 1 : i32
      %dma_wait3A_1049 = arith.constant 0 : i32
      %dma_wait3A_1050 = arith.constant 0 : i32
      %dma_wait3A_1051 = tpu.memref_slice %arg6[%dma_wait3A_1048, %dma_wait3A_1049, %dma_wait3A_1050] : memref<8x50x64xf32, #tpu.memory_space<vmem>> -> memref<1x50x64xf32, #tpu.memory_space<vmem>>
      %dma_wait3A_1052 = tpu.memref_squeeze %dma_wait3A_1051 : memref<1x50x64xf32, #tpu.memory_space<vmem>> -> memref<50x64xf32, #tpu.memory_space<vmem>>
      %dma_wait3A_1053 = arith.constant 0 : i32
      %dma_wait3A_1054 = tpu.memref_slice %arg4[%mul3A_2, %dma_wait3A_1053] : memref<204800x64xf32, #tpu.memory_space<hbm>> -> memref<50x64xf32, #tpu.memory_space<hbm>>
      %dma_wait3A_1055 = arith.constant 0 : i32
      %dma_wait3A_1056 = tpu.memref_slice %arg4[%mul3A_2, %dma_wait3A_1055] : memref<204800x64xf32, #tpu.memory_space<hbm>> -> memref<50x64xf32, #tpu.memory_space<hbm>>
      %dma_wait3A_1057 = arith.constant 0 : i32
      %dma_wait3A_1058 = arith.constant 0 : i32
      %dma_wait3A_1059 = tpu.memref_slice %arg6[%dma_wait3A_1048, %dma_wait3A_1057, %dma_wait3A_1058] : memref<8x50x64xf32, #tpu.memory_space<vmem>> -> memref<1x50x64xf32, #tpu.memory_space<vmem>>
      %dma_wait3A_1060 = tpu.memref_squeeze %dma_wait3A_1059 : memref<1x50x64xf32, #tpu.memory_space<vmem>> -> memref<50x64xf32, #tpu.memory_space<vmem>>
      tpu.wait_dma2 semaphore(%arg16 : memref<!tpu.dma_semaphore, #tpu.memory_space<semaphore_mem>>) src(%dma_wait3A_1060 : memref<50x64xf32, #tpu.memory_space<vmem>>) dst(%dma_wait3A_1056 : memref<50x64xf32, #tpu.memory_space<hbm>>)
      %add3A_1061 = arith.constant 8 : i32
      %add3A_1062 = arith.addi %add3A_1020, %add3A_1061 : i32
      %sub3A_1063 = arith.constant 2 : i32
      %sub3A_1064 = arith.subi %add3A_1062, %sub3A_1063 : i32
      %dma_start3A_1065 = arith.constant 1 : i32
      %dma_start3A_1066 = arith.constant 0 : i32
      %dma_start3A_1067 = arith.constant 0 : i32
      %dma_start3A_1068 = tpu.memref_slice %arg6[%dma_start3A_1065, %dma_start3A_1066, %dma_start3A_1067] : memref<8x50x64xf32, #tpu.memory_space<vmem>> -> memref<1x50x64xf32, #tpu.memory_space<vmem>>
      %dma_start3A_1069 = tpu.memref_squeeze %dma_start3A_1068 : memref<1x50x64xf32, #tpu.memory_space<vmem>> -> memref<50x64xf32, #tpu.memory_space<vmem>>
      %dma_start3A_1070 = arith.constant 0 : i32
      %dma_start3A_1071 = tpu.memref_slice %arg5[%sub3A_1064, %dma_start3A_1070] : memref<128x50xi32, #tpu.memory_space<vmem>> -> memref<1x50xi32, #tpu.memory_space<vmem>>
      %dma_start3A_1072 = tpu.memref_squeeze %dma_start3A_1071 : memref<1x50xi32, #tpu.memory_space<vmem>> -> memref<50xi32, #tpu.memory_space<vmem>>
      %dma_start3A_1073 = arith.constant 0 : i32
      %dma_start3A_1074 = arith.constant 0 : i32
      %dma_start3A_1075 = tpu.memref_slice %arg2[%dma_start3A_1073, %dma_start3A_1074] : memref<100000x64xf32, #tpu.memory_space<hbm>> -> memref<100000x64xf32, #tpu.memory_space<hbm>>
      tpu.enqueue_indirect_dma source(%dma_start3A_1075 : memref<100000x64xf32, #tpu.memory_space<hbm>>) target(%dma_start3A_1069 : memref<50x64xf32, #tpu.memory_space<vmem>>) offsets(%dma_start3A_1072 : memref<50xi32, #tpu.memory_space<vmem>>) semaphore(%arg8 : memref<!tpu.dma_semaphore, #tpu.memory_space<semaphore_mem>>)
      %mul3A_1076 = arith.constant 8 : i32
      %mul3A_1077 = arith.muli %scan3A_840, %mul3A_1076 : i32
      %add3A_1078 = arith.constant 4 : i32
      %add3A_1079 = arith.addi %mul3A_1077, %add3A_1078 : i32
      %dma_wait3A_1080 = arith.constant 4 : i32
      %dma_wait3A_1081 = arith.constant 0 : i32
      %dma_wait3A_1082 = arith.constant 0 : i32
      %dma_wait3A_1083 = tpu.memref_slice %arg6[%dma_wait3A_1080, %dma_wait3A_1081, %dma_wait3A_1082] : memref<8x50x64xf32, #tpu.memory_space<vmem>> -> memref<1x50x64xf32, #tpu.memory_space<vmem>>
      %dma_wait3A_1084 = tpu.memref_squeeze %dma_wait3A_1083 : memref<1x50x64xf32, #tpu.memory_space<vmem>> -> memref<50x64xf32, #tpu.memory_space<vmem>>
      %dma_wait3A_1085 = arith.constant 0 : i32
      %dma_wait3A_1086 = tpu.memref_slice %arg5[%add3A_1079, %dma_wait3A_1085] : memref<128x50xi32, #tpu.memory_space<vmem>> -> memref<1x50xi32, #tpu.memory_space<vmem>>
      %dma_wait3A_1087 = tpu.memref_squeeze %dma_wait3A_1086 : memref<1x50xi32, #tpu.memory_space<vmem>> -> memref<50xi32, #tpu.memory_space<vmem>>
      %dma_wait3A_1088 = arith.constant 0 : i32
      %dma_wait3A_1089 = arith.constant 0 : i32
      %dma_wait3A_1090 = tpu.memref_slice %arg2[%dma_wait3A_1088, %dma_wait3A_1089] : memref<100000x64xf32, #tpu.memory_space<hbm>> -> memref<100000x64xf32, #tpu.memory_space<hbm>>
      tpu.wait_indirect_dma semaphore(%arg11 : memref<!tpu.dma_semaphore, #tpu.memory_space<semaphore_mem>>) src(%dma_wait3A_1090 : memref<100000x64xf32, #tpu.memory_space<hbm>>) dst(%dma_wait3A_1084 : memref<50x64xf32, #tpu.memory_space<vmem>>)
      %mul3A_1091 = arith.constant 50 : i32
      %mul3A_1092 = arith.muli %add3A_1079, %mul3A_1091 : i32
      %add3A_1093 = arith.addi %mul3A_2, %mul3A_1092 : i32
      %dma_start3A_1094 = arith.constant 4 : i32
      %dma_start3A_1095 = arith.constant 0 : i32
      %dma_start3A_1096 = arith.constant 0 : i32
      %dma_start3A_1097 = tpu.memref_slice %arg6[%dma_start3A_1094, %dma_start3A_1095, %dma_start3A_1096] : memref<8x50x64xf32, #tpu.memory_space<vmem>> -> memref<1x50x64xf32, #tpu.memory_space<vmem>>
      %dma_start3A_1098 = tpu.memref_squeeze %dma_start3A_1097 : memref<1x50x64xf32, #tpu.memory_space<vmem>> -> memref<50x64xf32, #tpu.memory_space<vmem>>
      %dma_start3A_1099 = arith.constant 0 : i32
      %dma_start3A_1100 = tpu.memref_slice %arg4[%add3A_1093, %dma_start3A_1099] : memref<204800x64xf32, #tpu.memory_space<hbm>> -> memref<50x64xf32, #tpu.memory_space<hbm>>
      %dma_start3A_1101 = arith.constant 0 : i32
      %dma_start3A_1102 = tpu.memref_slice %arg4[%add3A_1093, %dma_start3A_1101] : memref<204800x64xf32, #tpu.memory_space<hbm>> -> memref<50x64xf32, #tpu.memory_space<hbm>>
      %dma_start3A_1103 = arith.constant 0 : i32
      %dma_start3A_1104 = arith.constant 0 : i32
      %dma_start3A_1105 = tpu.memref_slice %arg6[%dma_start3A_1094, %dma_start3A_1103, %dma_start3A_1104] : memref<8x50x64xf32, #tpu.memory_space<vmem>> -> memref<1x50x64xf32, #tpu.memory_space<vmem>>
      %dma_start3A_1106 = tpu.memref_squeeze %dma_start3A_1105 : memref<1x50x64xf32, #tpu.memory_space<vmem>> -> memref<50x64xf32, #tpu.memory_space<vmem>>
      tpu.enqueue_dma source(%dma_start3A_1106 : memref<50x64xf32, #tpu.memory_space<vmem>>) target(%dma_start3A_1102 : memref<50x64xf32, #tpu.memory_space<hbm>>) target_semaphore(%arg19 : memref<!tpu.dma_semaphore, #tpu.memory_space<semaphore_mem>>)
      %dma_wait3A_1107 = arith.constant 2 : i32
      %dma_wait3A_1108 = arith.constant 0 : i32
      %dma_wait3A_1109 = arith.constant 0 : i32
      %dma_wait3A_1110 = tpu.memref_slice %arg6[%dma_wait3A_1107, %dma_wait3A_1108, %dma_wait3A_1109] : memref<8x50x64xf32, #tpu.memory_space<vmem>> -> memref<1x50x64xf32, #tpu.memory_space<vmem>>
      %dma_wait3A_1111 = tpu.memref_squeeze %dma_wait3A_1110 : memref<1x50x64xf32, #tpu.memory_space<vmem>> -> memref<50x64xf32, #tpu.memory_space<vmem>>
      %dma_wait3A_1112 = arith.constant 0 : i32
      %dma_wait3A_1113 = tpu.memref_slice %arg4[%mul3A_2, %dma_wait3A_1112] : memref<204800x64xf32, #tpu.memory_space<hbm>> -> memref<50x64xf32, #tpu.memory_space<hbm>>
      %dma_wait3A_1114 = arith.constant 0 : i32
      %dma_wait3A_1115 = tpu.memref_slice %arg4[%mul3A_2, %dma_wait3A_1114] : memref<204800x64xf32, #tpu.memory_space<hbm>> -> memref<50x64xf32, #tpu.memory_space<hbm>>
      %dma_wait3A_1116 = arith.constant 0 : i32
      %dma_wait3A_1117 = arith.constant 0 : i32
      %dma_wait3A_1118 = tpu.memref_slice %arg6[%dma_wait3A_1107, %dma_wait3A_1116, %dma_wait3A_1117] : memref<8x50x64xf32, #tpu.memory_space<vmem>> -> memref<1x50x64xf32, #tpu.memory_space<vmem>>
      %dma_wait3A_1119 = tpu.memref_squeeze %dma_wait3A_1118 : memref<1x50x64xf32, #tpu.memory_space<vmem>> -> memref<50x64xf32, #tpu.memory_space<vmem>>
      tpu.wait_dma2 semaphore(%arg17 : memref<!tpu.dma_semaphore, #tpu.memory_space<semaphore_mem>>) src(%dma_wait3A_1119 : memref<50x64xf32, #tpu.memory_space<vmem>>) dst(%dma_wait3A_1115 : memref<50x64xf32, #tpu.memory_space<hbm>>)
      %add3A_1120 = arith.constant 8 : i32
      %add3A_1121 = arith.addi %add3A_1079, %add3A_1120 : i32
      %sub3A_1122 = arith.constant 2 : i32
      %sub3A_1123 = arith.subi %add3A_1121, %sub3A_1122 : i32
      %dma_start3A_1124 = arith.constant 2 : i32
      %dma_start3A_1125 = arith.constant 0 : i32
      %dma_start3A_1126 = arith.constant 0 : i32
      %dma_start3A_1127 = tpu.memref_slice %arg6[%dma_start3A_1124, %dma_start3A_1125, %dma_start3A_1126] : memref<8x50x64xf32, #tpu.memory_space<vmem>> -> memref<1x50x64xf32, #tpu.memory_space<vmem>>
      %dma_start3A_1128 = tpu.memref_squeeze %dma_start3A_1127 : memref<1x50x64xf32, #tpu.memory_space<vmem>> -> memref<50x64xf32, #tpu.memory_space<vmem>>
      %dma_start3A_1129 = arith.constant 0 : i32
      %dma_start3A_1130 = tpu.memref_slice %arg5[%sub3A_1123, %dma_start3A_1129] : memref<128x50xi32, #tpu.memory_space<vmem>> -> memref<1x50xi32, #tpu.memory_space<vmem>>
      %dma_start3A_1131 = tpu.memref_squeeze %dma_start3A_1130 : memref<1x50xi32, #tpu.memory_space<vmem>> -> memref<50xi32, #tpu.memory_space<vmem>>
      %dma_start3A_1132 = arith.constant 0 : i32
      %dma_start3A_1133 = arith.constant 0 : i32
      %dma_start3A_1134 = tpu.memref_slice %arg2[%dma_start3A_1132, %dma_start3A_1133] : memref<100000x64xf32, #tpu.memory_space<hbm>> -> memref<100000x64xf32, #tpu.memory_space<hbm>>
      tpu.enqueue_indirect_dma source(%dma_start3A_1134 : memref<100000x64xf32, #tpu.memory_space<hbm>>) target(%dma_start3A_1128 : memref<50x64xf32, #tpu.memory_space<vmem>>) offsets(%dma_start3A_1131 : memref<50xi32, #tpu.memory_space<vmem>>) semaphore(%arg9 : memref<!tpu.dma_semaphore, #tpu.memory_space<semaphore_mem>>)
      %mul3A_1135 = arith.constant 8 : i32
      %mul3A_1136 = arith.muli %scan3A_840, %mul3A_1135 : i32
      %add3A_1137 = arith.constant 5 : i32
      %add3A_1138 = arith.addi %mul3A_1136, %add3A_1137 : i32
      %dma_wait3A_1139 = arith.constant 5 : i32
      %dma_wait3A_1140 = arith.constant 0 : i32
      %dma_wait3A_1141 = arith.constant 0 : i32
      %dma_wait3A_1142 = tpu.memref_slice %arg6[%dma_wait3A_1139, %dma_wait3A_1140, %dma_wait3A_1141] : memref<8x50x64xf32, #tpu.memory_space<vmem>> -> memref<1x50x64xf32, #tpu.memory_space<vmem>>
      %dma_wait3A_1143 = tpu.memref_squeeze %dma_wait3A_1142 : memref<1x50x64xf32, #tpu.memory_space<vmem>> -> memref<50x64xf32, #tpu.memory_space<vmem>>
      %dma_wait3A_1144 = arith.constant 0 : i32
      %dma_wait3A_1145 = tpu.memref_slice %arg5[%add3A_1138, %dma_wait3A_1144] : memref<128x50xi32, #tpu.memory_space<vmem>> -> memref<1x50xi32, #tpu.memory_space<vmem>>
      %dma_wait3A_1146 = tpu.memref_squeeze %dma_wait3A_1145 : memref<1x50xi32, #tpu.memory_space<vmem>> -> memref<50xi32, #tpu.memory_space<vmem>>
      %dma_wait3A_1147 = arith.constant 0 : i32
      %dma_wait3A_1148 = arith.constant 0 : i32
      %dma_wait3A_1149 = tpu.memref_slice %arg2[%dma_wait3A_1147, %dma_wait3A_1148] : memref<100000x64xf32, #tpu.memory_space<hbm>> -> memref<100000x64xf32, #tpu.memory_space<hbm>>
      tpu.wait_indirect_dma semaphore(%arg12 : memref<!tpu.dma_semaphore, #tpu.memory_space<semaphore_mem>>) src(%dma_wait3A_1149 : memref<100000x64xf32, #tpu.memory_space<hbm>>) dst(%dma_wait3A_1143 : memref<50x64xf32, #tpu.memory_space<vmem>>)
      %mul3A_1150 = arith.constant 50 : i32
      %mul3A_1151 = arith.muli %add3A_1138, %mul3A_1150 : i32
      %add3A_1152 = arith.addi %mul3A_2, %mul3A_1151 : i32
      %dma_start3A_1153 = arith.constant 5 : i32
      %dma_start3A_1154 = arith.constant 0 : i32
      %dma_start3A_1155 = arith.constant 0 : i32
      %dma_start3A_1156 = tpu.memref_slice %arg6[%dma_start3A_1153, %dma_start3A_1154, %dma_start3A_1155] : memref<8x50x64xf32, #tpu.memory_space<vmem>> -> memref<1x50x64xf32, #tpu.memory_space<vmem>>
      %dma_start3A_1157 = tpu.memref_squeeze %dma_start3A_1156 : memref<1x50x64xf32, #tpu.memory_space<vmem>> -> memref<50x64xf32, #tpu.memory_space<vmem>>
      %dma_start3A_1158 = arith.constant 0 : i32
      %dma_start3A_1159 = tpu.memref_slice %arg4[%add3A_1152, %dma_start3A_1158] : memref<204800x64xf32, #tpu.memory_space<hbm>> -> memref<50x64xf32, #tpu.memory_space<hbm>>
      %dma_start3A_1160 = arith.constant 0 : i32
      %dma_start3A_1161 = tpu.memref_slice %arg4[%add3A_1152, %dma_start3A_1160] : memref<204800x64xf32, #tpu.memory_space<hbm>> -> memref<50x64xf32, #tpu.memory_space<hbm>>
      %dma_start3A_1162 = arith.constant 0 : i32
      %dma_start3A_1163 = arith.constant 0 : i32
      %dma_start3A_1164 = tpu.memref_slice %arg6[%dma_start3A_1153, %dma_start3A_1162, %dma_start3A_1163] : memref<8x50x64xf32, #tpu.memory_space<vmem>> -> memref<1x50x64xf32, #tpu.memory_space<vmem>>
      %dma_start3A_1165 = tpu.memref_squeeze %dma_start3A_1164 : memref<1x50x64xf32, #tpu.memory_space<vmem>> -> memref<50x64xf32, #tpu.memory_space<vmem>>
      tpu.enqueue_dma source(%dma_start3A_1165 : memref<50x64xf32, #tpu.memory_space<vmem>>) target(%dma_start3A_1161 : memref<50x64xf32, #tpu.memory_space<hbm>>) target_semaphore(%arg20 : memref<!tpu.dma_semaphore, #tpu.memory_space<semaphore_mem>>)
      %dma_wait3A_1166 = arith.constant 3 : i32
      %dma_wait3A_1167 = arith.constant 0 : i32
      %dma_wait3A_1168 = arith.constant 0 : i32
      %dma_wait3A_1169 = tpu.memref_slice %arg6[%dma_wait3A_1166, %dma_wait3A_1167, %dma_wait3A_1168] : memref<8x50x64xf32, #tpu.memory_space<vmem>> -> memref<1x50x64xf32, #tpu.memory_space<vmem>>
      %dma_wait3A_1170 = tpu.memref_squeeze %dma_wait3A_1169 : memref<1x50x64xf32, #tpu.memory_space<vmem>> -> memref<50x64xf32, #tpu.memory_space<vmem>>
      %dma_wait3A_1171 = arith.constant 0 : i32
      %dma_wait3A_1172 = tpu.memref_slice %arg4[%mul3A_2, %dma_wait3A_1171] : memref<204800x64xf32, #tpu.memory_space<hbm>> -> memref<50x64xf32, #tpu.memory_space<hbm>>
      %dma_wait3A_1173 = arith.constant 0 : i32
      %dma_wait3A_1174 = tpu.memref_slice %arg4[%mul3A_2, %dma_wait3A_1173] : memref<204800x64xf32, #tpu.memory_space<hbm>> -> memref<50x64xf32, #tpu.memory_space<hbm>>
      %dma_wait3A_1175 = arith.constant 0 : i32
      %dma_wait3A_1176 = arith.constant 0 : i32
      %dma_wait3A_1177 = tpu.memref_slice %arg6[%dma_wait3A_1166, %dma_wait3A_1175, %dma_wait3A_1176] : memref<8x50x64xf32, #tpu.memory_space<vmem>> -> memref<1x50x64xf32, #tpu.memory_space<vmem>>
      %dma_wait3A_1178 = tpu.memref_squeeze %dma_wait3A_1177 : memref<1x50x64xf32, #tpu.memory_space<vmem>> -> memref<50x64xf32, #tpu.memory_space<vmem>>
      tpu.wait_dma2 semaphore(%arg18 : memref<!tpu.dma_semaphore, #tpu.memory_space<semaphore_mem>>) src(%dma_wait3A_1178 : memref<50x64xf32, #tpu.memory_space<vmem>>) dst(%dma_wait3A_1174 : memref<50x64xf32, #tpu.memory_space<hbm>>)
      %add3A_1179 = arith.constant 8 : i32
      %add3A_1180 = arith.addi %add3A_1138, %add3A_1179 : i32
      %sub3A_1181 = arith.constant 2 : i32
      %sub3A_1182 = arith.subi %add3A_1180, %sub3A_1181 : i32
      %dma_start3A_1183 = arith.constant 3 : i32
      %dma_start3A_1184 = arith.constant 0 : i32
      %dma_start3A_1185 = arith.constant 0 : i32
      %dma_start3A_1186 = tpu.memref_slice %arg6[%dma_start3A_1183, %dma_start3A_1184, %dma_start3A_1185] : memref<8x50x64xf32, #tpu.memory_space<vmem>> -> memref<1x50x64xf32, #tpu.memory_space<vmem>>
      %dma_start3A_1187 = tpu.memref_squeeze %dma_start3A_1186 : memref<1x50x64xf32, #tpu.memory_space<vmem>> -> memref<50x64xf32, #tpu.memory_space<vmem>>
      %dma_start3A_1188 = arith.constant 0 : i32
      %dma_start3A_1189 = tpu.memref_slice %arg5[%sub3A_1182, %dma_start3A_1188] : memref<128x50xi32, #tpu.memory_space<vmem>> -> memref<1x50xi32, #tpu.memory_space<vmem>>
      %dma_start3A_1190 = tpu.memref_squeeze %dma_start3A_1189 : memref<1x50xi32, #tpu.memory_space<vmem>> -> memref<50xi32, #tpu.memory_space<vmem>>
      %dma_start3A_1191 = arith.constant 0 : i32
      %dma_start3A_1192 = arith.constant 0 : i32
      %dma_start3A_1193 = tpu.memref_slice %arg2[%dma_start3A_1191, %dma_start3A_1192] : memref<100000x64xf32, #tpu.memory_space<hbm>> -> memref<100000x64xf32, #tpu.memory_space<hbm>>
      tpu.enqueue_indirect_dma source(%dma_start3A_1193 : memref<100000x64xf32, #tpu.memory_space<hbm>>) target(%dma_start3A_1187 : memref<50x64xf32, #tpu.memory_space<vmem>>) offsets(%dma_start3A_1190 : memref<50xi32, #tpu.memory_space<vmem>>) semaphore(%arg10 : memref<!tpu.dma_semaphore, #tpu.memory_space<semaphore_mem>>)
      %mul3A_1194 = arith.constant 8 : i32
      %mul3A_1195 = arith.muli %scan3A_840, %mul3A_1194 : i32
      %add3A_1196 = arith.constant 6 : i32
      %add3A_1197 = arith.addi %mul3A_1195, %add3A_1196 : i32
      %dma_wait3A_1198 = arith.constant 6 : i32
      %dma_wait3A_1199 = arith.constant 0 : i32
      %dma_wait3A_1200 = arith.constant 0 : i32
      %dma_wait3A_1201 = tpu.memref_slice %arg6[%dma_wait3A_1198, %dma_wait3A_1199, %dma_wait3A_1200] : memref<8x50x64xf32, #tpu.memory_space<vmem>> -> memref<1x50x64xf32, #tpu.memory_space<vmem>>
      %dma_wait3A_1202 = tpu.memref_squeeze %dma_wait3A_1201 : memref<1x50x64xf32, #tpu.memory_space<vmem>> -> memref<50x64xf32, #tpu.memory_space<vmem>>
      %dma_wait3A_1203 = arith.constant 0 : i32
      %dma_wait3A_1204 = tpu.memref_slice %arg5[%add3A_1197, %dma_wait3A_1203] : memref<128x50xi32, #tpu.memory_space<vmem>> -> memref<1x50xi32, #tpu.memory_space<vmem>>
      %dma_wait3A_1205 = tpu.memref_squeeze %dma_wait3A_1204 : memref<1x50xi32, #tpu.memory_space<vmem>> -> memref<50xi32, #tpu.memory_space<vmem>>
      %dma_wait3A_1206 = arith.constant 0 : i32
      %dma_wait3A_1207 = arith.constant 0 : i32
      %dma_wait3A_1208 = tpu.memref_slice %arg2[%dma_wait3A_1206, %dma_wait3A_1207] : memref<100000x64xf32, #tpu.memory_space<hbm>> -> memref<100000x64xf32, #tpu.memory_space<hbm>>
      tpu.wait_indirect_dma semaphore(%arg13 : memref<!tpu.dma_semaphore, #tpu.memory_space<semaphore_mem>>) src(%dma_wait3A_1208 : memref<100000x64xf32, #tpu.memory_space<hbm>>) dst(%dma_wait3A_1202 : memref<50x64xf32, #tpu.memory_space<vmem>>)
      %mul3A_1209 = arith.constant 50 : i32
      %mul3A_1210 = arith.muli %add3A_1197, %mul3A_1209 : i32
      %add3A_1211 = arith.addi %mul3A_2, %mul3A_1210 : i32
      %dma_start3A_1212 = arith.constant 6 : i32
      %dma_start3A_1213 = arith.constant 0 : i32
      %dma_start3A_1214 = arith.constant 0 : i32
      %dma_start3A_1215 = tpu.memref_slice %arg6[%dma_start3A_1212, %dma_start3A_1213, %dma_start3A_1214] : memref<8x50x64xf32, #tpu.memory_space<vmem>> -> memref<1x50x64xf32, #tpu.memory_space<vmem>>
      %dma_start3A_1216 = tpu.memref_squeeze %dma_start3A_1215 : memref<1x50x64xf32, #tpu.memory_space<vmem>> -> memref<50x64xf32, #tpu.memory_space<vmem>>
      %dma_start3A_1217 = arith.constant 0 : i32
      %dma_start3A_1218 = tpu.memref_slice %arg4[%add3A_1211, %dma_start3A_1217] : memref<204800x64xf32, #tpu.memory_space<hbm>> -> memref<50x64xf32, #tpu.memory_space<hbm>>
      %dma_start3A_1219 = arith.constant 0 : i32
      %dma_start3A_1220 = tpu.memref_slice %arg4[%add3A_1211, %dma_start3A_1219] : memref<204800x64xf32, #tpu.memory_space<hbm>> -> memref<50x64xf32, #tpu.memory_space<hbm>>
      %dma_start3A_1221 = arith.constant 0 : i32
      %dma_start3A_1222 = arith.constant 0 : i32
      %dma_start3A_1223 = tpu.memref_slice %arg6[%dma_start3A_1212, %dma_start3A_1221, %dma_start3A_1222] : memref<8x50x64xf32, #tpu.memory_space<vmem>> -> memref<1x50x64xf32, #tpu.memory_space<vmem>>
      %dma_start3A_1224 = tpu.memref_squeeze %dma_start3A_1223 : memref<1x50x64xf32, #tpu.memory_space<vmem>> -> memref<50x64xf32, #tpu.memory_space<vmem>>
      tpu.enqueue_dma source(%dma_start3A_1224 : memref<50x64xf32, #tpu.memory_space<vmem>>) target(%dma_start3A_1220 : memref<50x64xf32, #tpu.memory_space<hbm>>) target_semaphore(%arg21 : memref<!tpu.dma_semaphore, #tpu.memory_space<semaphore_mem>>)
      %dma_wait3A_1225 = arith.constant 4 : i32
      %dma_wait3A_1226 = arith.constant 0 : i32
      %dma_wait3A_1227 = arith.constant 0 : i32
      %dma_wait3A_1228 = tpu.memref_slice %arg6[%dma_wait3A_1225, %dma_wait3A_1226, %dma_wait3A_1227] : memref<8x50x64xf32, #tpu.memory_space<vmem>> -> memref<1x50x64xf32, #tpu.memory_space<vmem>>
      %dma_wait3A_1229 = tpu.memref_squeeze %dma_wait3A_1228 : memref<1x50x64xf32, #tpu.memory_space<vmem>> -> memref<50x64xf32, #tpu.memory_space<vmem>>
      %dma_wait3A_1230 = arith.constant 0 : i32
      %dma_wait3A_1231 = tpu.memref_slice %arg4[%mul3A_2, %dma_wait3A_1230] : memref<204800x64xf32, #tpu.memory_space<hbm>> -> memref<50x64xf32, #tpu.memory_space<hbm>>
      %dma_wait3A_1232 = arith.constant 0 : i32
      %dma_wait3A_1233 = tpu.memref_slice %arg4[%mul3A_2, %dma_wait3A_1232] : memref<204800x64xf32, #tpu.memory_space<hbm>> -> memref<50x64xf32, #tpu.memory_space<hbm>>
      %dma_wait3A_1234 = arith.constant 0 : i32
      %dma_wait3A_1235 = arith.constant 0 : i32
      %dma_wait3A_1236 = tpu.memref_slice %arg6[%dma_wait3A_1225, %dma_wait3A_1234, %dma_wait3A_1235] : memref<8x50x64xf32, #tpu.memory_space<vmem>> -> memref<1x50x64xf32, #tpu.memory_space<vmem>>
      %dma_wait3A_1237 = tpu.memref_squeeze %dma_wait3A_1236 : memref<1x50x64xf32, #tpu.memory_space<vmem>> -> memref<50x64xf32, #tpu.memory_space<vmem>>
      tpu.wait_dma2 semaphore(%arg19 : memref<!tpu.dma_semaphore, #tpu.memory_space<semaphore_mem>>) src(%dma_wait3A_1237 : memref<50x64xf32, #tpu.memory_space<vmem>>) dst(%dma_wait3A_1233 : memref<50x64xf32, #tpu.memory_space<hbm>>)
      %add3A_1238 = arith.constant 8 : i32
      %add3A_1239 = arith.addi %add3A_1197, %add3A_1238 : i32
      %sub3A_1240 = arith.constant 2 : i32
      %sub3A_1241 = arith.subi %add3A_1239, %sub3A_1240 : i32
      %dma_start3A_1242 = arith.constant 4 : i32
      %dma_start3A_1243 = arith.constant 0 : i32
      %dma_start3A_1244 = arith.constant 0 : i32
      %dma_start3A_1245 = tpu.memref_slice %arg6[%dma_start3A_1242, %dma_start3A_1243, %dma_start3A_1244] : memref<8x50x64xf32, #tpu.memory_space<vmem>> -> memref<1x50x64xf32, #tpu.memory_space<vmem>>
      %dma_start3A_1246 = tpu.memref_squeeze %dma_start3A_1245 : memref<1x50x64xf32, #tpu.memory_space<vmem>> -> memref<50x64xf32, #tpu.memory_space<vmem>>
      %dma_start3A_1247 = arith.constant 0 : i32
      %dma_start3A_1248 = tpu.memref_slice %arg5[%sub3A_1241, %dma_start3A_1247] : memref<128x50xi32, #tpu.memory_space<vmem>> -> memref<1x50xi32, #tpu.memory_space<vmem>>
      %dma_start3A_1249 = tpu.memref_squeeze %dma_start3A_1248 : memref<1x50xi32, #tpu.memory_space<vmem>> -> memref<50xi32, #tpu.memory_space<vmem>>
      %dma_start3A_1250 = arith.constant 0 : i32
      %dma_start3A_1251 = arith.constant 0 : i32
      %dma_start3A_1252 = tpu.memref_slice %arg2[%dma_start3A_1250, %dma_start3A_1251] : memref<100000x64xf32, #tpu.memory_space<hbm>> -> memref<100000x64xf32, #tpu.memory_space<hbm>>
      tpu.enqueue_indirect_dma source(%dma_start3A_1252 : memref<100000x64xf32, #tpu.memory_space<hbm>>) target(%dma_start3A_1246 : memref<50x64xf32, #tpu.memory_space<vmem>>) offsets(%dma_start3A_1249 : memref<50xi32, #tpu.memory_space<vmem>>) semaphore(%arg11 : memref<!tpu.dma_semaphore, #tpu.memory_space<semaphore_mem>>)
      %mul3A_1253 = arith.constant 8 : i32
      %mul3A_1254 = arith.muli %scan3A_840, %mul3A_1253 : i32
      %add3A_1255 = arith.constant 7 : i32
      %add3A_1256 = arith.addi %mul3A_1254, %add3A_1255 : i32
      %dma_wait3A_1257 = arith.constant 7 : i32
      %dma_wait3A_1258 = arith.constant 0 : i32
      %dma_wait3A_1259 = arith.constant 0 : i32
      %dma_wait3A_1260 = tpu.memref_slice %arg6[%dma_wait3A_1257, %dma_wait3A_1258, %dma_wait3A_1259] : memref<8x50x64xf32, #tpu.memory_space<vmem>> -> memref<1x50x64xf32, #tpu.memory_space<vmem>>
      %dma_wait3A_1261 = tpu.memref_squeeze %dma_wait3A_1260 : memref<1x50x64xf32, #tpu.memory_space<vmem>> -> memref<50x64xf32, #tpu.memory_space<vmem>>
      %dma_wait3A_1262 = arith.constant 0 : i32
      %dma_wait3A_1263 = tpu.memref_slice %arg5[%add3A_1256, %dma_wait3A_1262] : memref<128x50xi32, #tpu.memory_space<vmem>> -> memref<1x50xi32, #tpu.memory_space<vmem>>
      %dma_wait3A_1264 = tpu.memref_squeeze %dma_wait3A_1263 : memref<1x50xi32, #tpu.memory_space<vmem>> -> memref<50xi32, #tpu.memory_space<vmem>>
      %dma_wait3A_1265 = arith.constant 0 : i32
      %dma_wait3A_1266 = arith.constant 0 : i32
      %dma_wait3A_1267 = tpu.memref_slice %arg2[%dma_wait3A_1265, %dma_wait3A_1266] : memref<100000x64xf32, #tpu.memory_space<hbm>> -> memref<100000x64xf32, #tpu.memory_space<hbm>>
      tpu.wait_indirect_dma semaphore(%arg14 : memref<!tpu.dma_semaphore, #tpu.memory_space<semaphore_mem>>) src(%dma_wait3A_1267 : memref<100000x64xf32, #tpu.memory_space<hbm>>) dst(%dma_wait3A_1261 : memref<50x64xf32, #tpu.memory_space<vmem>>)
      %mul3A_1268 = arith.constant 50 : i32
      %mul3A_1269 = arith.muli %add3A_1256, %mul3A_1268 : i32
      %add3A_1270 = arith.addi %mul3A_2, %mul3A_1269 : i32
      %dma_start3A_1271 = arith.constant 7 : i32
      %dma_start3A_1272 = arith.constant 0 : i32
      %dma_start3A_1273 = arith.constant 0 : i32
      %dma_start3A_1274 = tpu.memref_slice %arg6[%dma_start3A_1271, %dma_start3A_1272, %dma_start3A_1273] : memref<8x50x64xf32, #tpu.memory_space<vmem>> -> memref<1x50x64xf32, #tpu.memory_space<vmem>>
      %dma_start3A_1275 = tpu.memref_squeeze %dma_start3A_1274 : memref<1x50x64xf32, #tpu.memory_space<vmem>> -> memref<50x64xf32, #tpu.memory_space<vmem>>
      %dma_start3A_1276 = arith.constant 0 : i32
      %dma_start3A_1277 = tpu.memref_slice %arg4[%add3A_1270, %dma_start3A_1276] : memref<204800x64xf32, #tpu.memory_space<hbm>> -> memref<50x64xf32, #tpu.memory_space<hbm>>
      %dma_start3A_1278 = arith.constant 0 : i32
      %dma_start3A_1279 = tpu.memref_slice %arg4[%add3A_1270, %dma_start3A_1278] : memref<204800x64xf32, #tpu.memory_space<hbm>> -> memref<50x64xf32, #tpu.memory_space<hbm>>
      %dma_start3A_1280 = arith.constant 0 : i32
      %dma_start3A_1281 = arith.constant 0 : i32
      %dma_start3A_1282 = tpu.memref_slice %arg6[%dma_start3A_1271, %dma_start3A_1280, %dma_start3A_1281] : memref<8x50x64xf32, #tpu.memory_space<vmem>> -> memref<1x50x64xf32, #tpu.memory_space<vmem>>
      %dma_start3A_1283 = tpu.memref_squeeze %dma_start3A_1282 : memref<1x50x64xf32, #tpu.memory_space<vmem>> -> memref<50x64xf32, #tpu.memory_space<vmem>>
      tpu.enqueue_dma source(%dma_start3A_1283 : memref<50x64xf32, #tpu.memory_space<vmem>>) target(%dma_start3A_1279 : memref<50x64xf32, #tpu.memory_space<hbm>>) target_semaphore(%arg22 : memref<!tpu.dma_semaphore, #tpu.memory_space<semaphore_mem>>)
      %dma_wait3A_1284 = arith.constant 5 : i32
      %dma_wait3A_1285 = arith.constant 0 : i32
      %dma_wait3A_1286 = arith.constant 0 : i32
      %dma_wait3A_1287 = tpu.memref_slice %arg6[%dma_wait3A_1284, %dma_wait3A_1285, %dma_wait3A_1286] : memref<8x50x64xf32, #tpu.memory_space<vmem>> -> memref<1x50x64xf32, #tpu.memory_space<vmem>>
      %dma_wait3A_1288 = tpu.memref_squeeze %dma_wait3A_1287 : memref<1x50x64xf32, #tpu.memory_space<vmem>> -> memref<50x64xf32, #tpu.memory_space<vmem>>
      %dma_wait3A_1289 = arith.constant 0 : i32
      %dma_wait3A_1290 = tpu.memref_slice %arg4[%mul3A_2, %dma_wait3A_1289] : memref<204800x64xf32, #tpu.memory_space<hbm>> -> memref<50x64xf32, #tpu.memory_space<hbm>>
      %dma_wait3A_1291 = arith.constant 0 : i32
      %dma_wait3A_1292 = tpu.memref_slice %arg4[%mul3A_2, %dma_wait3A_1291] : memref<204800x64xf32, #tpu.memory_space<hbm>> -> memref<50x64xf32, #tpu.memory_space<hbm>>
      %dma_wait3A_1293 = arith.constant 0 : i32
      %dma_wait3A_1294 = arith.constant 0 : i32
      %dma_wait3A_1295 = tpu.memref_slice %arg6[%dma_wait3A_1284, %dma_wait3A_1293, %dma_wait3A_1294] : memref<8x50x64xf32, #tpu.memory_space<vmem>> -> memref<1x50x64xf32, #tpu.memory_space<vmem>>
      %dma_wait3A_1296 = tpu.memref_squeeze %dma_wait3A_1295 : memref<1x50x64xf32, #tpu.memory_space<vmem>> -> memref<50x64xf32, #tpu.memory_space<vmem>>
      tpu.wait_dma2 semaphore(%arg20 : memref<!tpu.dma_semaphore, #tpu.memory_space<semaphore_mem>>) src(%dma_wait3A_1296 : memref<50x64xf32, #tpu.memory_space<vmem>>) dst(%dma_wait3A_1292 : memref<50x64xf32, #tpu.memory_space<hbm>>)
      %add3A_1297 = arith.constant 8 : i32
      %add3A_1298 = arith.addi %add3A_1256, %add3A_1297 : i32
      %sub3A_1299 = arith.constant 2 : i32
      %sub3A_1300 = arith.subi %add3A_1298, %sub3A_1299 : i32
      %dma_start3A_1301 = arith.constant 5 : i32
      %dma_start3A_1302 = arith.constant 0 : i32
      %dma_start3A_1303 = arith.constant 0 : i32
      %dma_start3A_1304 = tpu.memref_slice %arg6[%dma_start3A_1301, %dma_start3A_1302, %dma_start3A_1303] : memref<8x50x64xf32, #tpu.memory_space<vmem>> -> memref<1x50x64xf32, #tpu.memory_space<vmem>>
      %dma_start3A_1305 = tpu.memref_squeeze %dma_start3A_1304 : memref<1x50x64xf32, #tpu.memory_space<vmem>> -> memref<50x64xf32, #tpu.memory_space<vmem>>
      %dma_start3A_1306 = arith.constant 0 : i32
      %dma_start3A_1307 = tpu.memref_slice %arg5[%sub3A_1300, %dma_start3A_1306] : memref<128x50xi32, #tpu.memory_space<vmem>> -> memref<1x50xi32, #tpu.memory_space<vmem>>
      %dma_start3A_1308 = tpu.memref_squeeze %dma_start3A_1307 : memref<1x50xi32, #tpu.memory_space<vmem>> -> memref<50xi32, #tpu.memory_space<vmem>>
      %dma_start3A_1309 = arith.constant 0 : i32
      %dma_start3A_1310 = arith.constant 0 : i32
      %dma_start3A_1311 = tpu.memref_slice %arg2[%dma_start3A_1309, %dma_start3A_1310] : memref<100000x64xf32, #tpu.memory_space<hbm>> -> memref<100000x64xf32, #tpu.memory_space<hbm>>
      tpu.enqueue_indirect_dma source(%dma_start3A_1311 : memref<100000x64xf32, #tpu.memory_space<hbm>>) target(%dma_start3A_1305 : memref<50x64xf32, #tpu.memory_space<vmem>>) offsets(%dma_start3A_1308 : memref<50xi32, #tpu.memory_space<vmem>>) semaphore(%arg12 : memref<!tpu.dma_semaphore, #tpu.memory_space<semaphore_mem>>)
    }
    %scan3A_469 = arith.constant 14 : i32
    %dma_wait3A_470 = arith.constant 120 : i32
    %dma_wait3A_471 = arith.constant 0 : i32
    %dma_wait3A_472 = arith.constant 0 : i32
    %dma_wait3A_473 = arith.constant 0 : i32
    %dma_wait3A_474 = tpu.memref_slice %arg6[%dma_wait3A_471, %dma_wait3A_472, %dma_wait3A_473] : memref<8x50x64xf32, #tpu.memory_space<vmem>> -> memref<1x50x64xf32, #tpu.memory_space<vmem>>
    %dma_wait3A_475 = tpu.memref_squeeze %dma_wait3A_474 : memref<1x50x64xf32, #tpu.memory_space<vmem>> -> memref<50x64xf32, #tpu.memory_space<vmem>>
    %dma_wait3A_476 = arith.constant 0 : i32
    %dma_wait3A_477 = tpu.memref_slice %arg5[%dma_wait3A_470, %dma_wait3A_476] : memref<128x50xi32, #tpu.memory_space<vmem>> -> memref<1x50xi32, #tpu.memory_space<vmem>>
    %dma_wait3A_478 = tpu.memref_squeeze %dma_wait3A_477 : memref<1x50xi32, #tpu.memory_space<vmem>> -> memref<50xi32, #tpu.memory_space<vmem>>
    %dma_wait3A_479 = arith.constant 0 : i32
    %dma_wait3A_480 = arith.constant 0 : i32
    %dma_wait3A_481 = tpu.memref_slice %arg2[%dma_wait3A_479, %dma_wait3A_480] : memref<100000x64xf32, #tpu.memory_space<hbm>> -> memref<100000x64xf32, #tpu.memory_space<hbm>>
    tpu.wait_indirect_dma semaphore(%arg7 : memref<!tpu.dma_semaphore, #tpu.memory_space<semaphore_mem>>) src(%dma_wait3A_481 : memref<100000x64xf32, #tpu.memory_space<hbm>>) dst(%dma_wait3A_475 : memref<50x64xf32, #tpu.memory_space<vmem>>)
    %add3A_482 = arith.constant 6000 : i32
    %add3A_483 = arith.addi %mul3A_2, %add3A_482 : i32
    %dma_start3A_484 = arith.constant 0 : i32
    %dma_start3A_485 = arith.constant 0 : i32
    %dma_start3A_486 = arith.constant 0 : i32
    %dma_start3A_487 = tpu.memref_slice %arg6[%dma_start3A_484, %dma_start3A_485, %dma_start3A_486] : memref<8x50x64xf32, #tpu.memory_space<vmem>> -> memref<1x50x64xf32, #tpu.memory_space<vmem>>
    %dma_start3A_488 = tpu.memref_squeeze %dma_start3A_487 : memref<1x50x64xf32, #tpu.memory_space<vmem>> -> memref<50x64xf32, #tpu.memory_space<vmem>>
    %dma_start3A_489 = arith.constant 0 : i32
    %dma_start3A_490 = tpu.memref_slice %arg4[%add3A_483, %dma_start3A_489] : memref<204800x64xf32, #tpu.memory_space<hbm>> -> memref<50x64xf32, #tpu.memory_space<hbm>>
    %dma_start3A_491 = arith.constant 0 : i32
    %dma_start3A_492 = tpu.memref_slice %arg4[%add3A_483, %dma_start3A_491] : memref<204800x64xf32, #tpu.memory_space<hbm>> -> memref<50x64xf32, #tpu.memory_space<hbm>>
    %dma_start3A_493 = arith.constant 0 : i32
    %dma_start3A_494 = arith.constant 0 : i32
    %dma_start3A_495 = tpu.memref_slice %arg6[%dma_start3A_484, %dma_start3A_493, %dma_start3A_494] : memref<8x50x64xf32, #tpu.memory_space<vmem>> -> memref<1x50x64xf32, #tpu.memory_space<vmem>>
    %dma_start3A_496 = tpu.memref_squeeze %dma_start3A_495 : memref<1x50x64xf32, #tpu.memory_space<vmem>> -> memref<50x64xf32, #tpu.memory_space<vmem>>
    tpu.enqueue_dma source(%dma_start3A_496 : memref<50x64xf32, #tpu.memory_space<vmem>>) target(%dma_start3A_492 : memref<50x64xf32, #tpu.memory_space<hbm>>) target_semaphore(%arg15 : memref<!tpu.dma_semaphore, #tpu.memory_space<semaphore_mem>>)
    %dma_wait3A_497 = arith.constant 6 : i32
    %dma_wait3A_498 = arith.constant 0 : i32
    %dma_wait3A_499 = arith.constant 0 : i32
    %dma_wait3A_500 = tpu.memref_slice %arg6[%dma_wait3A_497, %dma_wait3A_498, %dma_wait3A_499] : memref<8x50x64xf32, #tpu.memory_space<vmem>> -> memref<1x50x64xf32, #tpu.memory_space<vmem>>
    %dma_wait3A_501 = tpu.memref_squeeze %dma_wait3A_500 : memref<1x50x64xf32, #tpu.memory_space<vmem>> -> memref<50x64xf32, #tpu.memory_space<vmem>>
    %dma_wait3A_502 = arith.constant 0 : i32
    %dma_wait3A_503 = tpu.memref_slice %arg4[%mul3A_2, %dma_wait3A_502] : memref<204800x64xf32, #tpu.memory_space<hbm>> -> memref<50x64xf32, #tpu.memory_space<hbm>>
    %dma_wait3A_504 = arith.constant 0 : i32
    %dma_wait3A_505 = tpu.memref_slice %arg4[%mul3A_2, %dma_wait3A_504] : memref<204800x64xf32, #tpu.memory_space<hbm>> -> memref<50x64xf32, #tpu.memory_space<hbm>>
    %dma_wait3A_506 = arith.constant 0 : i32
    %dma_wait3A_507 = arith.constant 0 : i32
    %dma_wait3A_508 = tpu.memref_slice %arg6[%dma_wait3A_497, %dma_wait3A_506, %dma_wait3A_507] : memref<8x50x64xf32, #tpu.memory_space<vmem>> -> memref<1x50x64xf32, #tpu.memory_space<vmem>>
    %dma_wait3A_509 = tpu.memref_squeeze %dma_wait3A_508 : memref<1x50x64xf32, #tpu.memory_space<vmem>> -> memref<50x64xf32, #tpu.memory_space<vmem>>
    tpu.wait_dma2 semaphore(%arg21 : memref<!tpu.dma_semaphore, #tpu.memory_space<semaphore_mem>>) src(%dma_wait3A_509 : memref<50x64xf32, #tpu.memory_space<vmem>>) dst(%dma_wait3A_505 : memref<50x64xf32, #tpu.memory_space<hbm>>)
    %dma_start3A_510 = arith.constant 126 : i32
    %dma_start3A_511 = arith.constant 6 : i32
    %dma_start3A_512 = arith.constant 0 : i32
    %dma_start3A_513 = arith.constant 0 : i32
    %dma_start3A_514 = tpu.memref_slice %arg6[%dma_start3A_511, %dma_start3A_512, %dma_start3A_513] : memref<8x50x64xf32, #tpu.memory_space<vmem>> -> memref<1x50x64xf32, #tpu.memory_space<vmem>>
    %dma_start3A_515 = tpu.memref_squeeze %dma_start3A_514 : memref<1x50x64xf32, #tpu.memory_space<vmem>> -> memref<50x64xf32, #tpu.memory_space<vmem>>
    %dma_start3A_516 = arith.constant 0 : i32
    %dma_start3A_517 = tpu.memref_slice %arg5[%dma_start3A_510, %dma_start3A_516] : memref<128x50xi32, #tpu.memory_space<vmem>> -> memref<1x50xi32, #tpu.memory_space<vmem>>
    %dma_start3A_518 = tpu.memref_squeeze %dma_start3A_517 : memref<1x50xi32, #tpu.memory_space<vmem>> -> memref<50xi32, #tpu.memory_space<vmem>>
    %dma_start3A_519 = arith.constant 0 : i32
    %dma_start3A_520 = arith.constant 0 : i32
    %dma_start3A_521 = tpu.memref_slice %arg2[%dma_start3A_519, %dma_start3A_520] : memref<100000x64xf32, #tpu.memory_space<hbm>> -> memref<100000x64xf32, #tpu.memory_space<hbm>>
    tpu.enqueue_indirect_dma source(%dma_start3A_521 : memref<100000x64xf32, #tpu.memory_space<hbm>>) target(%dma_start3A_515 : memref<50x64xf32, #tpu.memory_space<vmem>>) offsets(%dma_start3A_518 : memref<50xi32, #tpu.memory_space<vmem>>) semaphore(%arg13 : memref<!tpu.dma_semaphore, #tpu.memory_space<semaphore_mem>>)
    %dma_wait3A_522 = arith.constant 121 : i32
    %dma_wait3A_523 = arith.constant 1 : i32
    %dma_wait3A_524 = arith.constant 0 : i32
    %dma_wait3A_525 = arith.constant 0 : i32
    %dma_wait3A_526 = tpu.memref_slice %arg6[%dma_wait3A_523, %dma_wait3A_524, %dma_wait3A_525] : memref<8x50x64xf32, #tpu.memory_space<vmem>> -> memref<1x50x64xf32, #tpu.memory_space<vmem>>
    %dma_wait3A_527 = tpu.memref_squeeze %dma_wait3A_526 : memref<1x50x64xf32, #tpu.memory_space<vmem>> -> memref<50x64xf32, #tpu.memory_space<vmem>>
    %dma_wait3A_528 = arith.constant 0 : i32
    %dma_wait3A_529 = tpu.memref_slice %arg5[%dma_wait3A_522, %dma_wait3A_528] : memref<128x50xi32, #tpu.memory_space<vmem>> -> memref<1x50xi32, #tpu.memory_space<vmem>>
    %dma_wait3A_530 = tpu.memref_squeeze %dma_wait3A_529 : memref<1x50xi32, #tpu.memory_space<vmem>> -> memref<50xi32, #tpu.memory_space<vmem>>
    %dma_wait3A_531 = arith.constant 0 : i32
    %dma_wait3A_532 = arith.constant 0 : i32
    %dma_wait3A_533 = tpu.memref_slice %arg2[%dma_wait3A_531, %dma_wait3A_532] : memref<100000x64xf32, #tpu.memory_space<hbm>> -> memref<100000x64xf32, #tpu.memory_space<hbm>>
    tpu.wait_indirect_dma semaphore(%arg8 : memref<!tpu.dma_semaphore, #tpu.memory_space<semaphore_mem>>) src(%dma_wait3A_533 : memref<100000x64xf32, #tpu.memory_space<hbm>>) dst(%dma_wait3A_527 : memref<50x64xf32, #tpu.memory_space<vmem>>)
    %add3A_534 = arith.constant 6050 : i32
    %add3A_535 = arith.addi %mul3A_2, %add3A_534 : i32
    %dma_start3A_536 = arith.constant 1 : i32
    %dma_start3A_537 = arith.constant 0 : i32
    %dma_start3A_538 = arith.constant 0 : i32
    %dma_start3A_539 = tpu.memref_slice %arg6[%dma_start3A_536, %dma_start3A_537, %dma_start3A_538] : memref<8x50x64xf32, #tpu.memory_space<vmem>> -> memref<1x50x64xf32, #tpu.memory_space<vmem>>
    %dma_start3A_540 = tpu.memref_squeeze %dma_start3A_539 : memref<1x50x64xf32, #tpu.memory_space<vmem>> -> memref<50x64xf32, #tpu.memory_space<vmem>>
    %dma_start3A_541 = arith.constant 0 : i32
    %dma_start3A_542 = tpu.memref_slice %arg4[%add3A_535, %dma_start3A_541] : memref<204800x64xf32, #tpu.memory_space<hbm>> -> memref<50x64xf32, #tpu.memory_space<hbm>>
    %dma_start3A_543 = arith.constant 0 : i32
    %dma_start3A_544 = tpu.memref_slice %arg4[%add3A_535, %dma_start3A_543] : memref<204800x64xf32, #tpu.memory_space<hbm>> -> memref<50x64xf32, #tpu.memory_space<hbm>>
    %dma_start3A_545 = arith.constant 0 : i32
    %dma_start3A_546 = arith.constant 0 : i32
    %dma_start3A_547 = tpu.memref_slice %arg6[%dma_start3A_536, %dma_start3A_545, %dma_start3A_546] : memref<8x50x64xf32, #tpu.memory_space<vmem>> -> memref<1x50x64xf32, #tpu.memory_space<vmem>>
    %dma_start3A_548 = tpu.memref_squeeze %dma_start3A_547 : memref<1x50x64xf32, #tpu.memory_space<vmem>> -> memref<50x64xf32, #tpu.memory_space<vmem>>
    tpu.enqueue_dma source(%dma_start3A_548 : memref<50x64xf32, #tpu.memory_space<vmem>>) target(%dma_start3A_544 : memref<50x64xf32, #tpu.memory_space<hbm>>) target_semaphore(%arg16 : memref<!tpu.dma_semaphore, #tpu.memory_space<semaphore_mem>>)
    %dma_wait3A_549 = arith.constant 7 : i32
    %dma_wait3A_550 = arith.constant 0 : i32
    %dma_wait3A_551 = arith.constant 0 : i32
    %dma_wait3A_552 = tpu.memref_slice %arg6[%dma_wait3A_549, %dma_wait3A_550, %dma_wait3A_551] : memref<8x50x64xf32, #tpu.memory_space<vmem>> -> memref<1x50x64xf32, #tpu.memory_space<vmem>>
    %dma_wait3A_553 = tpu.memref_squeeze %dma_wait3A_552 : memref<1x50x64xf32, #tpu.memory_space<vmem>> -> memref<50x64xf32, #tpu.memory_space<vmem>>
    %dma_wait3A_554 = arith.constant 0 : i32
    %dma_wait3A_555 = tpu.memref_slice %arg4[%mul3A_2, %dma_wait3A_554] : memref<204800x64xf32, #tpu.memory_space<hbm>> -> memref<50x64xf32, #tpu.memory_space<hbm>>
    %dma_wait3A_556 = arith.constant 0 : i32
    %dma_wait3A_557 = tpu.memref_slice %arg4[%mul3A_2, %dma_wait3A_556] : memref<204800x64xf32, #tpu.memory_space<hbm>> -> memref<50x64xf32, #tpu.memory_space<hbm>>
    %dma_wait3A_558 = arith.constant 0 : i32
    %dma_wait3A_559 = arith.constant 0 : i32
    %dma_wait3A_560 = tpu.memref_slice %arg6[%dma_wait3A_549, %dma_wait3A_558, %dma_wait3A_559] : memref<8x50x64xf32, #tpu.memory_space<vmem>> -> memref<1x50x64xf32, #tpu.memory_space<vmem>>
    %dma_wait3A_561 = tpu.memref_squeeze %dma_wait3A_560 : memref<1x50x64xf32, #tpu.memory_space<vmem>> -> memref<50x64xf32, #tpu.memory_space<vmem>>
    tpu.wait_dma2 semaphore(%arg22 : memref<!tpu.dma_semaphore, #tpu.memory_space<semaphore_mem>>) src(%dma_wait3A_561 : memref<50x64xf32, #tpu.memory_space<vmem>>) dst(%dma_wait3A_557 : memref<50x64xf32, #tpu.memory_space<hbm>>)
    %dma_start3A_562 = arith.constant 127 : i32
    %dma_start3A_563 = arith.constant 7 : i32
    %dma_start3A_564 = arith.constant 0 : i32
    %dma_start3A_565 = arith.constant 0 : i32
    %dma_start3A_566 = tpu.memref_slice %arg6[%dma_start3A_563, %dma_start3A_564, %dma_start3A_565] : memref<8x50x64xf32, #tpu.memory_space<vmem>> -> memref<1x50x64xf32, #tpu.memory_space<vmem>>
    %dma_start3A_567 = tpu.memref_squeeze %dma_start3A_566 : memref<1x50x64xf32, #tpu.memory_space<vmem>> -> memref<50x64xf32, #tpu.memory_space<vmem>>
    %dma_start3A_568 = arith.constant 0 : i32
    %dma_start3A_569 = tpu.memref_slice %arg5[%dma_start3A_562, %dma_start3A_568] : memref<128x50xi32, #tpu.memory_space<vmem>> -> memref<1x50xi32, #tpu.memory_space<vmem>>
    %dma_start3A_570 = tpu.memref_squeeze %dma_start3A_569 : memref<1x50xi32, #tpu.memory_space<vmem>> -> memref<50xi32, #tpu.memory_space<vmem>>
    %dma_start3A_571 = arith.constant 0 : i32
    %dma_start3A_572 = arith.constant 0 : i32
    %dma_start3A_573 = tpu.memref_slice %arg2[%dma_start3A_571, %dma_start3A_572] : memref<100000x64xf32, #tpu.memory_space<hbm>> -> memref<100000x64xf32, #tpu.memory_space<hbm>>
    tpu.enqueue_indirect_dma source(%dma_start3A_573 : memref<100000x64xf32, #tpu.memory_space<hbm>>) target(%dma_start3A_567 : memref<50x64xf32, #tpu.memory_space<vmem>>) offsets(%dma_start3A_570 : memref<50xi32, #tpu.memory_space<vmem>>) semaphore(%arg14 : memref<!tpu.dma_semaphore, #tpu.memory_space<semaphore_mem>>)
    %dma_wait3A_574 = arith.constant 122 : i32
    %dma_wait3A_575 = arith.constant 2 : i32
    %dma_wait3A_576 = arith.constant 0 : i32
    %dma_wait3A_577 = arith.constant 0 : i32
    %dma_wait3A_578 = tpu.memref_slice %arg6[%dma_wait3A_575, %dma_wait3A_576, %dma_wait3A_577] : memref<8x50x64xf32, #tpu.memory_space<vmem>> -> memref<1x50x64xf32, #tpu.memory_space<vmem>>
    %dma_wait3A_579 = tpu.memref_squeeze %dma_wait3A_578 : memref<1x50x64xf32, #tpu.memory_space<vmem>> -> memref<50x64xf32, #tpu.memory_space<vmem>>
    %dma_wait3A_580 = arith.constant 0 : i32
    %dma_wait3A_581 = tpu.memref_slice %arg5[%dma_wait3A_574, %dma_wait3A_580] : memref<128x50xi32, #tpu.memory_space<vmem>> -> memref<1x50xi32, #tpu.memory_space<vmem>>
    %dma_wait3A_582 = tpu.memref_squeeze %dma_wait3A_581 : memref<1x50xi32, #tpu.memory_space<vmem>> -> memref<50xi32, #tpu.memory_space<vmem>>
    %dma_wait3A_583 = arith.constant 0 : i32
    %dma_wait3A_584 = arith.constant 0 : i32
    %dma_wait3A_585 = tpu.memref_slice %arg2[%dma_wait3A_583, %dma_wait3A_584] : memref<100000x64xf32, #tpu.memory_space<hbm>> -> memref<100000x64xf32, #tpu.memory_space<hbm>>
    tpu.wait_indirect_dma semaphore(%arg9 : memref<!tpu.dma_semaphore, #tpu.memory_space<semaphore_mem>>) src(%dma_wait3A_585 : memref<100000x64xf32, #tpu.memory_space<hbm>>) dst(%dma_wait3A_579 : memref<50x64xf32, #tpu.memory_space<vmem>>)
    %add3A_586 = arith.constant 6100 : i32
    %add3A_587 = arith.addi %mul3A_2, %add3A_586 : i32
    %dma_start3A_588 = arith.constant 2 : i32
    %dma_start3A_589 = arith.constant 0 : i32
    %dma_start3A_590 = arith.constant 0 : i32
    %dma_start3A_591 = tpu.memref_slice %arg6[%dma_start3A_588, %dma_start3A_589, %dma_start3A_590] : memref<8x50x64xf32, #tpu.memory_space<vmem>> -> memref<1x50x64xf32, #tpu.memory_space<vmem>>
    %dma_start3A_592 = tpu.memref_squeeze %dma_start3A_591 : memref<1x50x64xf32, #tpu.memory_space<vmem>> -> memref<50x64xf32, #tpu.memory_space<vmem>>
    %dma_start3A_593 = arith.constant 0 : i32
    %dma_start3A_594 = tpu.memref_slice %arg4[%add3A_587, %dma_start3A_593] : memref<204800x64xf32, #tpu.memory_space<hbm>> -> memref<50x64xf32, #tpu.memory_space<hbm>>
    %dma_start3A_595 = arith.constant 0 : i32
    %dma_start3A_596 = tpu.memref_slice %arg4[%add3A_587, %dma_start3A_595] : memref<204800x64xf32, #tpu.memory_space<hbm>> -> memref<50x64xf32, #tpu.memory_space<hbm>>
    %dma_start3A_597 = arith.constant 0 : i32
    %dma_start3A_598 = arith.constant 0 : i32
    %dma_start3A_599 = tpu.memref_slice %arg6[%dma_start3A_588, %dma_start3A_597, %dma_start3A_598] : memref<8x50x64xf32, #tpu.memory_space<vmem>> -> memref<1x50x64xf32, #tpu.memory_space<vmem>>
    %dma_start3A_600 = tpu.memref_squeeze %dma_start3A_599 : memref<1x50x64xf32, #tpu.memory_space<vmem>> -> memref<50x64xf32, #tpu.memory_space<vmem>>
    tpu.enqueue_dma source(%dma_start3A_600 : memref<50x64xf32, #tpu.memory_space<vmem>>) target(%dma_start3A_596 : memref<50x64xf32, #tpu.memory_space<hbm>>) target_semaphore(%arg17 : memref<!tpu.dma_semaphore, #tpu.memory_space<semaphore_mem>>)
    %dma_wait3A_601 = arith.constant 123 : i32
    %dma_wait3A_602 = arith.constant 3 : i32
    %dma_wait3A_603 = arith.constant 0 : i32
    %dma_wait3A_604 = arith.constant 0 : i32
    %dma_wait3A_605 = tpu.memref_slice %arg6[%dma_wait3A_602, %dma_wait3A_603, %dma_wait3A_604] : memref<8x50x64xf32, #tpu.memory_space<vmem>> -> memref<1x50x64xf32, #tpu.memory_space<vmem>>
    %dma_wait3A_606 = tpu.memref_squeeze %dma_wait3A_605 : memref<1x50x64xf32, #tpu.memory_space<vmem>> -> memref<50x64xf32, #tpu.memory_space<vmem>>
    %dma_wait3A_607 = arith.constant 0 : i32
    %dma_wait3A_608 = tpu.memref_slice %arg5[%dma_wait3A_601, %dma_wait3A_607] : memref<128x50xi32, #tpu.memory_space<vmem>> -> memref<1x50xi32, #tpu.memory_space<vmem>>
    %dma_wait3A_609 = tpu.memref_squeeze %dma_wait3A_608 : memref<1x50xi32, #tpu.memory_space<vmem>> -> memref<50xi32, #tpu.memory_space<vmem>>
    %dma_wait3A_610 = arith.constant 0 : i32
    %dma_wait3A_611 = arith.constant 0 : i32
    %dma_wait3A_612 = tpu.memref_slice %arg2[%dma_wait3A_610, %dma_wait3A_611] : memref<100000x64xf32, #tpu.memory_space<hbm>> -> memref<100000x64xf32, #tpu.memory_space<hbm>>
    tpu.wait_indirect_dma semaphore(%arg10 : memref<!tpu.dma_semaphore, #tpu.memory_space<semaphore_mem>>) src(%dma_wait3A_612 : memref<100000x64xf32, #tpu.memory_space<hbm>>) dst(%dma_wait3A_606 : memref<50x64xf32, #tpu.memory_space<vmem>>)
    %add3A_613 = arith.constant 6150 : i32
    %add3A_614 = arith.addi %mul3A_2, %add3A_613 : i32
    %dma_start3A_615 = arith.constant 3 : i32
    %dma_start3A_616 = arith.constant 0 : i32
    %dma_start3A_617 = arith.constant 0 : i32
    %dma_start3A_618 = tpu.memref_slice %arg6[%dma_start3A_615, %dma_start3A_616, %dma_start3A_617] : memref<8x50x64xf32, #tpu.memory_space<vmem>> -> memref<1x50x64xf32, #tpu.memory_space<vmem>>
    %dma_start3A_619 = tpu.memref_squeeze %dma_start3A_618 : memref<1x50x64xf32, #tpu.memory_space<vmem>> -> memref<50x64xf32, #tpu.memory_space<vmem>>
    %dma_start3A_620 = arith.constant 0 : i32
    %dma_start3A_621 = tpu.memref_slice %arg4[%add3A_614, %dma_start3A_620] : memref<204800x64xf32, #tpu.memory_space<hbm>> -> memref<50x64xf32, #tpu.memory_space<hbm>>
    %dma_start3A_622 = arith.constant 0 : i32
    %dma_start3A_623 = tpu.memref_slice %arg4[%add3A_614, %dma_start3A_622] : memref<204800x64xf32, #tpu.memory_space<hbm>> -> memref<50x64xf32, #tpu.memory_space<hbm>>
    %dma_start3A_624 = arith.constant 0 : i32
    %dma_start3A_625 = arith.constant 0 : i32
    %dma_start3A_626 = tpu.memref_slice %arg6[%dma_start3A_615, %dma_start3A_624, %dma_start3A_625] : memref<8x50x64xf32, #tpu.memory_space<vmem>> -> memref<1x50x64xf32, #tpu.memory_space<vmem>>
    %dma_start3A_627 = tpu.memref_squeeze %dma_start3A_626 : memref<1x50x64xf32, #tpu.memory_space<vmem>> -> memref<50x64xf32, #tpu.memory_space<vmem>>
    tpu.enqueue_dma source(%dma_start3A_627 : memref<50x64xf32, #tpu.memory_space<vmem>>) target(%dma_start3A_623 : memref<50x64xf32, #tpu.memory_space<hbm>>) target_semaphore(%arg18 : memref<!tpu.dma_semaphore, #tpu.memory_space<semaphore_mem>>)
    %dma_wait3A_628 = arith.constant 124 : i32
    %dma_wait3A_629 = arith.constant 4 : i32
    %dma_wait3A_630 = arith.constant 0 : i32
    %dma_wait3A_631 = arith.constant 0 : i32
    %dma_wait3A_632 = tpu.memref_slice %arg6[%dma_wait3A_629, %dma_wait3A_630, %dma_wait3A_631] : memref<8x50x64xf32, #tpu.memory_space<vmem>> -> memref<1x50x64xf32, #tpu.memory_space<vmem>>
    %dma_wait3A_633 = tpu.memref_squeeze %dma_wait3A_632 : memref<1x50x64xf32, #tpu.memory_space<vmem>> -> memref<50x64xf32, #tpu.memory_space<vmem>>
    %dma_wait3A_634 = arith.constant 0 : i32
    %dma_wait3A_635 = tpu.memref_slice %arg5[%dma_wait3A_628, %dma_wait3A_634] : memref<128x50xi32, #tpu.memory_space<vmem>> -> memref<1x50xi32, #tpu.memory_space<vmem>>
    %dma_wait3A_636 = tpu.memref_squeeze %dma_wait3A_635 : memref<1x50xi32, #tpu.memory_space<vmem>> -> memref<50xi32, #tpu.memory_space<vmem>>
    %dma_wait3A_637 = arith.constant 0 : i32
    %dma_wait3A_638 = arith.constant 0 : i32
    %dma_wait3A_639 = tpu.memref_slice %arg2[%dma_wait3A_637, %dma_wait3A_638] : memref<100000x64xf32, #tpu.memory_space<hbm>> -> memref<100000x64xf32, #tpu.memory_space<hbm>>
    tpu.wait_indirect_dma semaphore(%arg11 : memref<!tpu.dma_semaphore, #tpu.memory_space<semaphore_mem>>) src(%dma_wait3A_639 : memref<100000x64xf32, #tpu.memory_space<hbm>>) dst(%dma_wait3A_633 : memref<50x64xf32, #tpu.memory_space<vmem>>)
    %add3A_640 = arith.constant 6200 : i32
    %add3A_641 = arith.addi %mul3A_2, %add3A_640 : i32
    %dma_start3A_642 = arith.constant 4 : i32
    %dma_start3A_643 = arith.constant 0 : i32
    %dma_start3A_644 = arith.constant 0 : i32
    %dma_start3A_645 = tpu.memref_slice %arg6[%dma_start3A_642, %dma_start3A_643, %dma_start3A_644] : memref<8x50x64xf32, #tpu.memory_space<vmem>> -> memref<1x50x64xf32, #tpu.memory_space<vmem>>
    %dma_start3A_646 = tpu.memref_squeeze %dma_start3A_645 : memref<1x50x64xf32, #tpu.memory_space<vmem>> -> memref<50x64xf32, #tpu.memory_space<vmem>>
    %dma_start3A_647 = arith.constant 0 : i32
    %dma_start3A_648 = tpu.memref_slice %arg4[%add3A_641, %dma_start3A_647] : memref<204800x64xf32, #tpu.memory_space<hbm>> -> memref<50x64xf32, #tpu.memory_space<hbm>>
    %dma_start3A_649 = arith.constant 0 : i32
    %dma_start3A_650 = tpu.memref_slice %arg4[%add3A_641, %dma_start3A_649] : memref<204800x64xf32, #tpu.memory_space<hbm>> -> memref<50x64xf32, #tpu.memory_space<hbm>>
    %dma_start3A_651 = arith.constant 0 : i32
    %dma_start3A_652 = arith.constant 0 : i32
    %dma_start3A_653 = tpu.memref_slice %arg6[%dma_start3A_642, %dma_start3A_651, %dma_start3A_652] : memref<8x50x64xf32, #tpu.memory_space<vmem>> -> memref<1x50x64xf32, #tpu.memory_space<vmem>>
    %dma_start3A_654 = tpu.memref_squeeze %dma_start3A_653 : memref<1x50x64xf32, #tpu.memory_space<vmem>> -> memref<50x64xf32, #tpu.memory_space<vmem>>
    tpu.enqueue_dma source(%dma_start3A_654 : memref<50x64xf32, #tpu.memory_space<vmem>>) target(%dma_start3A_650 : memref<50x64xf32, #tpu.memory_space<hbm>>) target_semaphore(%arg19 : memref<!tpu.dma_semaphore, #tpu.memory_space<semaphore_mem>>)
    %dma_wait3A_655 = arith.constant 125 : i32
    %dma_wait3A_656 = arith.constant 5 : i32
    %dma_wait3A_657 = arith.constant 0 : i32
    %dma_wait3A_658 = arith.constant 0 : i32
    %dma_wait3A_659 = tpu.memref_slice %arg6[%dma_wait3A_656, %dma_wait3A_657, %dma_wait3A_658] : memref<8x50x64xf32, #tpu.memory_space<vmem>> -> memref<1x50x64xf32, #tpu.memory_space<vmem>>
    %dma_wait3A_660 = tpu.memref_squeeze %dma_wait3A_659 : memref<1x50x64xf32, #tpu.memory_space<vmem>> -> memref<50x64xf32, #tpu.memory_space<vmem>>
    %dma_wait3A_661 = arith.constant 0 : i32
    %dma_wait3A_662 = tpu.memref_slice %arg5[%dma_wait3A_655, %dma_wait3A_661] : memref<128x50xi32, #tpu.memory_space<vmem>> -> memref<1x50xi32, #tpu.memory_space<vmem>>
    %dma_wait3A_663 = tpu.memref_squeeze %dma_wait3A_662 : memref<1x50xi32, #tpu.memory_space<vmem>> -> memref<50xi32, #tpu.memory_space<vmem>>
    %dma_wait3A_664 = arith.constant 0 : i32
    %dma_wait3A_665 = arith.constant 0 : i32
    %dma_wait3A_666 = tpu.memref_slice %arg2[%dma_wait3A_664, %dma_wait3A_665] : memref<100000x64xf32, #tpu.memory_space<hbm>> -> memref<100000x64xf32, #tpu.memory_space<hbm>>
    tpu.wait_indirect_dma semaphore(%arg12 : memref<!tpu.dma_semaphore, #tpu.memory_space<semaphore_mem>>) src(%dma_wait3A_666 : memref<100000x64xf32, #tpu.memory_space<hbm>>) dst(%dma_wait3A_660 : memref<50x64xf32, #tpu.memory_space<vmem>>)
    %add3A_667 = arith.constant 6250 : i32
    %add3A_668 = arith.addi %mul3A_2, %add3A_667 : i32
    %dma_start3A_669 = arith.constant 5 : i32
    %dma_start3A_670 = arith.constant 0 : i32
    %dma_start3A_671 = arith.constant 0 : i32
    %dma_start3A_672 = tpu.memref_slice %arg6[%dma_start3A_669, %dma_start3A_670, %dma_start3A_671] : memref<8x50x64xf32, #tpu.memory_space<vmem>> -> memref<1x50x64xf32, #tpu.memory_space<vmem>>
    %dma_start3A_673 = tpu.memref_squeeze %dma_start3A_672 : memref<1x50x64xf32, #tpu.memory_space<vmem>> -> memref<50x64xf32, #tpu.memory_space<vmem>>
    %dma_start3A_674 = arith.constant 0 : i32
    %dma_start3A_675 = tpu.memref_slice %arg4[%add3A_668, %dma_start3A_674] : memref<204800x64xf32, #tpu.memory_space<hbm>> -> memref<50x64xf32, #tpu.memory_space<hbm>>
    %dma_start3A_676 = arith.constant 0 : i32
    %dma_start3A_677 = tpu.memref_slice %arg4[%add3A_668, %dma_start3A_676] : memref<204800x64xf32, #tpu.memory_space<hbm>> -> memref<50x64xf32, #tpu.memory_space<hbm>>
    %dma_start3A_678 = arith.constant 0 : i32
    %dma_start3A_679 = arith.constant 0 : i32
    %dma_start3A_680 = tpu.memref_slice %arg6[%dma_start3A_669, %dma_start3A_678, %dma_start3A_679] : memref<8x50x64xf32, #tpu.memory_space<vmem>> -> memref<1x50x64xf32, #tpu.memory_space<vmem>>
    %dma_start3A_681 = tpu.memref_squeeze %dma_start3A_680 : memref<1x50x64xf32, #tpu.memory_space<vmem>> -> memref<50x64xf32, #tpu.memory_space<vmem>>
    tpu.enqueue_dma source(%dma_start3A_681 : memref<50x64xf32, #tpu.memory_space<vmem>>) target(%dma_start3A_677 : memref<50x64xf32, #tpu.memory_space<hbm>>) target_semaphore(%arg20 : memref<!tpu.dma_semaphore, #tpu.memory_space<semaphore_mem>>)
    %dma_wait3A_682 = arith.constant 126 : i32
    %dma_wait3A_683 = arith.constant 6 : i32
    %dma_wait3A_684 = arith.constant 0 : i32
    %dma_wait3A_685 = arith.constant 0 : i32
    %dma_wait3A_686 = tpu.memref_slice %arg6[%dma_wait3A_683, %dma_wait3A_684, %dma_wait3A_685] : memref<8x50x64xf32, #tpu.memory_space<vmem>> -> memref<1x50x64xf32, #tpu.memory_space<vmem>>
    %dma_wait3A_687 = tpu.memref_squeeze %dma_wait3A_686 : memref<1x50x64xf32, #tpu.memory_space<vmem>> -> memref<50x64xf32, #tpu.memory_space<vmem>>
    %dma_wait3A_688 = arith.constant 0 : i32
    %dma_wait3A_689 = tpu.memref_slice %arg5[%dma_wait3A_682, %dma_wait3A_688] : memref<128x50xi32, #tpu.memory_space<vmem>> -> memref<1x50xi32, #tpu.memory_space<vmem>>
    %dma_wait3A_690 = tpu.memref_squeeze %dma_wait3A_689 : memref<1x50xi32, #tpu.memory_space<vmem>> -> memref<50xi32, #tpu.memory_space<vmem>>
    %dma_wait3A_691 = arith.constant 0 : i32
    %dma_wait3A_692 = arith.constant 0 : i32
    %dma_wait3A_693 = tpu.memref_slice %arg2[%dma_wait3A_691, %dma_wait3A_692] : memref<100000x64xf32, #tpu.memory_space<hbm>> -> memref<100000x64xf32, #tpu.memory_space<hbm>>
    tpu.wait_indirect_dma semaphore(%arg13 : memref<!tpu.dma_semaphore, #tpu.memory_space<semaphore_mem>>) src(%dma_wait3A_693 : memref<100000x64xf32, #tpu.memory_space<hbm>>) dst(%dma_wait3A_687 : memref<50x64xf32, #tpu.memory_space<vmem>>)
    %add3A_694 = arith.constant 6300 : i32
    %add3A_695 = arith.addi %mul3A_2, %add3A_694 : i32
    %dma_start3A_696 = arith.constant 6 : i32
    %dma_start3A_697 = arith.constant 0 : i32
    %dma_start3A_698 = arith.constant 0 : i32
    %dma_start3A_699 = tpu.memref_slice %arg6[%dma_start3A_696, %dma_start3A_697, %dma_start3A_698] : memref<8x50x64xf32, #tpu.memory_space<vmem>> -> memref<1x50x64xf32, #tpu.memory_space<vmem>>
    %dma_start3A_700 = tpu.memref_squeeze %dma_start3A_699 : memref<1x50x64xf32, #tpu.memory_space<vmem>> -> memref<50x64xf32, #tpu.memory_space<vmem>>
    %dma_start3A_701 = arith.constant 0 : i32
    %dma_start3A_702 = tpu.memref_slice %arg4[%add3A_695, %dma_start3A_701] : memref<204800x64xf32, #tpu.memory_space<hbm>> -> memref<50x64xf32, #tpu.memory_space<hbm>>
    %dma_start3A_703 = arith.constant 0 : i32
    %dma_start3A_704 = tpu.memref_slice %arg4[%add3A_695, %dma_start3A_703] : memref<204800x64xf32, #tpu.memory_space<hbm>> -> memref<50x64xf32, #tpu.memory_space<hbm>>
    %dma_start3A_705 = arith.constant 0 : i32
    %dma_start3A_706 = arith.constant 0 : i32
    %dma_start3A_707 = tpu.memref_slice %arg6[%dma_start3A_696, %dma_start3A_705, %dma_start3A_706] : memref<8x50x64xf32, #tpu.memory_space<vmem>> -> memref<1x50x64xf32, #tpu.memory_space<vmem>>
    %dma_start3A_708 = tpu.memref_squeeze %dma_start3A_707 : memref<1x50x64xf32, #tpu.memory_space<vmem>> -> memref<50x64xf32, #tpu.memory_space<vmem>>
    tpu.enqueue_dma source(%dma_start3A_708 : memref<50x64xf32, #tpu.memory_space<vmem>>) target(%dma_start3A_704 : memref<50x64xf32, #tpu.memory_space<hbm>>) target_semaphore(%arg21 : memref<!tpu.dma_semaphore, #tpu.memory_space<semaphore_mem>>)
    %dma_wait3A_709 = arith.constant 127 : i32
    %dma_wait3A_710 = arith.constant 7 : i32
    %dma_wait3A_711 = arith.constant 0 : i32
    %dma_wait3A_712 = arith.constant 0 : i32
    %dma_wait3A_713 = tpu.memref_slice %arg6[%dma_wait3A_710, %dma_wait3A_711, %dma_wait3A_712] : memref<8x50x64xf32, #tpu.memory_space<vmem>> -> memref<1x50x64xf32, #tpu.memory_space<vmem>>
    %dma_wait3A_714 = tpu.memref_squeeze %dma_wait3A_713 : memref<1x50x64xf32, #tpu.memory_space<vmem>> -> memref<50x64xf32, #tpu.memory_space<vmem>>
    %dma_wait3A_715 = arith.constant 0 : i32
    %dma_wait3A_716 = tpu.memref_slice %arg5[%dma_wait3A_709, %dma_wait3A_715] : memref<128x50xi32, #tpu.memory_space<vmem>> -> memref<1x50xi32, #tpu.memory_space<vmem>>
    %dma_wait3A_717 = tpu.memref_squeeze %dma_wait3A_716 : memref<1x50xi32, #tpu.memory_space<vmem>> -> memref<50xi32, #tpu.memory_space<vmem>>
    %dma_wait3A_718 = arith.constant 0 : i32
    %dma_wait3A_719 = arith.constant 0 : i32
    %dma_wait3A_720 = tpu.memref_slice %arg2[%dma_wait3A_718, %dma_wait3A_719] : memref<100000x64xf32, #tpu.memory_space<hbm>> -> memref<100000x64xf32, #tpu.memory_space<hbm>>
    tpu.wait_indirect_dma semaphore(%arg14 : memref<!tpu.dma_semaphore, #tpu.memory_space<semaphore_mem>>) src(%dma_wait3A_720 : memref<100000x64xf32, #tpu.memory_space<hbm>>) dst(%dma_wait3A_714 : memref<50x64xf32, #tpu.memory_space<vmem>>)
    %add3A_721 = arith.constant 6350 : i32
    %add3A_722 = arith.addi %mul3A_2, %add3A_721 : i32
    %dma_start3A_723 = arith.constant 7 : i32
    %dma_start3A_724 = arith.constant 0 : i32
    %dma_start3A_725 = arith.constant 0 : i32
    %dma_start3A_726 = tpu.memref_slice %arg6[%dma_start3A_723, %dma_start3A_724, %dma_start3A_725] : memref<8x50x64xf32, #tpu.memory_space<vmem>> -> memref<1x50x64xf32, #tpu.memory_space<vmem>>
    %dma_start3A_727 = tpu.memref_squeeze %dma_start3A_726 : memref<1x50x64xf32, #tpu.memory_space<vmem>> -> memref<50x64xf32, #tpu.memory_space<vmem>>
    %dma_start3A_728 = arith.constant 0 : i32
    %dma_start3A_729 = tpu.memref_slice %arg4[%add3A_722, %dma_start3A_728] : memref<204800x64xf32, #tpu.memory_space<hbm>> -> memref<50x64xf32, #tpu.memory_space<hbm>>
    %dma_start3A_730 = arith.constant 0 : i32
    %dma_start3A_731 = tpu.memref_slice %arg4[%add3A_722, %dma_start3A_730] : memref<204800x64xf32, #tpu.memory_space<hbm>> -> memref<50x64xf32, #tpu.memory_space<hbm>>
    %dma_start3A_732 = arith.constant 0 : i32
    %dma_start3A_733 = arith.constant 0 : i32
    %dma_start3A_734 = tpu.memref_slice %arg6[%dma_start3A_723, %dma_start3A_732, %dma_start3A_733] : memref<8x50x64xf32, #tpu.memory_space<vmem>> -> memref<1x50x64xf32, #tpu.memory_space<vmem>>
    %dma_start3A_735 = tpu.memref_squeeze %dma_start3A_734 : memref<1x50x64xf32, #tpu.memory_space<vmem>> -> memref<50x64xf32, #tpu.memory_space<vmem>>
    tpu.enqueue_dma source(%dma_start3A_735 : memref<50x64xf32, #tpu.memory_space<vmem>>) target(%dma_start3A_731 : memref<50x64xf32, #tpu.memory_space<hbm>>) target_semaphore(%arg22 : memref<!tpu.dma_semaphore, #tpu.memory_space<semaphore_mem>>)
    %dma_wait3A_736 = arith.constant 0 : i32
    %dma_wait3A_737 = arith.constant 0 : i32
    %dma_wait3A_738 = arith.constant 0 : i32
    %dma_wait3A_739 = tpu.memref_slice %arg6[%dma_wait3A_736, %dma_wait3A_737, %dma_wait3A_738] : memref<8x50x64xf32, #tpu.memory_space<vmem>> -> memref<1x50x64xf32, #tpu.memory_space<vmem>>
    %dma_wait3A_740 = tpu.memref_squeeze %dma_wait3A_739 : memref<1x50x64xf32, #tpu.memory_space<vmem>> -> memref<50x64xf32, #tpu.memory_space<vmem>>
    %dma_wait3A_741 = arith.constant 0 : i32
    %dma_wait3A_742 = tpu.memref_slice %arg4[%mul3A_2, %dma_wait3A_741] : memref<204800x64xf32, #tpu.memory_space<hbm>> -> memref<50x64xf32, #tpu.memory_space<hbm>>
    %dma_wait3A_743 = arith.constant 0 : i32
    %dma_wait3A_744 = tpu.memref_slice %arg4[%mul3A_2, %dma_wait3A_743] : memref<204800x64xf32, #tpu.memory_space<hbm>> -> memref<50x64xf32, #tpu.memory_space<hbm>>
    %dma_wait3A_745 = arith.constant 0 : i32
    %dma_wait3A_746 = arith.constant 0 : i32
    %dma_wait3A_747 = tpu.memref_slice %arg6[%dma_wait3A_736, %dma_wait3A_745, %dma_wait3A_746] : memref<8x50x64xf32, #tpu.memory_space<vmem>> -> memref<1x50x64xf32, #tpu.memory_space<vmem>>
    %dma_wait3A_748 = tpu.memref_squeeze %dma_wait3A_747 : memref<1x50x64xf32, #tpu.memory_space<vmem>> -> memref<50x64xf32, #tpu.memory_space<vmem>>
    tpu.wait_dma2 semaphore(%arg15 : memref<!tpu.dma_semaphore, #tpu.memory_space<semaphore_mem>>) src(%dma_wait3A_748 : memref<50x64xf32, #tpu.memory_space<vmem>>) dst(%dma_wait3A_744 : memref<50x64xf32, #tpu.memory_space<hbm>>)
    %dma_wait3A_749 = arith.constant 1 : i32
    %dma_wait3A_750 = arith.constant 0 : i32
    %dma_wait3A_751 = arith.constant 0 : i32
    %dma_wait3A_752 = tpu.memref_slice %arg6[%dma_wait3A_749, %dma_wait3A_750, %dma_wait3A_751] : memref<8x50x64xf32, #tpu.memory_space<vmem>> -> memref<1x50x64xf32, #tpu.memory_space<vmem>>
    %dma_wait3A_753 = tpu.memref_squeeze %dma_wait3A_752 : memref<1x50x64xf32, #tpu.memory_space<vmem>> -> memref<50x64xf32, #tpu.memory_space<vmem>>
    %dma_wait3A_754 = arith.constant 0 : i32
    %dma_wait3A_755 = tpu.memref_slice %arg4[%mul3A_2, %dma_wait3A_754] : memref<204800x64xf32, #tpu.memory_space<hbm>> -> memref<50x64xf32, #tpu.memory_space<hbm>>
    %dma_wait3A_756 = arith.constant 0 : i32
    %dma_wait3A_757 = tpu.memref_slice %arg4[%mul3A_2, %dma_wait3A_756] : memref<204800x64xf32, #tpu.memory_space<hbm>> -> memref<50x64xf32, #tpu.memory_space<hbm>>
    %dma_wait3A_758 = arith.constant 0 : i32
    %dma_wait3A_759 = arith.constant 0 : i32
    %dma_wait3A_760 = tpu.memref_slice %arg6[%dma_wait3A_749, %dma_wait3A_758, %dma_wait3A_759] : memref<8x50x64xf32, #tpu.memory_space<vmem>> -> memref<1x50x64xf32, #tpu.memory_space<vmem>>
    %dma_wait3A_761 = tpu.memref_squeeze %dma_wait3A_760 : memref<1x50x64xf32, #tpu.memory_space<vmem>> -> memref<50x64xf32, #tpu.memory_space<vmem>>
    tpu.wait_dma2 semaphore(%arg16 : memref<!tpu.dma_semaphore, #tpu.memory_space<semaphore_mem>>) src(%dma_wait3A_761 : memref<50x64xf32, #tpu.memory_space<vmem>>) dst(%dma_wait3A_757 : memref<50x64xf32, #tpu.memory_space<hbm>>)
    %dma_wait3A_762 = arith.constant 2 : i32
    %dma_wait3A_763 = arith.constant 0 : i32
    %dma_wait3A_764 = arith.constant 0 : i32
    %dma_wait3A_765 = tpu.memref_slice %arg6[%dma_wait3A_762, %dma_wait3A_763, %dma_wait3A_764] : memref<8x50x64xf32, #tpu.memory_space<vmem>> -> memref<1x50x64xf32, #tpu.memory_space<vmem>>
    %dma_wait3A_766 = tpu.memref_squeeze %dma_wait3A_765 : memref<1x50x64xf32, #tpu.memory_space<vmem>> -> memref<50x64xf32, #tpu.memory_space<vmem>>
    %dma_wait3A_767 = arith.constant 0 : i32
    %dma_wait3A_768 = tpu.memref_slice %arg4[%mul3A_2, %dma_wait3A_767] : memref<204800x64xf32, #tpu.memory_space<hbm>> -> memref<50x64xf32, #tpu.memory_space<hbm>>
    %dma_wait3A_769 = arith.constant 0 : i32
    %dma_wait3A_770 = tpu.memref_slice %arg4[%mul3A_2, %dma_wait3A_769] : memref<204800x64xf32, #tpu.memory_space<hbm>> -> memref<50x64xf32, #tpu.memory_space<hbm>>
    %dma_wait3A_771 = arith.constant 0 : i32
    %dma_wait3A_772 = arith.constant 0 : i32
    %dma_wait3A_773 = tpu.memref_slice %arg6[%dma_wait3A_762, %dma_wait3A_771, %dma_wait3A_772] : memref<8x50x64xf32, #tpu.memory_space<vmem>> -> memref<1x50x64xf32, #tpu.memory_space<vmem>>
    %dma_wait3A_774 = tpu.memref_squeeze %dma_wait3A_773 : memref<1x50x64xf32, #tpu.memory_space<vmem>> -> memref<50x64xf32, #tpu.memory_space<vmem>>
    tpu.wait_dma2 semaphore(%arg17 : memref<!tpu.dma_semaphore, #tpu.memory_space<semaphore_mem>>) src(%dma_wait3A_774 : memref<50x64xf32, #tpu.memory_space<vmem>>) dst(%dma_wait3A_770 : memref<50x64xf32, #tpu.memory_space<hbm>>)
    %dma_wait3A_775 = arith.constant 3 : i32
    %dma_wait3A_776 = arith.constant 0 : i32
    %dma_wait3A_777 = arith.constant 0 : i32
    %dma_wait3A_778 = tpu.memref_slice %arg6[%dma_wait3A_775, %dma_wait3A_776, %dma_wait3A_777] : memref<8x50x64xf32, #tpu.memory_space<vmem>> -> memref<1x50x64xf32, #tpu.memory_space<vmem>>
    %dma_wait3A_779 = tpu.memref_squeeze %dma_wait3A_778 : memref<1x50x64xf32, #tpu.memory_space<vmem>> -> memref<50x64xf32, #tpu.memory_space<vmem>>
    %dma_wait3A_780 = arith.constant 0 : i32
    %dma_wait3A_781 = tpu.memref_slice %arg4[%mul3A_2, %dma_wait3A_780] : memref<204800x64xf32, #tpu.memory_space<hbm>> -> memref<50x64xf32, #tpu.memory_space<hbm>>
    %dma_wait3A_782 = arith.constant 0 : i32
    %dma_wait3A_783 = tpu.memref_slice %arg4[%mul3A_2, %dma_wait3A_782] : memref<204800x64xf32, #tpu.memory_space<hbm>> -> memref<50x64xf32, #tpu.memory_space<hbm>>
    %dma_wait3A_784 = arith.constant 0 : i32
    %dma_wait3A_785 = arith.constant 0 : i32
    %dma_wait3A_786 = tpu.memref_slice %arg6[%dma_wait3A_775, %dma_wait3A_784, %dma_wait3A_785] : memref<8x50x64xf32, #tpu.memory_space<vmem>> -> memref<1x50x64xf32, #tpu.memory_space<vmem>>
    %dma_wait3A_787 = tpu.memref_squeeze %dma_wait3A_786 : memref<1x50x64xf32, #tpu.memory_space<vmem>> -> memref<50x64xf32, #tpu.memory_space<vmem>>
    tpu.wait_dma2 semaphore(%arg18 : memref<!tpu.dma_semaphore, #tpu.memory_space<semaphore_mem>>) src(%dma_wait3A_787 : memref<50x64xf32, #tpu.memory_space<vmem>>) dst(%dma_wait3A_783 : memref<50x64xf32, #tpu.memory_space<hbm>>)
    %dma_wait3A_788 = arith.constant 4 : i32
    %dma_wait3A_789 = arith.constant 0 : i32
    %dma_wait3A_790 = arith.constant 0 : i32
    %dma_wait3A_791 = tpu.memref_slice %arg6[%dma_wait3A_788, %dma_wait3A_789, %dma_wait3A_790] : memref<8x50x64xf32, #tpu.memory_space<vmem>> -> memref<1x50x64xf32, #tpu.memory_space<vmem>>
    %dma_wait3A_792 = tpu.memref_squeeze %dma_wait3A_791 : memref<1x50x64xf32, #tpu.memory_space<vmem>> -> memref<50x64xf32, #tpu.memory_space<vmem>>
    %dma_wait3A_793 = arith.constant 0 : i32
    %dma_wait3A_794 = tpu.memref_slice %arg4[%mul3A_2, %dma_wait3A_793] : memref<204800x64xf32, #tpu.memory_space<hbm>> -> memref<50x64xf32, #tpu.memory_space<hbm>>
    %dma_wait3A_795 = arith.constant 0 : i32
    %dma_wait3A_796 = tpu.memref_slice %arg4[%mul3A_2, %dma_wait3A_795] : memref<204800x64xf32, #tpu.memory_space<hbm>> -> memref<50x64xf32, #tpu.memory_space<hbm>>
    %dma_wait3A_797 = arith.constant 0 : i32
    %dma_wait3A_798 = arith.constant 0 : i32
    %dma_wait3A_799 = tpu.memref_slice %arg6[%dma_wait3A_788, %dma_wait3A_797, %dma_wait3A_798] : memref<8x50x64xf32, #tpu.memory_space<vmem>> -> memref<1x50x64xf32, #tpu.memory_space<vmem>>
    %dma_wait3A_800 = tpu.memref_squeeze %dma_wait3A_799 : memref<1x50x64xf32, #tpu.memory_space<vmem>> -> memref<50x64xf32, #tpu.memory_space<vmem>>
    tpu.wait_dma2 semaphore(%arg19 : memref<!tpu.dma_semaphore, #tpu.memory_space<semaphore_mem>>) src(%dma_wait3A_800 : memref<50x64xf32, #tpu.memory_space<vmem>>) dst(%dma_wait3A_796 : memref<50x64xf32, #tpu.memory_space<hbm>>)
    %dma_wait3A_801 = arith.constant 5 : i32
    %dma_wait3A_802 = arith.constant 0 : i32
    %dma_wait3A_803 = arith.constant 0 : i32
    %dma_wait3A_804 = tpu.memref_slice %arg6[%dma_wait3A_801, %dma_wait3A_802, %dma_wait3A_803] : memref<8x50x64xf32, #tpu.memory_space<vmem>> -> memref<1x50x64xf32, #tpu.memory_space<vmem>>
    %dma_wait3A_805 = tpu.memref_squeeze %dma_wait3A_804 : memref<1x50x64xf32, #tpu.memory_space<vmem>> -> memref<50x64xf32, #tpu.memory_space<vmem>>
    %dma_wait3A_806 = arith.constant 0 : i32
    %dma_wait3A_807 = tpu.memref_slice %arg4[%mul3A_2, %dma_wait3A_806] : memref<204800x64xf32, #tpu.memory_space<hbm>> -> memref<50x64xf32, #tpu.memory_space<hbm>>
    %dma_wait3A_808 = arith.constant 0 : i32
    %dma_wait3A_809 = tpu.memref_slice %arg4[%mul3A_2, %dma_wait3A_808] : memref<204800x64xf32, #tpu.memory_space<hbm>> -> memref<50x64xf32, #tpu.memory_space<hbm>>
    %dma_wait3A_810 = arith.constant 0 : i32
    %dma_wait3A_811 = arith.constant 0 : i32
    %dma_wait3A_812 = tpu.memref_slice %arg6[%dma_wait3A_801, %dma_wait3A_810, %dma_wait3A_811] : memref<8x50x64xf32, #tpu.memory_space<vmem>> -> memref<1x50x64xf32, #tpu.memory_space<vmem>>
    %dma_wait3A_813 = tpu.memref_squeeze %dma_wait3A_812 : memref<1x50x64xf32, #tpu.memory_space<vmem>> -> memref<50x64xf32, #tpu.memory_space<vmem>>
    tpu.wait_dma2 semaphore(%arg20 : memref<!tpu.dma_semaphore, #tpu.memory_space<semaphore_mem>>) src(%dma_wait3A_813 : memref<50x64xf32, #tpu.memory_space<vmem>>) dst(%dma_wait3A_809 : memref<50x64xf32, #tpu.memory_space<hbm>>)
    %dma_wait3A_814 = arith.constant 6 : i32
    %dma_wait3A_815 = arith.constant 0 : i32
    %dma_wait3A_816 = arith.constant 0 : i32
    %dma_wait3A_817 = tpu.memref_slice %arg6[%dma_wait3A_814, %dma_wait3A_815, %dma_wait3A_816] : memref<8x50x64xf32, #tpu.memory_space<vmem>> -> memref<1x50x64xf32, #tpu.memory_space<vmem>>
    %dma_wait3A_818 = tpu.memref_squeeze %dma_wait3A_817 : memref<1x50x64xf32, #tpu.memory_space<vmem>> -> memref<50x64xf32, #tpu.memory_space<vmem>>
    %dma_wait3A_819 = arith.constant 0 : i32
    %dma_wait3A_820 = tpu.memref_slice %arg4[%mul3A_2, %dma_wait3A_819] : memref<204800x64xf32, #tpu.memory_space<hbm>> -> memref<50x64xf32, #tpu.memory_space<hbm>>
    %dma_wait3A_821 = arith.constant 0 : i32
    %dma_wait3A_822 = tpu.memref_slice %arg4[%mul3A_2, %dma_wait3A_821] : memref<204800x64xf32, #tpu.memory_space<hbm>> -> memref<50x64xf32, #tpu.memory_space<hbm>>
    %dma_wait3A_823 = arith.constant 0 : i32
    %dma_wait3A_824 = arith.constant 0 : i32
    %dma_wait3A_825 = tpu.memref_slice %arg6[%dma_wait3A_814, %dma_wait3A_823, %dma_wait3A_824] : memref<8x50x64xf32, #tpu.memory_space<vmem>> -> memref<1x50x64xf32, #tpu.memory_space<vmem>>
    %dma_wait3A_826 = tpu.memref_squeeze %dma_wait3A_825 : memref<1x50x64xf32, #tpu.memory_space<vmem>> -> memref<50x64xf32, #tpu.memory_space<vmem>>
    tpu.wait_dma2 semaphore(%arg21 : memref<!tpu.dma_semaphore, #tpu.memory_space<semaphore_mem>>) src(%dma_wait3A_826 : memref<50x64xf32, #tpu.memory_space<vmem>>) dst(%dma_wait3A_822 : memref<50x64xf32, #tpu.memory_space<hbm>>)
    %dma_wait3A_827 = arith.constant 7 : i32
    %dma_wait3A_828 = arith.constant 0 : i32
    %dma_wait3A_829 = arith.constant 0 : i32
    %dma_wait3A_830 = tpu.memref_slice %arg6[%dma_wait3A_827, %dma_wait3A_828, %dma_wait3A_829] : memref<8x50x64xf32, #tpu.memory_space<vmem>> -> memref<1x50x64xf32, #tpu.memory_space<vmem>>
    %dma_wait3A_831 = tpu.memref_squeeze %dma_wait3A_830 : memref<1x50x64xf32, #tpu.memory_space<vmem>> -> memref<50x64xf32, #tpu.memory_space<vmem>>
    %dma_wait3A_832 = arith.constant 0 : i32
    %dma_wait3A_833 = tpu.memref_slice %arg4[%mul3A_2, %dma_wait3A_832] : memref<204800x64xf32, #tpu.memory_space<hbm>> -> memref<50x64xf32, #tpu.memory_space<hbm>>
    %dma_wait3A_834 = arith.constant 0 : i32
    %dma_wait3A_835 = tpu.memref_slice %arg4[%mul3A_2, %dma_wait3A_834] : memref<204800x64xf32, #tpu.memory_space<hbm>> -> memref<50x64xf32, #tpu.memory_space<hbm>>
    %dma_wait3A_836 = arith.constant 0 : i32
    %dma_wait3A_837 = arith.constant 0 : i32
    %dma_wait3A_838 = tpu.memref_slice %arg6[%dma_wait3A_827, %dma_wait3A_836, %dma_wait3A_837] : memref<8x50x64xf32, #tpu.memory_space<vmem>> -> memref<1x50x64xf32, #tpu.memory_space<vmem>>
    %dma_wait3A_839 = tpu.memref_squeeze %dma_wait3A_838 : memref<1x50x64xf32, #tpu.memory_space<vmem>> -> memref<50x64xf32, #tpu.memory_space<vmem>>
    tpu.wait_dma2 semaphore(%arg22 : memref<!tpu.dma_semaphore, #tpu.memory_space<semaphore_mem>>) src(%dma_wait3A_839 : memref<50x64xf32, #tpu.memory_space<vmem>>) dst(%dma_wait3A_835 : memref<50x64xf32, #tpu.memory_space<hbm>>)
    return
  }
}

</mosaic_0001>

<sc_bundles>
// kernel: kernel.3.cloned.1.call-start
scs
__scs_entry_jumppad:
0x0: {  	(pc) =	sbr.rel $0x88, $3  }
0x1: {  	(tag) =	ssettag $0x0;
	lr =	simm.s32 $0x1  }
0x2: {  	[smem:$0x3F9F] =	sst lr;
	_ =	strace $0xD0000000  }
0x3: {  	_ = 	snop  }
0x4: {  	_ = 	snop  }
0x5: {  	_ = 	snop  }
0x6: {  	_ = 	snop  }
0x7: {  	_ = 	snop  }
__scs_overlays_trampoline_lowered:
0x8: {  	[smem:$0x3FAE] =	sst s0  }
0x9: {  	[smem:$0x3FAF] =	sst s1  }
0xa: {  	[smem:$0x3FB0] =	sst s2  }
0xb: {  	[smem:$0x3FB1] =	sst s3  }
0xc: {  	[smem:$0x3FB2] =	sst s4  }
0xd: {  	[smem:$0x3FB3] =	sst s5  }
0xe: {  	[smem:$0x3FB4] =	sst s6  }
0xf: {  	[smem:$0x3FB5] =	sst s7  }
0x10: {  	[smem:$0x3FB6] =	sst s8  }
0x11: {  	[smem:$0x3FB7] =	sst s9;
	s0 =	simm.s32 @!p0 $0x0  }
0x12: {  	s1 =	sld [smem:$0x3F9D];
	s0 =	simm.s32 @p0 $0x1  }
0x13: {  	[smem:$0x3FB8] =	sst s0;
	s0 =	simm.s32 @!p1 $0x0  }
0x14: {  	s2 =	sld [smem:$0x3F9C];
	s0 =	simm.s32 @p1 $0x1  }
0x15: {  	[smem:$0x3FB9] =	sst s0;
	s0 =	simm.s32 @!p2 $0x0  }
0x16: {  	s3 =	sld [smem:$0x3FDB];
	s0 =	simm.s32 @p2 $0x1  }
0x17: {  	s4 =	simm.s32 $0x1BF5;
	[smem:$0x3FBB] =	sst s0  }
0x18: {  	s0 =	sld [smem:$0x3F9E];
	_ =	swait.ge [sflag:s4], $0x0  }
0x19: {  	s7 =	sld [smem:$0x3F9F]  }
0x1a: {  	s8 =	sadd.s32 $0xFFFFE003, lr  }
0x1b: {  	s9 =	sadd.s32 $0xFFFFFEF7, lr;
	s5 =	simm.s32 $0xFFFFFFFF;
	p2 =	slt.u32 s8, $0xFFFFF086  }
0x1c: {  	p1 =	slt.u32 s9, $0xF7A;
	s5 =	simm.s32 @!p2 $0x0  }
0x1d: {  	s5 =	simm.s32 @p1 $0x1;
	p0 =	seq.s32 s7, s2  }
0x1e: {  	s7 =	smul.u32 @!p0 $0xF7A, s2;
	p2 =	seq.s32 @!p0 s5, $0x0  }
0x1f: {  	s9 =	smul.u32 $0xF7A, s1;
	s8 =	simm.s32 @!p0 $0x1BF5;
	p2 =	por !p2, p0  }
0x20: {  	[sflag:s8] =	ssyncset.s32 @!p0 $0xFFFFF086;
	s6 =	sadd.s32 @!p0 s3, s7;
	s7 =	simm.s32 @!p0 $0x108  }
0x21: {  	s3 =	sadd.s32 s3, s9;
	s6 =	sadd.s32 @!p0 $0x88, s6;
	s7 =	simm.s32 @p2 $0x1082  }
0x22: {  	[simem:s7], [sflag:s8] =	dma.local @!p0 [hbm:s6], $0xF7A  }
0x23: {  	s9 =	sor.u32 $0xD0000000, s2;
	s6 =	simm.s32 $0x108;
	_ =	swait.ge @!p0 [sflag:s8], $0x0  }
0x24: {  	s3 =	sadd.s32 $0x88, s3;
	s6 =	simm.s32 @!p1 $0x1082;
	[sflag:s4] =	ssyncset.s32 $0xFFFFF086  }
0x25: {  	[simem:s6], [sflag:s4] =	dma.local [hbm:s3], $0xF7A  }
0x26: {  	[smem:$0x3F9F] =	sst s1;
	(tag) =	ssettag s2;
	_ =	strace s9  }
0x27: {  	s1 =	sld [smem:$0x3FAF]  }
0x28: {  	s2 =	sld [smem:$0x3FB0]  }
0x29: {  	s4 =	sld [smem:$0x3FB2]  }
0x2a: {  	p0 =	seq.s32 s5, $0x0;
	s5 =	sld [smem:$0x3FB3]  }
0x2b: {  	s6 =	sld [smem:$0x3FB4]  }
0x2c: {  	s7 =	sld [smem:$0x3FB5]  }
0x2d: {  	s3 =	simm.s32 $0x108;
	s8 =	sld [smem:$0x3FB6]  }
0x2e: {  	s3 =	simm.s32 @!p0 $0x1082;
	s9 =	sld [smem:$0x3FB7]  }
0x2f: {  	lr =	sadd.s32 s0, s3;
	s0 =	sld [smem:$0x3FAE]  }
0x30: {  	s3 =	sld [smem:$0x3FB1]  }
0x31: {  	[smem:$0x3FBA] =	sst s10  }
0x32: {  	s10 =	sld [smem:$0x3FB8];
	_ =	sdelay $0x3  }
0x33: {  	p0 =	seq.s32 s10, $0x1;
	s10 =	sld [smem:$0x3FBA];
	_ =	sdelay $0x3  }
0x34: {  	[smem:$0x3FBA] =	sst s10  }
0x35: {  	s10 =	sld [smem:$0x3FB9];
	_ =	sdelay $0x3  }
0x36: {  	p1 =	seq.s32 s10, $0x1;
	s10 =	sld [smem:$0x3FBA];
	_ =	sdelay $0x3  }
0x37: {  	[smem:$0x3FBA] =	sst s10  }
0x38: {  	s10 =	sld [smem:$0x3FBB]  }
0x39: {  	_ = 	snop;
	(pc) =	sbr.ind lr, $3  }
0x3a: {  	_ = 	snop  }
0x3b: {  	_ = 	snop  }
0x3c: {  	p2 =	seq.s32 s10, $0x1;
	s10 =	sld [smem:$0x3FBA]  }
0x3d: {  	_ =	shalt  }
0x3e: {  	_ =	shalt  }
0x3f: {  	_ =	shalt  }
0x40: {  	_ =	shalt  }
0x41: {  	_ =	shalt  }
0x42: {  	_ =	shalt  }
0x43: {  	_ =	shalt  }
0x44: {  	_ =	shalt  }
0x45: {  	_ =	shalt  }
0x46: {  	_ =	shalt  }
0x47: {  	_ =	shalt  }
0x48: {  	_ =	shalt  }
0x49: {  	_ =	shalt  }
0x4a: {  	_ =	shalt  }
0x4b: {  	_ =	shalt  }
0x4c: {  	_ =	shalt  }
0x4d: {  	_ =	shalt  }
0x4e: {  	_ =	shalt  }
0x4f: {  	_ =	shalt  }
0x50: {  	_ =	shalt  }
0x51: {  	_ =	shalt  }
0x52: {  	_ =	shalt  }
0x53: {  	_ =	shalt  }
0x54: {  	_ =	shalt  }
0x55: {  	_ =	shalt  }
0x56: {  	_ =	shalt  }
0x57: {  	_ =	shalt  }
0x58: {  	_ =	shalt  }
0x59: {  	_ =	shalt  }
0x5a: {  	_ =	shalt  }
0x5b: {  	_ =	shalt  }
0x5c: {  	_ =	shalt  }
0x5d: {  	_ =	shalt  }
0x5e: {  	_ =	shalt  }
0x5f: {  	_ =	shalt  }
0x60: {  	_ =	shalt  }
0x61: {  	_ =	shalt  }
0x62: {  	_ =	shalt  }
0x63: {  	_ =	shalt  }
0x64: {  	_ =	shalt  }
0x65: {  	_ =	shalt  }
0x66: {  	_ =	shalt  }
0x67: {  	_ =	shalt  }
0x68: {  	_ =	shalt  }
0x69: {  	_ =	shalt  }
0x6a: {  	_ =	shalt  }
0x6b: {  	_ =	shalt  }
0x6c: {  	_ =	shalt  }
0x6d: {  	_ =	shalt  }
0x6e: {  	_ =	shalt  }
0x6f: {  	_ =	shalt  }
0x70: {  	_ =	shalt  }
0x71: {  	_ =	shalt  }
0x72: {  	_ =	shalt  }
0x73: {  	_ =	shalt  }
0x74: {  	_ =	shalt  }
0x75: {  	_ =	shalt  }
0x76: {  	_ =	shalt  }
0x77: {  	_ =	shalt  }
0x78: {  	_ =	shalt  }
0x79: {  	_ =	shalt  }
0x7a: {  	_ =	shalt  }
0x7b: {  	_ =	shalt  }
0x7c: {  	_ =	shalt  }
0x7d: {  	_ =	shalt  }
0x7e: {  	_ =	shalt  }
0x7f: {  	_ =	shalt  }
0x80: {  	_ =	shalt  }
0x81: {  	_ =	shalt  }
0x82: {  	_ =	shalt  }
0x83: {  	_ =	shalt  }
0x84: {  	_ =	shalt  }
0x85: {  	_ =	shalt  }
0x86: {  	_ =	shalt  }
0x87: {  	_ =	shalt  }
.Lfunc_end0:
.L_simem_size_0:
called_computation.1_lowered:
.L_overlay_start_0:
0x88: {  	s2 =	sld [smem:$0x3FD9]  }
0x89: {  	s3 =	sld [smem:$0x3FFE];
	_ =	sdelay $0x1  }
0x8a: {  	s1 =	srdreg.scid  }
0x8b: {  	s0 =	sand.u32 $0x1, s1  }
0x8c: {  	s17 =	sshll.u32 s0, $0xA;
	s2 =	sadd.s32 s3, s2  }
0x8d: {  	s2 =	sadd.s32 s2, s17  }
0x8e: {  	[smem:$0x3FC6] =	sst s2  }
0x8f: {  	_ = 	snop  }
0x90: {  	s2 =	sld [smem:$0x3FD0];
	(tm) =	ssettm $0x1  }
0x91: {  	s18 =	sld [smem:$0x3FFB];
	_ =	sdelay $0x3  }
0x92: {  	_ =	strace s18  }
0x93: {  	s3 =	sld [smem:$0x3FFC];
	_ =	sdelay $0x3  }
0x94: {  	_ =	strace s3  }
0x95: {  	s3 =	sld [smem:$0x3FFD];
	_ =	sdelay $0x3  }
0x96: {  	_ =	strace s3  }
0x97: {  	_ =	strace $0x8FFFFFFF  }
0x98: {  	s19 =	sld [smem:$0x3FDB];
	_ =	sdelay $0x1  }
0x99: {  	s4 =	simm.s32 $_scs_section_size  }
0x9a: {  	s5 =	simm.s32 $_size__tile_overlayer_lowered;
	s6 =	simm.s32 $_tile_overlayer_lowered  }
0x9b: {  	s22 =	simm.s32 $0x1BFF;
	s21 =	sshll.u32 s6, $0x1;
	s3 =	sadd.s32 s4, s19  }
0x9c: {  	s7 =	simm.s32 $0x0;
	s20 =	sshll.u32 s5, $0x1;
	s5 =	sadd.s32 s21, s3  }
0x9d: {  	[timem:s7], [sflag:s22] =	dma.local [hbm:s5], s20  }
0x9e: {  	_ =	swait.ge [sflag:s22], s20  }
0x9f: {  	s4 =	ssub.s32 $0x0, s20;
	[sflag:s22] =	ssyncset.done $0x0  }
0xa0: {  	[sflag:s22] =	ssyncadd.s32 s4;
	_ =	sdelay $0x1  }
0xa1: {  	s23 =	simm.s32 $0x1B8B  }
0xa2: {  	_ =	swait.ge [sflag:s23], $0x1  }
0xa3: {  	[sflag:s23] =	ssyncset.done $0x0  }
0xa4: {  	s25 =	simm.s32 $0x1B8E;
	s24 =	sld [smem:$0x3FFE];
	[sflag:s23] =	ssyncadd.s32 $0xFFFFFFFF  }
0xa5: {  	s26 =	simm.s32 $execute0_lowered;
	[smem:$0x3FD2] =	sst s25  }
0xa6: {  	s5 =	sshll.u32 s26, $0x1;
	_ =	strace $0x80000046;
	[dreg:$0x1] =	wrdreg $0xFFFFFFFF  }
0xa7: {  	s28 =	simm.s32 $_size_execute0_lowered;
	s3 =	sadd.s32 s3, s5;
	[dreg:$0x0] =	wrdreg $0x0  }
0xa8: {  	s5 =	sshll.u32 s28, $0x1;
	[dreg:$0x2] =	wrdreg s3  }
0xa9: {  	[dreg:$0x3] =	wrdreg s5  }
0xaa: {  	[dreg:$0x4] =	wrdreg $0xC0  }
0xab: {  	_ =	task [dreg:s7], $0x5FFFF  }
0xac: {  	[dreg:$0x1] =	wrdreg $0xFFFFFFFF  }
0xad: {  	[dreg:$0x0] =	wrdreg $0x60  }
0xae: {  	[dreg:$0x2] =	wrdreg s24  }
0xaf: {  	[dreg:$0x3] =	wrdreg s2  }
0xb0: {  	[dreg:$0x4] =	wrdreg $0x9  }
0xb1: {  	_ =	task.clear_ibuf [dreg:s7], $0x5FFFF;
	_ =	strace $0x90000046  }
0xb2: {  	s29 =	simm.s32 $0x9;
	_ =	strace $0x80000048  }
0xb3: {  	_ =	swait.ge [sflag:s29], $0x1  }
0xb4: {  	[sflag:s29] =	ssyncadd.s32 $0xFFFFFFFF  }
0xb5: {  	_ =	strace $0x90000048  }
0xb6: {  	_ =	sfence  }
0xb7: {  	s30 =	sld [smem:$0x0];
	_ =	sdelay $0x2  }
0xb8: {  	s31 =	sshll.u32 s1, $0xD;
	s1 =	sshrl.u32 s1, $0x2  }
0xb9: {  	s3 =	sand.u32 $0x4000, s31;
	s1 =	sadd.s32 s1, s30  }
0xba: {  	s0 =	sor.u32 s3, s0;
	s1 =	sshll.u32 s1, $0x11  }
0xbb: {  	s0 =	sor.u32 s1, s0  }
0xbc: {  	s0 =	sadd.s32 $0x8F2B, s0  }
0xbd: {  	[sflag:s0] =	ssyncadd.remote.s32 $0x1  }
0xbe: {  	_ =	sfence.sel $0xFFFF  }
0xbf: {  	[dreg:$0x0] =	wrdreg $0xFFFFFFFF;
	(pc) =	sbr.abs _section_cstart, $3  }
0xc0: {  	[dreg:$0x1] =	wrdreg $0xFFFFFFFF  }
0xc1: {  	_ =	task.clear_ibuf [dreg:s7], $0x2FFFF;
	_ =	strace $0x9FFFFFFF  }
0xc2: {  	(tm) =	ssettm $0x7FFFFFFF  }
0xc3: {  	_ =	shalt  }
tec
execute0_lowered:
.L_overlay_start_1:
0x0: {  	(tag) =	ssettag $0x1  }
0x1: {  	s1 =	srdreg.scid;
	s9 =	stileid.u32  }
0x2: {  	s1 =	sand.u32 $0x1, s1;
	s2 =	sshll.u32 s9, $0x1  }
0x3: {  	s0 =	rddreg [dreg:$0x0];
	s2 =	sor.u32 s1, s2  }
0x4: {  	s10 =	rddreg [dreg:$0x1];
	s3 =	simm.s32 $0x0;
	s5 =	smul.u32 $0x380, s2  }
0x5: {  	[smem:$0x7FF] =	sst s3;
	s7 =	smul.u32 $0xC800, s2  }
0x6: {  	s4 =	sadd.s32 $0x7800, s0;
	s21 =	smul.u32 $0x3200, s9;
	_ =	strace $0x80000047  }
0x7: {  	s6 =	ssub.s32 $0x2, s1;
	s0 =	sadd.s32 s5, s0;
	s7 =	sadd.s32 s10, s7  }
0x8: {  	s22 =	smul.u32 $0x1900, s1;
	s0 =	sadd.s32 $0x800, s0;
	[dreg:$0xc] =	wrdreg s7  }
0x9: {  	s8 =	sshrl.u32 s6, $0x1;
	s23 =	sadd.s32 $0x190, s7;
	[dreg:$0xb] =	wrdreg s0  }
0xa: {  	s2 =	smul.u32 $0x64000, s2;
	s24 =	sadd.s32 $0x320, s7;
	[dreg:$0xd] =	wrdreg s23  }
0xb: {  	s5 =	ssub.s32 s6, s8;
	s25 =	sadd.s32 $0x4B0, s7;
	[dreg:$0xe] =	wrdreg s24  }
0xc: {  	s8 =	sshrl.u32 s2, $0x3;
	s26 =	sadd.s32 $0x640, s7;
	[dreg:$0xf] =	wrdreg s25  }
0xd: {  	s9 =	sadd.s32 $0x7D0, s7;
	s1 =	sadd.s32 s10, s8;
	[dreg:$0x10] =	wrdreg s26  }
0xe: {  	[dreg:$0x11] =	wrdreg s9;
	s10 =	sadd.s32 $0x960, s1  }
0xf: {  	s11 =	sadd.s32 $0xAF0, s1;
	[dreg:$0x12] =	wrdreg s10  }
0x10: {  	s28 =	simm.s32 $0x2880;
	s13 =	sadd.s32 $0xBB80, s1;
	[dreg:$0x13] =	wrdreg s11  }
0x11: {  	s30 =	simm.s32 $0x3500;
	s15 =	sadd.s32 $0xBD10, s1;
	[dreg:$0x14] =	wrdreg s13  }
0x12: {  	s31 =	simm.s32 $0x5A80;
	s17 =	sadd.s32 $0xBEA0, s1;
	[dreg:$0x15] =	wrdreg s15  }
0x13: {  	s29 =	simm.s32 $0x6700;
	s19 =	sadd.s32 $0xC030, s1;
	[dreg:$0x16] =	wrdreg s17  }
0x14: {  	s0 =	sadd.s32 s22, s21;
	s21 =	sadd.s32 $0xC1C0, s1;
	[dreg:$0x17] =	wrdreg s19  }
0x15: {  	s6 =	simm.s32 $0x0;
	s23 =	sadd.s32 $0xC350, s1;
	[dreg:$0x18] =	wrdreg s21  }
0x16: {  	s7 =	simm.s32 $0x7380;
	s25 =	sadd.s32 $0xC4E0, s1;
	[dreg:$0x19] =	wrdreg s23  }
0x17: {  	s8 =	simm.s32 $0x3;
	s1 =	sadd.s32 $0xC670, s1;
	[dreg:$0x1a] =	wrdreg s25  }
0x18: {  	s26 =	smax.u32 s5, $0x1;
	s5 =	simm.s32 $0x2;
	[dreg:$0x1b] =	wrdreg s1  }
0x19: {  	s9 =	simm.s32 $0x9;
	s0 =	sshll.u32 s0, $0x3;
	[dreg:$0x1c] =	wrdreg s26  }
0x1a: {  	s25 =	simm.s32 $0x1C00;
	s1 =	simm.s32 $0x4180;
	s12 =	sadd.s32 $0x1450, s0  }
0x1b: {  	s26 =	simm.s32 $0x4E00;
	s14 =	sadd.s32 $0x12C0, s0;
	[dreg:$0x3] =	wrdreg s12  }
0x1c: {  	s10 =	simm.s32 $0x4;
	s16 =	sadd.s32 $0x1130, s0;
	[dreg:$0x4] =	wrdreg s14  }
0x1d: {  	s11 =	simm.s32 $0xA;
	s18 =	sadd.s32 $0xFA0, s0;
	[dreg:$0x5] =	wrdreg s16  }
0x1e: {  	s13 =	simm.s32 $0xB;
	s20 =	sadd.s32 $0xE10, s0;
	[dreg:$0x6] =	wrdreg s18  }
0x1f: {  	s15 =	simm.s32 $0xC;
	s22 =	sadd.s32 $0xC80, s0;
	[dreg:$0x7] =	wrdreg s20  }
0x20: {  	s17 =	simm.s32 $0xD;
	s24 =	sadd.s32 $0x1770, s0;
	[dreg:$0x8] =	wrdreg s22  }
0x21: {  	s19 =	simm.s32 $0xE;
	s0 =	sadd.s32 $0x15E0, s0;
	[dreg:$0x9] =	wrdreg s24  }
0x22: {  	s21 =	simm.s32 $0x10;
	[dreg:$0xa] =	wrdreg s0;
	s24 =	simm.s32 $0x32  }
0x23: {  	s0 =	simm.s32 $0x1;
	s12 =	simm.s32 $0x5;
	s14 =	simm.s32 $0x6  }
0x24: {  	s16 =	simm.s32 $0x7;
	s18 =	simm.s32 $0x8;
	s20 =	simm.s32 $0xF  }
.LBB2_1:
0x25: {  	[dreg:$0x1d] =	wrdreg s6  }
0x26: {  	s2 =	rddreg [dreg:$0xb];
	s22 =	simm.s32 $0x11  }
0x27: {  	[tilespmem:s3], [sflag:$0x11] =	stream.linear.gather [hbm4b:s2+s3], $0x1C00, $0x38;
	[tilespmem:$0x8000] =	vst v63  }
0x28: {  	_ =	swait.ge [sflag:s22], $0x1C00  }
0x29: {  	[sflag:s22] =	ssyncset.done $0x0  }
0x2a: {  	[sflag:s22] =	ssyncadd.s32 $0xFFFFE400  }
0x2b: {  	[tilespmem:s25], [sflag:$0x1] =	stream.indirect.gather [hbm4b:s4+s24], $0x40, s3, s24, $0xb8;
	[tilespmem:$0x8000] =	vst v63  }
0x2c: {  	s23 =	simm.s32 $0x38  }
0x2d: {  	[tilespmem:s28], [sflag:$0x2] =	stream.indirect.gather [hbm4b:s4+s24], $0x40, s23, s24, $0xb8;
	[tilespmem:$0x8000] =	vst v63  }
0x2e: {  	s6 =	simm.s32 $0x70  }
0x2f: {  	[tilespmem:s30], [sflag:$0x3] =	stream.indirect.gather [hbm4b:s4+s24], $0x40, s6, s24, $0xb8;
	[tilespmem:$0x8000] =	vst v63  }
0x30: {  	s22 =	simm.s32 $0xA8  }
0x31: {  	[tilespmem:s1], [sflag:$0x4] =	stream.indirect.gather [hbm4b:s4+s24], $0x40, s22, s24, $0xb8;
	[tilespmem:$0x8000] =	vst v63  }
0x32: {  	s23 =	simm.s32 $0xE0  }
0x33: {  	[tilespmem:s26], [sflag:$0x5] =	stream.indirect.gather [hbm4b:s4+s24], $0x40, s23, s24, $0xb8;
	[tilespmem:$0x8000] =	vst v63  }
0x34: {  	s6 =	simm.s32 $0x118  }
0x35: {  	[tilespmem:s31], [sflag:$0x6] =	stream.indirect.gather [hbm4b:s4+s24], $0x40, s6, s24, $0xb8;
	[tilespmem:$0x8000] =	vst v63  }
0x36: {  	_ =	swait.ge [sflag:s0], $0xC80  }
0x37: {  	[sflag:s0] =	ssyncset.done $0x0  }
0x38: {  	s22 =	rddreg [dreg:$0xc];
	[sflag:s0] =	ssyncadd.s32 $0xFFFFF380  }
0x39: {  	[hbm4b:s22+s3] =	stream.linear.scatter [tilespmem:s25], [sflag:$0x9], $0xC80, $0x38;
	[tilespmem:$0x8000] =	vst v63  }
0x3a: {  	s23 =	simm.s32 $0x150  }
0x3b: {  	[tilespmem:s29], [sflag:$0x7] =	stream.indirect.gather [hbm4b:s4+s24], $0x40, s23, s24, $0xb8;
	[tilespmem:$0x8000] =	vst v63  }
0x3c: {  	_ =	swait.ge [sflag:s5], $0xC80  }
0x3d: {  	[sflag:s5] =	ssyncset.done $0x0  }
0x3e: {  	s6 =	rddreg [dreg:$0xd];
	[sflag:s5] =	ssyncadd.s32 $0xFFFFF380  }
0x3f: {  	[hbm4b:s6+s3] =	stream.linear.scatter [tilespmem:s28], [sflag:$0xA], $0xC80, $0x38;
	[tilespmem:$0x8000] =	vst v63  }
0x40: {  	s22 =	simm.s32 $0x188  }
0x41: {  	[tilespmem:s7], [sflag:$0x8] =	stream.indirect.gather [hbm4b:s4+s24], $0x40, s22, s24, $0xb8;
	[tilespmem:$0x8000] =	vst v63  }
0x42: {  	_ =	swait.ge [sflag:s8], $0xC80  }
0x43: {  	[sflag:s8] =	ssyncset.done $0x0  }
0x44: {  	s23 =	rddreg [dreg:$0xe];
	[sflag:s8] =	ssyncadd.s32 $0xFFFFF380  }
0x45: {  	[hbm4b:s23+s3] =	stream.linear.scatter [tilespmem:s30], [sflag:$0xB], $0xC80, $0x38;
	[tilespmem:$0x8000] =	vst v63  }
0x46: {  	_ =	swait.ge [sflag:s9], $0xC80  }
0x47: {  	[sflag:s9] =	ssyncset.done $0x0  }
0x48: {  	s6 =	simm.s32 $0x1C0;
	[sflag:s9] =	ssyncadd.s32 $0xFFFFF380  }
0x49: {  	[tilespmem:s25], [sflag:$0x1] =	stream.indirect.gather [hbm4b:s4+s24], $0x40, s6, s24, $0xb8;
	[tilespmem:$0x8000] =	vst v63  }
0x4a: {  	_ =	swait.ge [sflag:s10], $0xC80  }
0x4b: {  	[sflag:s10] =	ssyncset.done $0x0  }
0x4c: {  	s22 =	rddreg [dreg:$0xf];
	[sflag:s10] =	ssyncadd.s32 $0xFFFFF380  }
0x4d: {  	[hbm4b:s22+s3] =	stream.linear.scatter [tilespmem:s1], [sflag:$0xC], $0xC80, $0x38;
	[tilespmem:$0x8000] =	vst v63  }
0x4e: {  	_ =	swait.ge [sflag:s11], $0xC80  }
0x4f: {  	[sflag:s11] =	ssyncset.done $0x0  }
0x50: {  	s23 =	simm.s32 $0x1F8;
	[sflag:s11] =	ssyncadd.s32 $0xFFFFF380  }
0x51: {  	[tilespmem:s28], [sflag:$0x2] =	stream.indirect.gather [hbm4b:s4+s24], $0x40, s23, s24, $0xb8;
	[tilespmem:$0x8000] =	vst v63  }
0x52: {  	_ =	swait.ge [sflag:s12], $0xC80  }
0x53: {  	[sflag:s12] =	ssyncset.done $0x0  }
0x54: {  	s6 =	rddreg [dreg:$0x10];
	[sflag:s12] =	ssyncadd.s32 $0xFFFFF380  }
0x55: {  	[hbm4b:s6+s3] =	stream.linear.scatter [tilespmem:s26], [sflag:$0xD], $0xC80, $0x38;
	[tilespmem:$0x8000] =	vst v63  }
0x56: {  	_ =	swait.ge [sflag:s13], $0xC80  }
0x57: {  	[sflag:s13] =	ssyncset.done $0x0  }
0x58: {  	s22 =	simm.s32 $0x230;
	[sflag:s13] =	ssyncadd.s32 $0xFFFFF380  }
0x59: {  	[tilespmem:s30], [sflag:$0x3] =	stream.indirect.gather [hbm4b:s4+s24], $0x40, s22, s24, $0xb8;
	[tilespmem:$0x8000] =	vst v63  }
0x5a: {  	_ =	swait.ge [sflag:s14], $0xC80  }
0x5b: {  	[sflag:s14] =	ssyncset.done $0x0  }
0x5c: {  	s23 =	rddreg [dreg:$0x11];
	[sflag:s14] =	ssyncadd.s32 $0xFFFFF380  }
0x5d: {  	[hbm4b:s23+s3] =	stream.linear.scatter [tilespmem:s31], [sflag:$0xE], $0xC80, $0x38;
	[tilespmem:$0x8000] =	vst v63  }
0x5e: {  	_ =	swait.ge [sflag:s15], $0xC80  }
0x5f: {  	[sflag:s15] =	ssyncset.done $0x0  }
0x60: {  	s6 =	simm.s32 $0x268;
	[sflag:s15] =	ssyncadd.s32 $0xFFFFF380  }
0x61: {  	[tilespmem:s1], [sflag:$0x4] =	stream.indirect.gather [hbm4b:s4+s24], $0x40, s6, s24, $0xb8;
	[tilespmem:$0x8000] =	vst v63  }
0x62: {  	_ =	swait.ge [sflag:s16], $0xC80  }
0x63: {  	[sflag:s16] =	ssyncset.done $0x0  }
0x64: {  	s22 =	rddreg [dreg:$0x12];
	[sflag:s16] =	ssyncadd.s32 $0xFFFFF380  }
0x65: {  	[hbm4b:s22+s3] =	stream.linear.scatter [tilespmem:s29], [sflag:$0xF], $0xC80, $0x38;
	[tilespmem:$0x8000] =	vst v63  }
0x66: {  	_ =	swait.ge [sflag:s17], $0xC80  }
0x67: {  	[sflag:s17] =	ssyncset.done $0x0  }
0x68: {  	s23 =	simm.s32 $0x2A0;
	[sflag:s17] =	ssyncadd.s32 $0xFFFFF380  }
0x69: {  	[tilespmem:s26], [sflag:$0x5] =	stream.indirect.gather [hbm4b:s4+s24], $0x40, s23, s24, $0xb8;
	[tilespmem:$0x8000] =	vst v63  }
0x6a: {  	_ =	swait.ge [sflag:s18], $0xC80  }
0x6b: {  	[sflag:s18] =	ssyncset.done $0x0  }
0x6c: {  	s6 =	rddreg [dreg:$0x13];
	[sflag:s18] =	ssyncadd.s32 $0xFFFFF380  }
0x6d: {  	[hbm4b:s6+s3] =	stream.linear.scatter [tilespmem:s7], [sflag:$0x10], $0xC80, $0x38;
	[tilespmem:$0x8000] =	vst v63  }
0x6e: {  	_ =	swait.ge [sflag:s19], $0xC80  }
0x6f: {  	[sflag:s19] =	ssyncset.done $0x0  }
0x70: {  	s22 =	simm.s32 $0x2D8;
	[sflag:s19] =	ssyncadd.s32 $0xFFFFF380  }
0x71: {  	[tilespmem:s31], [sflag:$0x6] =	stream.indirect.gather [hbm4b:s4+s24], $0x40, s22, s24, $0xb8;
	[tilespmem:$0x8000] =	vst v63  }
0x72: {  	_ =	swait.ge [sflag:s0], $0xC80  }
0x73: {  	[sflag:s0] =	ssyncset.done $0x0  }
0x74: {  	s23 =	rddreg [dreg:$0x8];
	[sflag:s0] =	ssyncadd.s32 $0xFFFFF380  }
0x75: {  	s22 =	rddreg [dreg:$0x1]  }
0x76: {  	s2 =	sadd.s32 s22, s23  }
0x77: {  	[hbm4b:s2+s3] =	stream.linear.scatter [tilespmem:s25], [sflag:$0x9], $0xC80, $0x38;
	[tilespmem:$0x8000] =	vst v63  }
0x78: {  	_ =	swait.ge [sflag:s20], $0xC80  }
0x79: {  	[sflag:s20] =	ssyncset.done $0x0  }
0x7a: {  	s6 =	simm.s32 $0x310;
	[sflag:s20] =	ssyncadd.s32 $0xFFFFF380  }
0x7b: {  	[tilespmem:s29], [sflag:$0x7] =	stream.indirect.gather [hbm4b:s4+s24], $0x40, s6, s24, $0xb8;
	[tilespmem:$0x8000] =	vst v63  }
0x7c: {  	_ =	swait.ge [sflag:s5], $0xC80  }
0x7d: {  	s23 =	rddreg [dreg:$0x7];
	[sflag:s5] =	ssyncset.done $0x0  }
0x7e: {  	[sflag:s5] =	ssyncadd.s32 $0xFFFFF380;
	s2 =	sadd.s32 s22, s23  }
0x7f: {  	[hbm4b:s2+s3] =	stream.linear.scatter [tilespmem:s28], [sflag:$0xA], $0xC80, $0x38;
	[tilespmem:$0x8000] =	vst v63  }
0x80: {  	_ =	swait.ge [sflag:s21], $0xC80  }
0x81: {  	[sflag:s21] =	ssyncset.done $0x0  }
0x82: {  	s6 =	simm.s32 $0x348;
	[sflag:s21] =	ssyncadd.s32 $0xFFFFF380  }
0x83: {  	[tilespmem:s7], [sflag:$0x8] =	stream.indirect.gather [hbm4b:s4+s24], $0x40, s6, s24, $0xb8;
	[tilespmem:$0x8000] =	vst v63  }
0x84: {  	_ =	swait.ge [sflag:s8], $0xC80  }
0x85: {  	s23 =	rddreg [dreg:$0x6];
	[sflag:s8] =	ssyncset.done $0x0  }
0x86: {  	[sflag:s8] =	ssyncadd.s32 $0xFFFFF380;
	s2 =	sadd.s32 s22, s23  }
0x87: {  	[hbm4b:s2+s3] =	stream.linear.scatter [tilespmem:s30], [sflag:$0xB], $0xC80, $0x38;
	[tilespmem:$0x8000] =	vst v63  }
0x88: {  	_ =	swait.ge [sflag:s9], $0xC80  }
0x89: {  	[sflag:s9] =	ssyncset.done $0x0  }
0x8a: {  	s6 =	simm.s32 $0x380;
	[sflag:s9] =	ssyncadd.s32 $0xFFFFF380  }
0x8b: {  	[tilespmem:s25], [sflag:$0x1] =	stream.indirect.gather [hbm4b:s4+s24], $0x40, s6, s24, $0xb8;
	[tilespmem:$0x8000] =	vst v63  }
0x8c: {  	_ =	swait.ge [sflag:s10], $0xC80  }
0x8d: {  	s23 =	rddreg [dreg:$0x5];
	[sflag:s10] =	ssyncset.done $0x0  }
0x8e: {  	[sflag:s10] =	ssyncadd.s32 $0xFFFFF380;
	s2 =	sadd.s32 s22, s23  }
0x8f: {  	[hbm4b:s2+s3] =	stream.linear.scatter [tilespmem:s1], [sflag:$0xC], $0xC80, $0x38;
	[tilespmem:$0x8000] =	vst v63  }
0x90: {  	_ =	swait.ge [sflag:s11], $0xC80  }
0x91: {  	[sflag:s11] =	ssyncset.done $0x0  }
0x92: {  	s6 =	simm.s32 $0x3B8;
	[sflag:s11] =	ssyncadd.s32 $0xFFFFF380  }
0x93: {  	[tilespmem:s28], [sflag:$0x2] =	stream.indirect.gather [hbm4b:s4+s24], $0x40, s6, s24, $0xb8;
	[tilespmem:$0x8000] =	vst v63  }
0x94: {  	_ =	swait.ge [sflag:s12], $0xC80  }
0x95: {  	s23 =	rddreg [dreg:$0x4];
	[sflag:s12] =	ssyncset.done $0x0  }
0x96: {  	[sflag:s12] =	ssyncadd.s32 $0xFFFFF380;
	s2 =	sadd.s32 s22, s23  }
0x97: {  	[hbm4b:s2+s3] =	stream.linear.scatter [tilespmem:s26], [sflag:$0xD], $0xC80, $0x38;
	[tilespmem:$0x8000] =	vst v63  }
0x98: {  	_ =	swait.ge [sflag:s13], $0xC80  }
0x99: {  	[sflag:s13] =	ssyncset.done $0x0  }
0x9a: {  	s6 =	simm.s32 $0x3F0;
	[sflag:s13] =	ssyncadd.s32 $0xFFFFF380  }
0x9b: {  	[tilespmem:s30], [sflag:$0x3] =	stream.indirect.gather [hbm4b:s4+s24], $0x40, s6, s24, $0xb8;
	[tilespmem:$0x8000] =	vst v63  }
0x9c: {  	_ =	swait.ge [sflag:s14], $0xC80  }
0x9d: {  	s23 =	rddreg [dreg:$0x3];
	[sflag:s14] =	ssyncset.done $0x0  }
0x9e: {  	[sflag:s14] =	ssyncadd.s32 $0xFFFFF380;
	s2 =	sadd.s32 s22, s23  }
0x9f: {  	[hbm4b:s2+s3] =	stream.linear.scatter [tilespmem:s31], [sflag:$0xE], $0xC80, $0x38;
	[tilespmem:$0x8000] =	vst v63  }
0xa0: {  	_ =	swait.ge [sflag:s15], $0xC80  }
0xa1: {  	[sflag:s15] =	ssyncset.done $0x0  }
0xa2: {  	s6 =	simm.s32 $0x428;
	[sflag:s15] =	ssyncadd.s32 $0xFFFFF380  }
0xa3: {  	[tilespmem:s1], [sflag:$0x4] =	stream.indirect.gather [hbm4b:s4+s24], $0x40, s6, s24, $0xb8;
	[tilespmem:$0x8000] =	vst v63  }
0xa4: {  	_ =	swait.ge [sflag:s16], $0xC80  }
0xa5: {  	s23 =	rddreg [dreg:$0xa];
	[sflag:s16] =	ssyncset.done $0x0  }
0xa6: {  	[sflag:s16] =	ssyncadd.s32 $0xFFFFF380;
	s2 =	sadd.s32 s22, s23  }
0xa7: {  	[hbm4b:s2+s3] =	stream.linear.scatter [tilespmem:s29], [sflag:$0xF], $0xC80, $0x38;
	[tilespmem:$0x8000] =	vst v63  }
0xa8: {  	_ =	swait.ge [sflag:s17], $0xC80  }
0xa9: {  	[sflag:s17] =	ssyncset.done $0x0  }
0xaa: {  	s6 =	simm.s32 $0x460;
	[sflag:s17] =	ssyncadd.s32 $0xFFFFF380  }
0xab: {  	[tilespmem:s26], [sflag:$0x5] =	stream.indirect.gather [hbm4b:s4+s24], $0x40, s6, s24, $0xb8;
	[tilespmem:$0x8000] =	vst v63  }
0xac: {  	_ =	swait.ge [sflag:s18], $0xC80  }
0xad: {  	s23 =	rddreg [dreg:$0x9];
	[sflag:s18] =	ssyncset.done $0x0  }
0xae: {  	[sflag:s18] =	ssyncadd.s32 $0xFFFFF380;
	s2 =	sadd.s32 s22, s23  }
0xaf: {  	[hbm4b:s2+s3] =	stream.linear.scatter [tilespmem:s7], [sflag:$0x10], $0xC80, $0x38;
	[tilespmem:$0x8000] =	vst v63  }
0xb0: {  	_ =	swait.ge [sflag:s19], $0xC80  }
0xb1: {  	s6 =	simm.s32 $0x700;
	[sflag:s19] =	ssyncset.done $0x0  }
0xb2: {  	s23 =	sadd.s32 $0xC80, s22;
	s2 =	simm.s32 $0x498;
	[sflag:s19] =	ssyncadd.s32 $0xFFFFF380  }
.LBB2_2:
0xb3: {  	[tilespmem:s31], [sflag:$0x6] =	stream.indirect.gather [hbm4b:s4+s24], $0x40, s2, s24, $0xb8;
	[tilespmem:$0x8000] =	vst v63  }
0xb4: {  	_ =	swait.ge [sflag:s0], $0xC80  }
0xb5: {  	s22 =	rddreg [dreg:$0x8];
	[sflag:s0] =	ssyncset.done $0x0  }
0xb6: {  	[sflag:s0] =	ssyncadd.s32 $0xFFFFF380;
	s22 =	sadd.s32 s23, s22  }
0xb7: {  	[hbm4b:s22+s3] =	stream.linear.scatter [tilespmem:s25], [sflag:$0x9], $0xC80, $0x38;
	[tilespmem:$0x8000] =	vst v63  }
0xb8: {  	s2 =	smov.u32 s6;
	_ =	swait.ge [sflag:s20], $0xC80  }
0xb9: {  	s2 =	sshra.s32 s2, $0x2;
	[sflag:s20] =	ssyncset.done $0x0  }
0xba: {  	s22 =	sadd.s32 $0x310, s2;
	[sflag:s20] =	ssyncadd.s32 $0xFFFFF380  }
0xbb: {  	[tilespmem:s29], [sflag:$0x7] =	stream.indirect.gather [hbm4b:s4+s24], $0x40, s22, s24, $0xb8;
	[tilespmem:$0x8000] =	vst v63  }
0xbc: {  	_ =	swait.ge [sflag:s5], $0xC80  }
0xbd: {  	s22 =	rddreg [dreg:$0x7];
	[sflag:s5] =	ssyncset.done $0x0  }
0xbe: {  	[sflag:s5] =	ssyncadd.s32 $0xFFFFF380;
	s22 =	sadd.s32 s23, s22  }
0xbf: {  	[hbm4b:s22+s3] =	stream.linear.scatter [tilespmem:s28], [sflag:$0xA], $0xC80, $0x38;
	[tilespmem:$0x8000] =	vst v63  }
0xc0: {  	_ =	swait.ge [sflag:s21], $0xC80  }
0xc1: {  	[sflag:s21] =	ssyncset.done $0x0  }
0xc2: {  	s22 =	sadd.s32 $0x348, s2;
	[sflag:s21] =	ssyncadd.s32 $0xFFFFF380  }
0xc3: {  	[tilespmem:s7], [sflag:$0x8] =	stream.indirect.gather [hbm4b:s4+s24], $0x40, s22, s24, $0xb8;
	[tilespmem:$0x8000] =	vst v63  }
0xc4: {  	_ =	swait.ge [sflag:s8], $0xC80  }
0xc5: {  	s22 =	rddreg [dreg:$0x6];
	[sflag:s8] =	ssyncset.done $0x0  }
0xc6: {  	[sflag:s8] =	ssyncadd.s32 $0xFFFFF380;
	s22 =	sadd.s32 s23, s22  }
0xc7: {  	[hbm4b:s22+s3] =	stream.linear.scatter [tilespmem:s30], [sflag:$0xB], $0xC80, $0x38;
	[tilespmem:$0x8000] =	vst v63  }
0xc8: {  	_ =	swait.ge [sflag:s9], $0xC80  }
0xc9: {  	[sflag:s9] =	ssyncset.done $0x0  }
0xca: {  	s22 =	sadd.s32 $0x380, s2;
	[sflag:s9] =	ssyncadd.s32 $0xFFFFF380  }
0xcb: {  	[tilespmem:s25], [sflag:$0x1] =	stream.indirect.gather [hbm4b:s4+s24], $0x40, s22, s24, $0xb8;
	[tilespmem:$0x8000] =	vst v63  }
0xcc: {  	_ =	swait.ge [sflag:s10], $0xC80  }
0xcd: {  	s22 =	rddreg [dreg:$0x5];
	[sflag:s10] =	ssyncset.done $0x0  }
0xce: {  	[sflag:s10] =	ssyncadd.s32 $0xFFFFF380;
	s22 =	sadd.s32 s23, s22  }
0xcf: {  	[hbm4b:s22+s3] =	stream.linear.scatter [tilespmem:s1], [sflag:$0xC], $0xC80, $0x38;
	[tilespmem:$0x8000] =	vst v63  }
0xd0: {  	_ =	swait.ge [sflag:s11], $0xC80  }
0xd1: {  	[sflag:s11] =	ssyncset.done $0x0  }
0xd2: {  	s22 =	sadd.s32 $0x3B8, s2;
	[sflag:s11] =	ssyncadd.s32 $0xFFFFF380  }
0xd3: {  	[tilespmem:s28], [sflag:$0x2] =	stream.indirect.gather [hbm4b:s4+s24], $0x40, s22, s24, $0xb8;
	[tilespmem:$0x8000] =	vst v63  }
0xd4: {  	_ =	swait.ge [sflag:s12], $0xC80  }
0xd5: {  	s22 =	rddreg [dreg:$0x4];
	[sflag:s12] =	ssyncset.done $0x0  }
0xd6: {  	[sflag:s12] =	ssyncadd.s32 $0xFFFFF380;
	s22 =	sadd.s32 s23, s22  }
0xd7: {  	[hbm4b:s22+s3] =	stream.linear.scatter [tilespmem:s26], [sflag:$0xD], $0xC80, $0x38;
	[tilespmem:$0x8000] =	vst v63  }
0xd8: {  	_ =	swait.ge [sflag:s13], $0xC80  }
0xd9: {  	[sflag:s13] =	ssyncset.done $0x0  }
0xda: {  	s22 =	sadd.s32 $0x3F0, s2;
	[sflag:s13] =	ssyncadd.s32 $0xFFFFF380  }
0xdb: {  	[tilespmem:s30], [sflag:$0x3] =	stream.indirect.gather [hbm4b:s4+s24], $0x40, s22, s24, $0xb8;
	[tilespmem:$0x8000] =	vst v63  }
0xdc: {  	_ =	swait.ge [sflag:s14], $0xC80  }
0xdd: {  	s22 =	rddreg [dreg:$0x3];
	[sflag:s14] =	ssyncset.done $0x0  }
0xde: {  	[sflag:s14] =	ssyncadd.s32 $0xFFFFF380;
	s22 =	sadd.s32 s23, s22  }
0xdf: {  	[hbm4b:s22+s3] =	stream.linear.scatter [tilespmem:s31], [sflag:$0xE], $0xC80, $0x38;
	[tilespmem:$0x8000] =	vst v63  }
0xe0: {  	_ =	swait.ge [sflag:s15], $0xC80  }
0xe1: {  	[sflag:s15] =	ssyncset.done $0x0  }
0xe2: {  	s22 =	sadd.s32 $0x428, s2;
	[sflag:s15] =	ssyncadd.s32 $0xFFFFF380  }
0xe3: {  	[tilespmem:s1], [sflag:$0x4] =	stream.indirect.gather [hbm4b:s4+s24], $0x40, s22, s24, $0xb8;
	[tilespmem:$0x8000] =	vst v63  }
0xe4: {  	_ =	swait.ge [sflag:s16], $0xC80  }
0xe5: {  	s22 =	rddreg [dreg:$0xa];
	[sflag:s16] =	ssyncset.done $0x0  }
0xe6: {  	[sflag:s16] =	ssyncadd.s32 $0xFFFFF380;
	s22 =	sadd.s32 s23, s22  }
0xe7: {  	[hbm4b:s22+s3] =	stream.linear.scatter [tilespmem:s29], [sflag:$0xF], $0xC80, $0x38;
	[tilespmem:$0x8000] =	vst v63  }
0xe8: {  	_ =	swait.ge [sflag:s17], $0xC80  }
0xe9: {  	[sflag:s17] =	ssyncset.done $0x0  }
0xea: {  	s22 =	sadd.s32 $0x460, s2;
	[sflag:s17] =	ssyncadd.s32 $0xFFFFF380  }
0xeb: {  	[tilespmem:s26], [sflag:$0x5] =	stream.indirect.gather [hbm4b:s4+s24], $0x40, s22, s24, $0xb8;
	[tilespmem:$0x8000] =	vst v63  }
0xec: {  	_ =	swait.ge [sflag:s18], $0xC80  }
0xed: {  	p0 =	sne.s32 s6, $0x5B00;
	s22 =	rddreg [dreg:$0x9];
	[sflag:s18] =	ssyncset.done $0x0  }
.Ltmp0:
0xee: {  	[sflag:s18] =	ssyncadd.s32 $0xFFFFF380;
	s22 =	sadd.s32 s23, s22;
	(pc) =	sbr.rel @p0 .LBB2_2-.Ltmp0, $4  }
0xef: {  	[hbm4b:s22+s3] =	stream.linear.scatter [tilespmem:s7], [sflag:$0x10], $0xC80, $0x38;
	[tilespmem:$0x8000] =	vst v63  }
0xf0: {  	_ =	swait.ge [sflag:s19], $0xC80  }
0xf1: {  	s6 =	sadd.s32 $0x700, s6;
	[sflag:s19] =	ssyncset.done $0x0  }
0xf2: {  	s2 =	sadd.s32 $0x498, s2;
	s23 =	sadd.s32 $0xC80, s23;
	[sflag:s19] =	ssyncadd.s32 $0xFFFFF380  }
0xf3: {  	[tilespmem:s31], [sflag:$0x6] =	stream.indirect.gather [hbm4b:s4+s24], $0x40, s2, s24, $0xb8;
	[tilespmem:$0x8000] =	vst v63  }
0xf4: {  	_ =	swait.ge [sflag:s0], $0xC80  }
0xf5: {  	[sflag:s0] =	ssyncset.done $0x0  }
0xf6: {  	s22 =	rddreg [dreg:$0x14];
	[sflag:s0] =	ssyncadd.s32 $0xFFFFF380  }
0xf7: {  	[hbm4b:s22+s3] =	stream.linear.scatter [tilespmem:s25], [sflag:$0x9], $0xC80, $0x38;
	[tilespmem:$0x8000] =	vst v63  }
0xf8: {  	_ =	swait.ge [sflag:s20], $0xC80  }
0xf9: {  	[sflag:s20] =	ssyncset.done $0x0  }
0xfa: {  	s23 =	simm.s32 $0x1B90;
	[sflag:s20] =	ssyncadd.s32 $0xFFFFF380  }
0xfb: {  	[tilespmem:s29], [sflag:$0x7] =	stream.indirect.gather [hbm4b:s4+s24], $0x40, s23, s24, $0xb8;
	[tilespmem:$0x8000] =	vst v63  }
0xfc: {  	_ =	swait.ge [sflag:s5], $0xC80  }
0xfd: {  	[sflag:s5] =	ssyncset.done $0x0  }
0xfe: {  	s6 =	rddreg [dreg:$0x15];
	[sflag:s5] =	ssyncadd.s32 $0xFFFFF380  }
0xff: {  	[hbm4b:s6+s3] =	stream.linear.scatter [tilespmem:s28], [sflag:$0xA], $0xC80, $0x38;
	[tilespmem:$0x8000] =	vst v63  }
0x100: {  	_ =	swait.ge [sflag:s21], $0xC80  }
0x101: {  	[sflag:s21] =	ssyncset.done $0x0  }
0x102: {  	s22 =	simm.s32 $0x1BC8;
	[sflag:s21] =	ssyncadd.s32 $0xFFFFF380  }
0x103: {  	[tilespmem:s7], [sflag:$0x8] =	stream.indirect.gather [hbm4b:s4+s24], $0x40, s22, s24, $0xb8;
	[tilespmem:$0x8000] =	vst v63  }
0x104: {  	_ =	swait.ge [sflag:s8], $0xC80  }
0x105: {  	[sflag:s8] =	ssyncset.done $0x0  }
0x106: {  	s23 =	rddreg [dreg:$0x16];
	[sflag:s8] =	ssyncadd.s32 $0xFFFFF380  }
0x107: {  	[hbm4b:s23+s3] =	stream.linear.scatter [tilespmem:s30], [sflag:$0xB], $0xC80, $0x38;
	[tilespmem:$0x8000] =	vst v63  }
0x108: {  	_ =	swait.ge [sflag:s10], $0xC80  }
0x109: {  	[sflag:s10] =	ssyncset.done $0x0  }
0x10a: {  	s6 =	rddreg [dreg:$0x17];
	[sflag:s10] =	ssyncadd.s32 $0xFFFFF380  }
0x10b: {  	[hbm4b:s6+s3] =	stream.linear.scatter [tilespmem:s1], [sflag:$0xC], $0xC80, $0x38;
	[tilespmem:$0x8000] =	vst v63  }
0x10c: {  	_ =	swait.ge [sflag:s12], $0xC80  }
0x10d: {  	[sflag:s12] =	ssyncset.done $0x0  }
0x10e: {  	s22 =	rddreg [dreg:$0x18];
	[sflag:s12] =	ssyncadd.s32 $0xFFFFF380  }
0x10f: {  	[hbm4b:s22+s3] =	stream.linear.scatter [tilespmem:s26], [sflag:$0xD], $0xC80, $0x38;
	[tilespmem:$0x8000] =	vst v63  }
0x110: {  	_ =	swait.ge [sflag:s14], $0xC80  }
0x111: {  	[sflag:s14] =	ssyncset.done $0x0  }
0x112: {  	s23 =	rddreg [dreg:$0x19];
	[sflag:s14] =	ssyncadd.s32 $0xFFFFF380  }
0x113: {  	[hbm4b:s23+s3] =	stream.linear.scatter [tilespmem:s31], [sflag:$0xE], $0xC80, $0x38;
	[tilespmem:$0x8000] =	vst v63  }
0x114: {  	_ =	swait.ge [sflag:s16], $0xC80  }
0x115: {  	[sflag:s16] =	ssyncset.done $0x0  }
0x116: {  	s6 =	rddreg [dreg:$0x1a];
	[sflag:s16] =	ssyncadd.s32 $0xFFFFF380  }
0x117: {  	[hbm4b:s6+s3] =	stream.linear.scatter [tilespmem:s29], [sflag:$0xF], $0xC80, $0x38;
	[tilespmem:$0x8000] =	vst v63  }
0x118: {  	_ =	swait.ge [sflag:s18], $0xC80  }
0x119: {  	[sflag:s18] =	ssyncset.done $0x0  }
0x11a: {  	s22 =	rddreg [dreg:$0x1b];
	[sflag:s18] =	ssyncadd.s32 $0xFFFFF380  }
0x11b: {  	[hbm4b:s22+s3] =	stream.linear.scatter [tilespmem:s7], [sflag:$0x10], $0xC80, $0x38;
	[tilespmem:$0x8000] =	vst v63  }
0x11c: {  	_ =	swait.ge [sflag:s9], $0xC80  }
0x11d: {  	[sflag:s9] =	ssyncset.done $0x0  }
0x11e: {  	[sflag:s9] =	ssyncadd.s32 $0xFFFFF380  }
0x11f: {  	_ =	swait.ge [sflag:s11], $0xC80  }
0x120: {  	[sflag:s11] =	ssyncset.done $0x0  }
0x121: {  	[sflag:s11] =	ssyncadd.s32 $0xFFFFF380  }
0x122: {  	_ =	swait.ge [sflag:s13], $0xC80  }
0x123: {  	[sflag:s13] =	ssyncset.done $0x0  }
0x124: {  	[sflag:s13] =	ssyncadd.s32 $0xFFFFF380  }
0x125: {  	_ =	swait.ge [sflag:s15], $0xC80  }
0x126: {  	[sflag:s15] =	ssyncset.done $0x0  }
0x127: {  	[sflag:s15] =	ssyncadd.s32 $0xFFFFF380  }
0x128: {  	_ =	swait.ge [sflag:s17], $0xC80  }
0x129: {  	[sflag:s17] =	ssyncset.done $0x0  }
0x12a: {  	[sflag:s17] =	ssyncadd.s32 $0xFFFFF380  }
0x12b: {  	_ =	swait.ge [sflag:s19], $0xC80  }
0x12c: {  	[sflag:s19] =	ssyncset.done $0x0  }
0x12d: {  	[sflag:s19] =	ssyncadd.s32 $0xFFFFF380  }
0x12e: {  	_ =	swait.ge [sflag:s20], $0xC80  }
0x12f: {  	[sflag:s20] =	ssyncset.done $0x0  }
0x130: {  	[sflag:s20] =	ssyncadd.s32 $0xFFFFF380  }
0x131: {  	_ =	swait.ge [sflag:s21], $0xC80  }
0x132: {  	s6 =	rddreg [dreg:$0x1d]  }
0x133: {  	s23 =	rddreg [dreg:$0x1c];
	s6 =	sadd.s32 $0x1, s6  }
0x134: {  	p0 =	sne.s32 s6, s23  }
.Ltmp1:
0x135: {  	_ = 	snop;
	(pc) =	sbr.rel @p0 .LBB2_1-.Ltmp1, $3  }
0x136: {  	_ =	sdelay $0x1  }
0x137: {  	[sflag:s21] =	ssyncset.done $0x0  }
0x138: {  	[sflag:s21] =	ssyncadd.s32 $0xFFFFF380  }
0x139: {  	_ =	sfence.sel $0x180000  }
0x13a: {  	[bflag:$0x0] =	sbarrier.arrive $0xFFFF  }
0x13b: {  	_ =	strace $0x90000047  }
0x13c: {  	s0 =	stileid.u32;
	[bflag:$0x2] =	sbarrier.arrive $0xFFFF  }
0x13d: {  	p0 =	sne.s32 s0, $0x0;
	s0 =	rddreg [dreg:$0x2]  }
0x13e: {  	s0 =	sadd.s32 @!p0 $0x100000, s0  }
0x13f: {  	[sflag:s0] =	ssyncadd.tile.s32 @!p0 $0x1;
	_ =	shalt  }
.Lfunc_end2:
_tile_overlayer_lowered:
.L_overlay_start_2:
0x140: {  	(tag) =	ssettag $0x2  }
0x141: {  	s0 =	rddreg [dreg:$0x0];
	s2 =	stileid.u32  }
0x142: {  	s1 =	rddreg [dreg:$0x1];
	p0 =	sne.s32 s2, $0x0  }
0x143: {  	s3 =	rddreg [dreg:$0x2];
	[bflag:$0x3] =	sbarrier.arrive $0xFFFF;
	s2 =	simm.s32 @!p0 $0x1C11  }
0x144: {  	[timem:s3], [sflag:s2] =	dma.local @!p0 [hbm:s0], s1  }
0x145: {  	s0 =	simm.s32 @!p0 $0x11  }
0x146: {  	_ =	swait.ge @!p0 [sflag:s0], s1  }
0x147: {  	s1 =	ssub.s32 @!p0 $0x0, s1;
	[sflag:s0] =	ssyncset.done @!p0 $0x0  }
0x148: {  	[sflag:s0] =	ssyncadd.s32 @!p0 s1  }
0x149: {  	[bflag:$0x3] =	sbarrier.arrive $0xFFFF  }
0x14a: {  	_ =	shalt  }

// kernel: sparse-core-data-format-call.cloned.1.call-start
scs
called_computation_lowered:
.L_overlay_start_0:
0x0: {  	s2 =	sld [smem:$0x3FD9]  }
0x1: {  	s3 =	sld [smem:$0x3FFE];
	_ =	sdelay $0x1  }
0x2: {  	s1 =	srdreg.scid  }
0x3: {  	s0 =	sand.u32 $0x1, s1  }
0x4: {  	s18 =	sshll.u32 s0, $0xA;
	s2 =	sadd.s32 s3, s2  }
0x5: {  	s2 =	sadd.s32 s2, s18  }
0x6: {  	[smem:$0x3FC6] =	sst s2  }
0x7: {  	_ = 	snop  }
0x8: {  	s2 =	sld [smem:$0x3FD0];
	(tm) =	ssettm $0x1  }
0x9: {  	s19 =	sld [smem:$0x3FFB];
	_ =	sdelay $0x3  }
0xa: {  	_ =	strace s19  }
0xb: {  	s3 =	sld [smem:$0x3FFC];
	_ =	sdelay $0x3  }
0xc: {  	_ =	strace s3  }
0xd: {  	s3 =	sld [smem:$0x3FFD];
	_ =	sdelay $0x3  }
0xe: {  	_ =	strace s3  }
0xf: {  	_ =	strace $0x8FFFFFFF  }
0x10: {  	s20 =	sld [smem:$0x3FDB];
	_ =	sdelay $0x1  }
0x11: {  	s4 =	simm.s32 $_scs_section_size  }
0x12: {  	s5 =	simm.s32 $_size__tile_overlayer_lowered;
	s6 =	simm.s32 $_tile_overlayer_lowered  }
0x13: {  	s23 =	simm.s32 $0x1BFF;
	s22 =	sshll.u32 s6, $0x1;
	s3 =	sadd.s32 s4, s20  }
0x14: {  	s7 =	simm.s32 $0x0;
	s21 =	sshll.u32 s5, $0x1;
	s5 =	sadd.s32 s22, s3  }
0x15: {  	[timem:s7], [sflag:s23] =	dma.local [hbm:s5], s21  }
0x16: {  	_ =	swait.ge [sflag:s23], s21  }
0x17: {  	s4 =	ssub.s32 $0x0, s21;
	[sflag:s23] =	ssyncset.done $0x0  }
0x18: {  	[sflag:s23] =	ssyncadd.s32 s4;
	_ =	sdelay $0x1  }
0x19: {  	s24 =	simm.s32 $0x1B8B  }
0x1a: {  	_ =	swait.ge [sflag:s24], $0x1  }
0x1b: {  	[sflag:s24] =	ssyncset.done $0x0  }
0x1c: {  	s26 =	simm.s32 $0x1B8E;
	s25 =	sld [smem:$0x3FFE];
	[sflag:s24] =	ssyncadd.s32 $0xFFFFFFFF  }
0x1d: {  	s27 =	simm.s32 $execute0_lowered;
	[smem:$0x3FD2] =	sst s26  }
0x1e: {  	s5 =	sshll.u32 s27, $0x1;
	_ =	strace $0x80000049;
	[dreg:$0x1] =	wrdreg $0xFFFFFFFF  }
0x1f: {  	s28 =	simm.s32 $_size_execute0_lowered;
	s3 =	sadd.s32 s3, s5;
	[dreg:$0x0] =	wrdreg $0x0  }
0x20: {  	s5 =	sshll.u32 s28, $0x1;
	[dreg:$0x2] =	wrdreg s3  }
0x21: {  	[dreg:$0x3] =	wrdreg s5  }
0x22: {  	[dreg:$0x4] =	wrdreg $0xC0  }
0x23: {  	_ =	task [dreg:s7], $0x5FFFF  }
0x24: {  	[dreg:$0x1] =	wrdreg $0xFFFFFFFF  }
0x25: {  	[dreg:$0x0] =	wrdreg $0x60  }
0x26: {  	[dreg:$0x2] =	wrdreg s25  }
0x27: {  	[dreg:$0x3] =	wrdreg s2  }
0x28: {  	[dreg:$0x4] =	wrdreg $0x9  }
0x29: {  	_ =	task.clear_ibuf [dreg:s7], $0x5FFFF;
	_ =	strace $0x90000049  }
0x2a: {  	s29 =	simm.s32 $0x9;
	_ =	strace $0x8000004B  }
0x2b: {  	_ =	swait.ge [sflag:s29], $0x1  }
0x2c: {  	[sflag:s29] =	ssyncadd.s32 $0xFFFFFFFF  }
0x2d: {  	_ =	strace $0x9000004B  }
0x2e: {  	_ =	sfence  }
0x2f: {  	s30 =	sld [smem:$0x0];
	_ =	sdelay $0x2  }
0x30: {  	s31 =	sshll.u32 s1, $0xD;
	s1 =	sshrl.u32 s1, $0x2  }
0x31: {  	s3 =	sand.u32 $0x4000, s31;
	s1 =	sadd.s32 s1, s30  }
0x32: {  	s0 =	sor.u32 s3, s0;
	s1 =	sshll.u32 s1, $0x11  }
0x33: {  	s0 =	sor.u32 s1, s0  }
0x34: {  	s0 =	sadd.s32 $0x8F2B, s0  }
0x35: {  	[sflag:s0] =	ssyncadd.remote.s32 $0x1  }
0x36: {  	_ =	sfence.sel $0xFFFF  }
0x37: {  	[dreg:$0x0] =	wrdreg $0xFFFFFFFF;
	(pc) =	sbr.abs _section_cstart, $3  }
0x38: {  	[dreg:$0x1] =	wrdreg $0xFFFFFFFF  }
0x39: {  	_ =	task.clear_ibuf [dreg:s7], $0x2FFFF;
	_ =	strace $0x9FFFFFFF  }
0x3a: {  	(tm) =	ssettm $0x7FFFFFFF  }
0x3b: {  	_ =	shalt  }
tec
execute0_lowered:
.L_overlay_start_1:
0x0: {  	(tag) =	ssettag $0x1  }
0x1: {  	s0 =	srdreg.scid  }
0x2: {  	s1 =	sshll.u32 s0, $0x4  }
0x3: {  	s0 =	stileid.u32;
	s1 =	sand.u32 $0x10, s1  }
0x4: {  	s1 =	sor.u32 s0, s1  }
0x5: {  	s6 =	rddreg [dreg:$0x0];
	s4 =	simm.s32 $0x1;
	s2 =	sshll.u32 s1, $0x7  }
0x6: {  	s7 =	simm.s32 $0x2;
	s12 =	simm.s32 $0x0;
	s1 =	ssub.s32 $0x1000, s2  }
0x7: {  	s8 =	simm.s32 $0x8000;
	s13 =	simm.s32 $0x0;
	s3 =	sand.u32 $0xF80, s1  }
0x8: {  	s9 =	simm.s32 $0x0;
	s5 =	sshrl.u32 s1, $0xC;
	p0 =	sne.s32 s3, $0x0  }
.Ltmp0:
0x9: {  	s1 =	rddreg [dreg:$0x2];
	s4 =	simm.s32 @!p0 $0x0;
	(pc) =	sbr.rel .LBB1_1-.Ltmp0, $4  }
0xa: {  	s11 =	simm.s32 $0x0;
	s3 =	rddreg [dreg:$0x1];
	s5 =	sadd.s32 s4, s5  }
0xb: {  	_ =	strace $0x8000004A;
	s4 =	simm.s32 $0x1;
	s5 =	smul.u32 $0x32, s5  }
0xc: {  	s6 =	sadd.s32 $0x800, s6;
	s10 =	smov.u32 s2;
	[sflag:s4] =	ssyncpa.u1 $0x0  }
0xd: {  	p0 =	por $0x0, $0x0;
	[sflag:s7] =	ssyncpa.u1 $0x0;
	s7 =	sor.u32 $0x1, s5  }
.LBB1_4:
0xe: {  	s16 =	sshll.u32 s13, $0x3;
	s17 =	sand.u32 $0x78, s13  }
0xf: {  	s30 =	sand.u32 $0x7E00, s13;
	s12 =	sshll.u32 s12, $0xF;
	s16 =	sand.u32 $0xC00, s16  }
0x10: {  	[tilespmem:s15+$0x810 ss:$0x81] =	vst.msk $0xffff, v2;
	s31 =	sand.u32 $0x7, s13;
	s16 =	sor.u32 s17, s16;
	s17 =	sadd.s32 s3, s30  }
0x11: {  	[tilespmem:s15+$0x1020 ss:$0x81] =	vst.msk $0xffff, v0;
	s13 =	sshll.u32 s31, $0x12;
	s12 =	sadd.s32 s12, s17;
	s16 =	sshrl.u32 s16, $0x3  }
0x12: {  	[tilespmem:s15+$0x0 ss:$0x81] =	vst.msk $0xffff, v1;
	s13 =	sor.u32 $0x400, s13;
	s12 =	sadd.s32 s16, s12  }
0x13: {  	[hbm4b:s12+s13] =	stream.strided.scatter [tilespmem:s14], [sflag:$0x2], $0x2000, s8, s13, $0x20;
	[tilespmem:$0x8080] =	vst v63  }
.LBB1_5:
0x14: {  	s14 =	sadd.s32 $0x1, s9  }
0x15: {  	s12 =	sadd.s32 $0x1000, s10;
	s16 =	smov.u32 s10;
	p2 =	sgt.s32 s14, $0x31  }
0x16: {  	s16 =	smov.u32 @p2 s12  }
0x17: {  	s14 =	simm.s32 @p2 $0x0;
	p2 =	sgt.s32 s16, $0xFFF  }
0x18: {  	s16 =	smov.u32 @p2 s2;
	p2 =	sne.s32 s11, s7  }
.Ltmp1:
0x19: {  	p1 =	slt.u32 s11, $0x2;
	(pc) =	sbr.rel @!p2 .LBB1_6-.Ltmp1, $4  }
0x1a: {  	s15 =	simm.s32 @!p1 $0x2  }
0x1b: {  	s13 =	smov.u32 s10;
	p0 =	por !p0, !p0;
	_ =	swait.ge @!p1 [sflag:s15], $0x2000  }
0x1c: {  	s12 =	smov.u32 s9;
	[sflag:s15] =	ssyncset.done @!p1 $0x0;
	s9 =	smov.u32 s14  }
0x1d: {  	s11 =	sadd.s32 $0x1, s11;
	[sflag:s15] =	ssyncadd.s32 @!p1 $0xFFFFE000;
	s10 =	smov.u32 s16  }
.LBB1_1:
0x1e: {  	p1 =	sge.u32 s11, s5  }
0x1f: {  	s14 =	sand.u32 @!p1 $0x1FFFFFF, s9  }
0x20: {  	s15 =	smulhi.u32 @!p1 $0x4924925, s14;
	_ =	sdelay $0x1  }
0x21: {  	s15 =	smul.u32 @!p1 $0x38, s15  }
0x22: {  	s16 =	sxor.u32 @!p1 $0xFFFFFFFF, s11;
	s17 =	smul.u32 @!p1 $0x380, s10  }
0x23: {  	s31 =	sadd.s32 $0xFFFFFFFF, s11;
	s16 =	sshll.u32 @!p1 s16, $0xD;
	s14 =	ssub.s32 @!p1 s14, s15  }
0x24: {  	s15 =	sand.u32 @!p1 $0x2000, s16;
	s16 =	sadd.s32 @!p1 s6, s17;
	s14 =	sshll.u32 @!p1 s14, $0x4  }
0x25: {  	s17 =	simm.s32 @!p1 $0x1C00;
	s14 =	sadd.s32 @!p1 s14, s16;
	s16 =	simm.s32 @!p1 $0x40  }
0x26: {  	[tilespmem:s15], [sflag:$0x1] =	stream.strided.gather @!p1 [hbm4b:s14+s16], $0x2000, s17, s16, $0x38;
	[tilespmem:$0x8080] =	vst v63  }
0x27: {  	p1 =	sge.u32 s31, s5  }
.Ltmp2:
0x28: {  	_ = 	snop;
	(pc) =	sbr.rel @p1 .LBB1_5-.Ltmp2, $1  }
0x29: {  	_ =	sdelay $0x3  }
0x2a: {  	s14 =	simm.s32 $0x1  }
0x2b: {  	_ =	swait.ge [sflag:s4], $0x2000;
	s14 =	simm.s32 @!p0 $0x0  }
0x2c: {  	[sflag:s4] =	ssyncset.done $0x0;
	s15 =	sshll.u32 s14, $0xD  }
0x2d: {  	[sflag:s4] =	ssyncadd.s32 $0xFFFFE000;
	s18 =	sor.u32 $0x20, s15  }
0x2e: {  	s14 =	smul.u32 $0x8100, s14;
	v3 =	vld [tilespmem:s18+$0x10]  }
0x2f: {  	s30 =	sand.u32 $0x1, s11;
	v2 =	vld [tilespmem:s18+$0xFFFFFFF0]  }
0x30: {  	s15 =	smul.u32 $0x8100, s30;
	s14 =	sshrl.u32 s14, $0x2;
	v0 =	vld [tilespmem:s18+$0x0]  }
0x31: {  	v1 =	vld [tilespmem:s18+$0xFFFFFFE0];
	s16 =	sor.u32 $0x4000, s14  }
0x32: {  	s31 =	sshrl.u32 s15, $0x2;
	s15 =	sadd.s32 $0x0, s16  }
0x33: {  	s17 =	simm.s32 $0x4;
	s18 =	sadd.s32 $0x40, s18;
	s14 =	sor.u32 $0x4000, s31;
	[tilespmem:s15+$0x1830 ss:$0x81] =	vst.msk $0xffff, v3  }
.LBB1_3:
0x34: {  	v3 =	vld [tilespmem:s18+$0x10];
	p1 =	sne.s32 s17, $0x1FC;
	[tilespmem:s15+$0x810 ss:$0x81] =	vst.msk $0xffff, v2;
	s19 =	smov.u32 s17;
	s17 =	sadd.s32 $0x4, s17  }
.Ltmp3:
0x35: {  	v2 =	vld [tilespmem:s18+$0xFFFFFFF0];
	[tilespmem:s15+$0x1020 ss:$0x81] =	vst.msk $0xffff, v0;
	(pc) =	sbr.rel @p1 .LBB1_3-.Ltmp3, $4  }
0x36: {  	v0 =	vld [tilespmem:s18+$0x0];
	[tilespmem:s15+$0x0 ss:$0x81] =	vst.msk $0xffff, v1  }
0x37: {  	s15 =	sshra.s32 s19, $0x2;
	v1 =	vld [tilespmem:s18+$0xFFFFFFE0]  }
0x38: {  	s15 =	sadd.s32 s15, s16  }
0x39: {  	s18 =	sadd.s32 $0x40, s18;
	[tilespmem:s15+$0x1830 ss:$0x81] =	vst.msk $0xffff, v3  }
.Ltmp4:
0x3a: {  	_ = 	snop;
	(pc) =	sbr.rel .LBB1_4-.Ltmp4, $1  }
0x3b: {  	_ =	sdelay $0x3  }
.LBB1_6:
0x3c: {  	_ =	sfence.sel $0x180000  }
0x3d: {  	s2 =	simm.s32 $0x1;
	[bflag:$0x0] =	sbarrier.arrive $0xFFFF  }
0x3e: {  	s31 =	simm.s32 $0x2;
	[sflag:s2] =	ssyncpa.u1 $0x1  }
0x3f: {  	[sflag:s31] =	ssyncpa.u1 $0x1  }
0x40: {  	p0 =	sne.s32 s0, $0x0;
	_ =	strace $0x9000004A  }
0x41: {  	s0 =	sadd.s32 @!p0 $0x100000, s1;
	[bflag:$0x2] =	sbarrier.arrive $0xFFFF  }
0x42: {  	[sflag:s0] =	ssyncadd.tile.s32 @!p0 $0x1;
	_ =	shalt  }
.Lfunc_end1:
_tile_overlayer_lowered:
.L_overlay_start_2:
0x43: {  	(tag) =	ssettag $0x2  }
0x44: {  	s0 =	rddreg [dreg:$0x0];
	s2 =	stileid.u32  }
0x45: {  	s1 =	rddreg [dreg:$0x1];
	p0 =	sne.s32 s2, $0x0  }
0x46: {  	s3 =	rddreg [dreg:$0x2];
	[bflag:$0x3] =	sbarrier.arrive $0xFFFF;
	s2 =	simm.s32 @!p0 $0x1C01  }
0x47: {  	[timem:s3], [sflag:s2] =	dma.local @!p0 [hbm:s0], s1  }
0x48: {  	s0 =	simm.s32 @!p0 $0x1  }
0x49: {  	_ =	swait.ge @!p0 [sflag:s0], s1  }
0x4a: {  	s1 =	ssub.s32 @!p0 $0x0, s1;
	[sflag:s0] =	ssyncset.done @!p0 $0x0  }
0x4b: {  	[sflag:s0] =	ssyncadd.s32 @!p0 s1  }
0x4c: {  	[bflag:$0x3] =	sbarrier.arrive $0xFFFF  }
0x4d: {  	_ =	shalt  }

</sc_bundles>
